<compile_context>
chip_gen: v7x
topology: tpu7x:2x2x1
jax: 0.10.2.dev20260603
libtpu: 0.0.44.dev20260713+nightly
codegen_flags: <defaults>
</compile_context>

<pallas_src>
import functools

import jax
import jax.numpy as jnp
from jax.experimental import pallas as pl

_B = 4
_EPS = 1e-5


def _round_up(v, m):
    return (v + m - 1) // m * m


def _fps_kernel(n, m, nb, p_ref, out_ref):
    npad = p_ref.shape[1]
    mpad = out_ref.shape[1]
    pt = p_ref[...]
    x0 = pt[0:nb, :]
    x1 = pt[nb:2 * nb, :]
    x2 = pt[2 * nb:3 * nb, :]
    col = jax.lax.broadcasted_iota(jnp.int32, (nb, npad), 1)
    mcol = jax.lax.broadcasted_iota(jnp.int32, (nb, mpad), 1)
    valid = col < n

    def body(i, carry):
        dists, last, idxs = carry
        sel = col == last
        p0 = jnp.sum(jnp.where(sel, x0, 0.0), axis=1, keepdims=True)
        p1 = jnp.sum(jnp.where(sel, x1, 0.0), axis=1, keepdims=True)
        p2 = jnp.sum(jnp.where(sel, x2, 0.0), axis=1, keepdims=True)
        d = (x0 - p0) ** 2 + (x1 - p1) ** 2 + (x2 - p2) ** 2
        dists = jnp.minimum(dists, jnp.where(valid, d, -jnp.inf))
        mx = jnp.max(dists, axis=1, keepdims=True)
        nxt = jnp.min(jnp.where(dists == mx, col, npad), axis=1,
                      keepdims=True).astype(jnp.int32)
        idxs = jnp.where(mcol == i + 1, nxt, idxs)
        return dists, nxt, idxs

    dists0 = jnp.where(valid, jnp.inf, -jnp.inf)
    last0 = jnp.zeros((nb, 1), jnp.int32)
    idxs0 = jnp.zeros((nb, mpad), jnp.int32)
    _, _, idxs = jax.lax.fori_loop(0, m - 1, body, (dists0, last0, idxs0))
    out_ref[...] = idxs


def _fps_pallas(pos_b, m):
    nb, n, _ = pos_b.shape
    npad = _round_up(n, 128)
    mpad = _round_up(m, 128)
    p = jnp.moveaxis(pos_b, 2, 0).reshape(3 * nb, n)
    p = jnp.pad(p, ((0, 0), (0, npad - n)))
    out = pl.pallas_call(
        functools.partial(_fps_kernel, n, m, nb),
        out_shape=jax.ShapeDtypeStruct((nb, mpad), jnp.int32),
    )(p)
    return out[:, :m]


def _mlp_kernel(nlayers, acts, x_ref, *refs):
    out_ref = refs[-1]
    h = x_ref[...]
    for i in range(nlayers):
        w = refs[2 * i][...]
        b = refs[2 * i + 1][...]
        h = jnp.dot(h, w, preferred_element_type=jnp.float32) + b
        a = acts[i]
        if a == 'sigmoid':
            h = jax.nn.sigmoid(h)
        elif a == 'relu':
            h = jax.nn.relu(h)
    out_ref[...] = h


def _mlp_pallas(x, ws, bs, acts, tile=1024):
    rows, c0 = x.shape
    nl = len(ws)
    dims = [c0] + [w.shape[1] for w in ws]
    pdims = [_round_up(c, 128) for c in dims]
    rp = _round_up(rows, tile)
    xp = jnp.zeros((rp, pdims[0]), jnp.float32).at[:rows, :c0].set(x)
    ops = [xp]
    in_specs = [pl.BlockSpec((tile, pdims[0]), lambda i: (i, 0))]
    for li in range(nl):
        wp = jnp.zeros((pdims[li], pdims[li + 1]), jnp.float32)
        wp = wp.at[:dims[li], :dims[li + 1]].set(ws[li])
        bp = jnp.zeros((1, pdims[li + 1]), jnp.float32)
        bp = bp.at[:, :dims[li + 1]].set(bs[li])
        ops += [wp, bp]
        in_specs.append(pl.BlockSpec(wp.shape, lambda i: (0, 0)))
        in_specs.append(pl.BlockSpec(bp.shape, lambda i: (0, 0)))
    out = pl.pallas_call(
        functools.partial(_mlp_kernel, nl, tuple(acts)),
        grid=(rp // tile,),
        in_specs=in_specs,
        out_specs=pl.BlockSpec((tile, pdims[-1]), lambda i: (i, 0)),
        out_shape=jax.ShapeDtypeStruct((rp, pdims[-1]), jnp.float32),
    )(*ops)
    return out[:rows, :dims[-1]]


def _fold_chain(layers, hidden_act, last_act='none'):
    ws, bs, acts = [], [], []
    nl = len(layers)
    inv = 1.0 / jnp.sqrt(1.0 + _EPS)
    for i, p in enumerate(layers):
        if 'g' in p:
            sc = inv * p['g']
            ws.append(p['W'] * sc[None, :])
            bs.append(p['b'] * sc + p['bt'])
        else:
            ws.append(p['W'])
            bs.append(p['b'])
        acts.append(hidden_act if i < nl - 1 else last_act)
    return ws, bs, acts


def _radius(pos_x, pos_y, r, max_n):
    d2 = (jnp.sum(pos_y * pos_y, -1)[:, None]
          + jnp.sum(pos_x * pos_x, -1)[None, :]
          - 2.0 * pos_y @ pos_x.T)
    n = pos_x.shape[0]
    score = jnp.where(d2 <= r * r, jnp.arange(n, dtype=jnp.int32)[None, :], n)
    neg, _ = jax.lax.top_k(-score, max_n)
    sc = -neg
    valid = sc < n
    return jnp.where(valid, sc, 0), valid


def _sa(xg, posg, r, m, ws, bs, acts):
    nb, n, dch = xg.shape
    idx = _fps_pallas(posg, m)
    posy = jnp.take_along_axis(posg, idx[..., None], axis=1)
    nbr, valid = jax.vmap(lambda px, py: _radius(px, py, r, 32))(posg, posy)
    nf = nbr.reshape(nb, m * 32, 1)
    fx = jnp.take_along_axis(xg, nf, axis=1).reshape(nb, m, 32, dch)
    fp = jnp.take_along_axis(posg, nf, axis=1).reshape(nb, m, 32, 3)
    fp = fp - posy[:, :, None, :]
    feat = jnp.concatenate([fx, fp], -1)
    msg = _mlp_pallas(feat.reshape(-1, dch + 3), ws, bs, acts)
    msg = msg.reshape(nb, m, 32, -1)
    msg = jnp.where(valid[..., None], msg, -jnp.inf)
    out = jnp.max(msg, axis=2)
    out = jnp.where(jnp.any(valid, axis=2)[..., None], out, 0.0)
    return jax.nn.relu(out), posy


def _up(xl, posl, xf, posf, cw, cb, ca, uw, ub, ua):
    nb, m, cl = xl.shape
    nf = posf.shape[1]
    d2 = (jnp.sum(posl * posl, -1)[:, :, None]
          + jnp.sum(posf * posf, -1)[:, None, :]
          - 2.0 * jnp.einsum('bmc,bnc->bmn', posl, posf))
    _, nbr = jax.lax.top_k(-d2, 64)
    pn = jnp.take_along_axis(posf, nbr.reshape(nb, m * 64, 1), axis=1)
    pn = pn.reshape(nb, m, 64, 3)
    feat = jnp.concatenate(
        [jnp.broadcast_to(xl[:, :, None, :], (nb, m, 64, cl)),
         posl[:, :, None, :] - pn], -1)
    feat_s = jnp.concatenate([xl, posl - posf[:, :m]], -1)
    allrows = jnp.concatenate(
        [feat.reshape(-1, cl + 3), feat_s.reshape(-1, cl + 3)], 0)
    allmsg = _mlp_pallas(allrows, cw, cb, ca)
    f = allmsg.shape[-1]
    msg = allmsg[:nb * m * 64].reshape(nb, m, 64, f)
    msg_s = allmsg[nb * m * 64:].reshape(nb, m, f)
    out0 = jnp.full((nf, f), -jnp.inf, jnp.float32)

    def scat(nbi, ms, mss):
        o = out0.at[nbi.reshape(-1)].max(ms.reshape(-1, f))
        return o.at[jnp.arange(m)].max(mss)

    out = jax.vmap(scat)(nbr, msg, msg_s)
    out = jnp.where(jnp.isneginf(out), 0.0, out)
    xc = jnp.concatenate([out, xf], -1)
    h = _mlp_pallas(xc.reshape(-1, xc.shape[-1]), uw, ub, ua)
    return h.reshape(nb, nf, -1)


def kernel(x, pos, batch, params):
    n_total = pos.shape[0]
    n = n_total // _B
    xg = x.reshape(_B, n, -1)
    posg = pos.reshape(_B, n, 3)
    m1, m2 = n // 4, n // 16

    sa0 = _fold_chain(params['sa'][0], 'sigmoid')
    sa1 = _fold_chain(params['sa'][1], 'sigmoid')
    dec0 = _fold_chain(params['dec'][0], 'sigmoid')
    dec1 = _fold_chain(params['dec'][1], 'sigmoid')
    up0 = _fold_chain([params['up'][0]], 'relu', last_act='relu')
    up1 = _fold_chain([params['up'][1]], 'relu', last_act='relu')
    fc = _fold_chain(params['fc'], 'relu', last_act='sigmoid')

    x1, pos1 = _sa(xg, posg, 1.0, m1, *sa0)
    x2, pos2 = _sa(x1, pos1, 2.0, m2, *sa1)
    u1 = _up(x2, pos2, x1, pos1, *dec0, *up0)
    u0 = _up(u1, pos1, xg, posg, *dec1, *up1)
    out = _mlp_pallas(u0.reshape(n_total, -1), *fc)
    return (out, pos, batch)

# --- scband reference (transcript-rebuilt; emitter-appended) ---
"""Pipeline reference for scband-segmentation-model-58600533786805 (READ-ONLY COPY).

The authoritative reference and input builder live on the scoring server;
editing this copy changes nothing except your own understanding.
"""

import jax, jax.numpy as jnp
import numpy as np

B = 4
EPS = 1e-5

def xavier(key, cin, cout):
    lim = (6.0 / (cin + cout)) ** 0.5
    return jax.random.uniform(key, (cin, cout), jnp.float32, -lim, lim)

def init_mlp(key, channels):
    layers = []
    for i in range(len(channels) - 1):
        key, k1 = jax.random.split(key)
        p = {'W': xavier(k1, channels[i], channels[i + 1]), 'b': jnp.zeros((channels[i + 1],), jnp.float32)}
        if i < len(channels) - 2:
            p['g'] = jnp.ones((channels[i + 1],), jnp.float32)
            p['bt'] = jnp.zeros((channels[i + 1],), jnp.float32)
        layers.append(p)
    return layers

def mlp_apply(layers, x, act):
    L = len(layers)
    for i, p in enumerate(layers):
        x = x @ p['W'] + p['b']
        if i < L - 1:
            x = x / jnp.sqrt(1.0 + EPS) * p['g'] + p['bt']
            x = act(x)
    return x

def fps(pos, m):
    n = pos.shape[0]
    def body(carry, _):
        dists, last = carry
        d = jnp.sum((pos - pos[last]) ** 2, -1)
        dists = jnp.minimum(dists, d)
        nxt = jnp.argmax(dists).astype(jnp.int32)
        return (dists, nxt), nxt
    (_, _), sel = jax.lax.scan(body, (jnp.full((n,), jnp.inf, jnp.float32), jnp.int32(0)), None, length=m - 1)
    return jnp.concatenate([jnp.zeros((1,), jnp.int32), sel])

def radius_nbr(pos_x, pos_y, r, max_n):
    d2 = jnp.sum((pos_y[:, None, :] - pos_x[None, :, :]) ** 2, -1)
    mask = d2 <= r * r
    n = pos_x.shape[0]
    score = jnp.where(mask, jnp.arange(n)[None, :], n)
    score = jnp.sort(score, axis=1)[:, :max_n]
    valid = score < n
    nbr = jnp.where(valid, score, 0)
    return nbr, valid

def sa_level(x, pos, r, m, mlp_p):
    idx = fps(pos, m)
    pos_y = pos[idx]
    nbr, valid = radius_nbr(pos, pos_y, r, 32)
    feat = jnp.concatenate([x[nbr], pos[nbr] - pos_y[:, None, :]], -1)
    msg = mlp_apply(mlp_p, feat, jax.nn.sigmoid)
    msg = jnp.where(valid[..., None], msg, -jnp.inf)
    out = jnp.max(msg, axis=1)
    out = jnp.where(jnp.any(valid, axis=1)[:, None], out, 0.0)
    return jax.nn.relu(out), pos_y

def up_level(xl, posl, xf, posf, conv_p, up_p):
    m = posl.shape[0]
    nf = posf.shape[0]
    d2 = jnp.sum((posl[:, None, :] - posf[None, :, :]) ** 2, -1)
    _, nbr = jax.lax.top_k(-d2, 64)
    feat = jnp.concatenate([jnp.broadcast_to(xl[:, None, :], (m, 64, xl.shape[1])), posl[:, None, :] - posf[nbr]], -1)
    msg = mlp_apply(conv_p, feat, jax.nn.sigmoid)
    f = msg.shape[-1]
    feat_s = jnp.concatenate([xl, posl - posf[:m]], -1)
    msg_s = mlp_apply(conv_p, feat_s, jax.nn.sigmoid)
    out = jnp.full((nf, f), -jnp.inf, jnp.float32)
    out = out.at[nbr.reshape(-1)].max(msg.reshape(-1, f))
    out = out.at[jnp.arange(m)].max(msg_s)
    out = jnp.where(jnp.isneginf(out), 0.0, out)
    xc = jnp.concatenate([out, xf], 1)
    h = xc @ up_p['W'] + up_p['b']
    h = h / jnp.sqrt(1.0 + EPS) * up_p['g'] + up_p['bt']
    return jax.nn.relu(h)

def model_forward(x, pos, params):
    N = pos.shape[0]
    n = N // B
    xg = x.reshape(B, n, -1)
    posg = pos.reshape(B, n, 3)
    m1 = n // 4
    m2 = m1 // 4
    x1, pos1 = jax.vmap(lambda xx, pp: sa_level(xx, pp, 1.0, m1, params['sa'][0]))(xg, posg)
    x2, pos2 = jax.vmap(lambda xx, pp: sa_level(xx, pp, 2.0, m2, params['sa'][1]))(x1, pos1)
    u1 = jax.vmap(lambda a, b, c, d: up_level(a, b, c, d, params['dec'][0], params['up'][0]))(x2, pos2, x1, pos1)
    u0 = jax.vmap(lambda a, b, c, d: up_level(a, b, c, d, params['dec'][1], params['up'][1]))(u1, pos1, xg, posg)
    xl = u0.reshape(N, -1)
    out = mlp_apply(params['fc'], xl, jax.nn.relu)
    return jax.nn.sigmoid(out)

def setup_inputs(seed: int = 0) -> dict:
    key = jax.random.key(seed)
    k1, k2, k3, k4, k5, k6, k7, k8, k9 = jax.random.split(key, 9)
    N = 10000
    d = 128
    x = jax.random.normal(k1, (N, d), jnp.float32)
    pos = jax.random.normal(k2, (N, 3), jnp.float32) * 3.0
    batch = jnp.repeat(jnp.arange(B, dtype=jnp.int32), N // B)
    params = {
        'sa': [init_mlp(k3, [d + 3, 16, 16, 32]), init_mlp(k4, [35, 32, 32, 64])],
        'dec': [init_mlp(k5, [67, 64, 64, 32]), init_mlp(k6, [35, 32, 32, d])],
        'up': [
            {'W': xavier(k7, 64, 32), 'b': jnp.zeros((32,), jnp.float32), 'g': jnp.ones((32,), jnp.float32), 'bt': jnp.zeros((32,), jnp.float32)},
            {'W': xavier(k8, 2 * d, d), 'b': jnp.zeros((d,), jnp.float32), 'g': jnp.ones((d,), jnp.float32), 'bt': jnp.zeros((d,), jnp.float32)},
        ],
        'fc': init_mlp(k9, [d, d, d, 1]),
    }
    return {'x': x, 'pos': pos, 'batch': batch, 'params': params}

def reference(x, pos, batch, params):
    out = model_forward(x, pos, params)
    return (out, pos, batch)

if __name__ == "__main__":
    import jax
    _d = setup_inputs()
    print(jax.jit(kernel)(*tuple(_d.values())))

</pallas_src>

<mosaic_0001>
module attributes {stable_mosaic.version = 14 : i64} {
  func.func @_fps_kernel(%arg0: memref<12x2560xf32, #tpu.memory_space<vmem>>, %arg1: memref<4x640xi32, #tpu.memory_space<vmem>>) attributes {dimension_semantics = [], scalar_prefetch = 0 : i64, scratch_operands = 0 : i64, tpu.core_type = #tpu.core_type<tc>} {
    %get3A = arith.constant 0 : index
    %get3A_0 = arith.constant 0 : index
    %get3A_1 = vector.load %arg0[%get3A, %get3A_0] : memref<12x2560xf32, #tpu.memory_space<vmem>>, vector<12x2560xf32>
    %slice3A = vector.extract_strided_slice %get3A_1 {offsets = [0, 0], sizes = [4, 2560], strides = [1, 1]} : vector<12x2560xf32> to vector<4x2560xf32>
    %slice3A_2 = vector.extract_strided_slice %get3A_1 {offsets = [4, 0], sizes = [4, 2560], strides = [1, 1]} : vector<12x2560xf32> to vector<4x2560xf32>
    %slice3A_3 = vector.extract_strided_slice %get3A_1 {offsets = [8, 0], sizes = [4, 2560], strides = [1, 1]} : vector<12x2560xf32> to vector<4x2560xf32>
    %iota3A = tpu.iota {dimensions = array<i32: 1>} : vector<4x2560xi32>
    %iota3A_4 = tpu.iota {dimensions = array<i32: 1>} : vector<4x640xi32>
    %lt3A = arith.constant 2500 : i32
    %lt3A_5 = vector.broadcast %lt3A : i32 to vector<4x2560xi32>
    %lt3A_6 = arith.cmpi slt, %iota3A, %lt3A_5 : vector<4x2560xi32>
    %jit3A = arith.constant 0x7F800000 : f32
    %jit3A_7 = arith.constant 0xFF800000 : f32
    %broadcast_in_dim3A = vector.broadcast %jit3A : f32 to vector<4x2560xf32>
    %broadcast_in_dim3A_8 = vector.broadcast %jit3A_7 : f32 to vector<4x2560xf32>
    %select_n3A = arith.select %lt3A_6, %broadcast_in_dim3A, %broadcast_in_dim3A_8 : vector<4x2560xi1>, vector<4x2560xf32>
    %broadcast_in_dim3A_9 = arith.constant 0 : i32
    %broadcast_in_dim3A_10 = vector.broadcast %broadcast_in_dim3A_9 : i32 to vector<4x1xi32>
    %broadcast_in_dim3A_11 = arith.constant 0 : i32
    %broadcast_in_dim3A_12 = vector.broadcast %broadcast_in_dim3A_11 : i32 to vector<4x640xi32>
    %scan3A = arith.constant 0 : i32
    %scan3A_13 = arith.constant 624 : i32
    %scan3A_14 = arith.addi %scan3A, %scan3A_13 : i32
    %scan3A_15 = arith.constant 1 : i32
    %scan3A_16:3 = scf.for %scan3A_20 = %scan3A to %scan3A_14 step %scan3A_15 iter_args(%scan3A_21 = %select_n3A, %scan3A_22 = %broadcast_in_dim3A_10, %scan3A_23 = %broadcast_in_dim3A_12) -> (vector<4x2560xf32>, vector<4x1xi32>, vector<4x640xi32>)  : i32 {
      %eq3A = vector.broadcast %scan3A_22 : vector<4x1xi32> to vector<4x2560xi32>
      %eq3A_24 = arith.cmpi eq, %iota3A, %eq3A : vector<4x2560xi32>
      %jit3A_25 = arith.constant 0.000000e+00 : f32
      %broadcast_in_dim3A_26 = vector.broadcast %jit3A_25 : f32 to vector<4x2560xf32>
      %select_n3A_27 = arith.select %eq3A_24, %slice3A, %broadcast_in_dim3A_26 : vector<4x2560xi1>, vector<4x2560xf32>
      %reduce_sum3A = arith.constant dense<0.000000e+00> : vector<4xf32>
      %reduce_sum3A_28 = vector.multi_reduction <add>, %select_n3A_27, %reduce_sum3A [1] : vector<4x2560xf32> to vector<4xf32>
      %broadcast_in_dim3A_29 = vector.shape_cast %reduce_sum3A_28 : vector<4xf32> to vector<4x1xf32>
      %jit3A_30 = arith.constant 0.000000e+00 : f32
      %broadcast_in_dim3A_31 = vector.broadcast %jit3A_30 : f32 to vector<4x2560xf32>
      %select_n3A_32 = arith.select %eq3A_24, %slice3A_2, %broadcast_in_dim3A_31 : vector<4x2560xi1>, vector<4x2560xf32>
      %reduce_sum3A_33 = arith.constant dense<0.000000e+00> : vector<4xf32>
      %reduce_sum3A_34 = vector.multi_reduction <add>, %select_n3A_32, %reduce_sum3A_33 [1] : vector<4x2560xf32> to vector<4xf32>
      %broadcast_in_dim3A_35 = vector.shape_cast %reduce_sum3A_34 : vector<4xf32> to vector<4x1xf32>
      %jit3A_36 = arith.constant 0.000000e+00 : f32
      %broadcast_in_dim3A_37 = vector.broadcast %jit3A_36 : f32 to vector<4x2560xf32>
      %select_n3A_38 = arith.select %eq3A_24, %slice3A_3, %broadcast_in_dim3A_37 : vector<4x2560xi1>, vector<4x2560xf32>
      %reduce_sum3A_39 = arith.constant dense<0.000000e+00> : vector<4xf32>
      %reduce_sum3A_40 = vector.multi_reduction <add>, %select_n3A_38, %reduce_sum3A_39 [1] : vector<4x2560xf32> to vector<4xf32>
      %broadcast_in_dim3A_41 = vector.shape_cast %reduce_sum3A_40 : vector<4xf32> to vector<4x1xf32>
      %sub3A = vector.broadcast %broadcast_in_dim3A_29 : vector<4x1xf32> to vector<4x2560xf32>
      %sub3A_42 = arith.subf %slice3A, %sub3A : vector<4x2560xf32>
      %integer_pow3A = arith.mulf %sub3A_42, %sub3A_42 : vector<4x2560xf32>
      %sub3A_43 = vector.broadcast %broadcast_in_dim3A_35 : vector<4x1xf32> to vector<4x2560xf32>
      %sub3A_44 = arith.subf %slice3A_2, %sub3A_43 : vector<4x2560xf32>
      %integer_pow3A_45 = arith.mulf %sub3A_44, %sub3A_44 : vector<4x2560xf32>
      %add3A = arith.addf %integer_pow3A, %integer_pow3A_45 : vector<4x2560xf32>
      %sub3A_46 = vector.broadcast %broadcast_in_dim3A_41 : vector<4x1xf32> to vector<4x2560xf32>
      %sub3A_47 = arith.subf %slice3A_3, %sub3A_46 : vector<4x2560xf32>
      %integer_pow3A_48 = arith.mulf %sub3A_47, %sub3A_47 : vector<4x2560xf32>
      %add3A_49 = arith.addf %add3A, %integer_pow3A_48 : vector<4x2560xf32>
      %jit3A_50 = arith.constant 0xFF800000 : f32
      %broadcast_in_dim3A_51 = vector.broadcast %jit3A_50 : f32 to vector<4x2560xf32>
      %select_n3A_52 = arith.select %lt3A_6, %add3A_49, %broadcast_in_dim3A_51 : vector<4x2560xi1>, vector<4x2560xf32>
      %min3A = arith.minimumf %scan3A_21, %select_n3A_52 : vector<4x2560xf32>
      %reduce_max3A = arith.constant dense<0xFF800000> : vector<4xf32>
      %reduce_max3A_53 = vector.multi_reduction <maximumf>, %min3A, %reduce_max3A [1] : vector<4x2560xf32> to vector<4xf32>
      %broadcast_in_dim3A_54 = vector.shape_cast %reduce_max3A_53 : vector<4xf32> to vector<4x1xf32>
      %eq3A_55 = vector.broadcast %broadcast_in_dim3A_54 : vector<4x1xf32> to vector<4x2560xf32>
      %eq3A_56 = arith.cmpf oeq, %min3A, %eq3A_55 : vector<4x2560xf32>
      %jit3A_57 = arith.constant 2560 : i32
      %broadcast_in_dim3A_58 = vector.broadcast %jit3A_57 : i32 to vector<4x2560xi32>
      %select_n3A_59 = arith.select %eq3A_56, %iota3A, %broadcast_in_dim3A_58 : vector<4x2560xi1>, vector<4x2560xi32>
      %reduce_min3A = arith.constant dense<2147483647> : vector<4xi32>
      %reduce_min3A_60 = vector.multi_reduction <minsi>, %select_n3A_59, %reduce_min3A [1] : vector<4x2560xi32> to vector<4xi32>
      %broadcast_in_dim3A_61 = vector.shape_cast %reduce_min3A_60 : vector<4xi32> to vector<4x1xi32>
      %add3A_62 = arith.constant 1 : i32
      %add3A_63 = arith.addi %scan3A_20, %add3A_62 : i32
      %eq3A_64 = vector.broadcast %add3A_63 : i32 to vector<4x640xi32>
      %eq3A_65 = arith.cmpi eq, %iota3A_4, %eq3A_64 : vector<4x640xi32>
      %broadcast_in_dim3A_66 = vector.shape_cast %broadcast_in_dim3A_61 : vector<4x1xi32> to vector<4x1xi32>
      %broadcast_in_dim3A_67 = vector.broadcast %broadcast_in_dim3A_66 : vector<4x1xi32> to vector<4x640xi32>
      %select_n3A_68 = arith.select %eq3A_65, %broadcast_in_dim3A_67, %scan3A_23 : vector<4x640xi1>, vector<4x640xi32>
      scf.yield %min3A, %broadcast_in_dim3A_61, %select_n3A_68 : vector<4x2560xf32>, vector<4x1xi32>, vector<4x640xi32>
    }
    %scan3A_17 = arith.constant 624 : i32
    %swap3A = arith.constant 0 : index
    %swap3A_18 = arith.constant 0 : index
    %swap3A_19 = vector.load %arg1[%swap3A, %swap3A_18] : memref<4x640xi32, #tpu.memory_space<vmem>>, vector<4x640xi32>
    tpu.vector_store %arg1[%swap3A, %swap3A_18], %scan3A_16#2 {strides = array<i32>} : memref<4x640xi32, #tpu.memory_space<vmem>>, vector<4x640xi32>,
    return
  }
}

module attributes {stable_mosaic.version = 14 : i64} {
  func.func @_fps_kernel(%arg0: memref<12x640xf32, #tpu.memory_space<vmem>>, %arg1: memref<4x256xi32, #tpu.memory_space<vmem>>) attributes {dimension_semantics = [], scalar_prefetch = 0 : i64, scratch_operands = 0 : i64, tpu.core_type = #tpu.core_type<tc>} {
    %get3A = arith.constant 0 : index
    %get3A_0 = arith.constant 0 : index
    %get3A_1 = vector.load %arg0[%get3A, %get3A_0] : memref<12x640xf32, #tpu.memory_space<vmem>>, vector<12x640xf32>
    %slice3A = vector.extract_strided_slice %get3A_1 {offsets = [0, 0], sizes = [4, 640], strides = [1, 1]} : vector<12x640xf32> to vector<4x640xf32>
    %slice3A_2 = vector.extract_strided_slice %get3A_1 {offsets = [4, 0], sizes = [4, 640], strides = [1, 1]} : vector<12x640xf32> to vector<4x640xf32>
    %slice3A_3 = vector.extract_strided_slice %get3A_1 {offsets = [8, 0], sizes = [4, 640], strides = [1, 1]} : vector<12x640xf32> to vector<4x640xf32>
    %iota3A = tpu.iota {dimensions = array<i32: 1>} : vector<4x640xi32>
    %iota3A_4 = tpu.iota {dimensions = array<i32: 1>} : vector<4x256xi32>
    %lt3A = arith.constant 625 : i32
    %lt3A_5 = vector.broadcast %lt3A : i32 to vector<4x640xi32>
    %lt3A_6 = arith.cmpi slt, %iota3A, %lt3A_5 : vector<4x640xi32>
    %jit3A = arith.constant 0x7F800000 : f32
    %jit3A_7 = arith.constant 0xFF800000 : f32
    %broadcast_in_dim3A = vector.broadcast %jit3A : f32 to vector<4x640xf32>
    %broadcast_in_dim3A_8 = vector.broadcast %jit3A_7 : f32 to vector<4x640xf32>
    %select_n3A = arith.select %lt3A_6, %broadcast_in_dim3A, %broadcast_in_dim3A_8 : vector<4x640xi1>, vector<4x640xf32>
    %broadcast_in_dim3A_9 = arith.constant 0 : i32
    %broadcast_in_dim3A_10 = vector.broadcast %broadcast_in_dim3A_9 : i32 to vector<4x1xi32>
    %broadcast_in_dim3A_11 = arith.constant 0 : i32
    %broadcast_in_dim3A_12 = vector.broadcast %broadcast_in_dim3A_11 : i32 to vector<4x256xi32>
    %scan3A = arith.constant 0 : i32
    %scan3A_13 = arith.constant 155 : i32
    %scan3A_14 = arith.addi %scan3A, %scan3A_13 : i32
    %scan3A_15 = arith.constant 1 : i32
    %scan3A_16:3 = scf.for %scan3A_20 = %scan3A to %scan3A_14 step %scan3A_15 iter_args(%scan3A_21 = %select_n3A, %scan3A_22 = %broadcast_in_dim3A_10, %scan3A_23 = %broadcast_in_dim3A_12) -> (vector<4x640xf32>, vector<4x1xi32>, vector<4x256xi32>)  : i32 {
      %eq3A = vector.broadcast %scan3A_22 : vector<4x1xi32> to vector<4x640xi32>
      %eq3A_24 = arith.cmpi eq, %iota3A, %eq3A : vector<4x640xi32>
      %jit3A_25 = arith.constant 0.000000e+00 : f32
      %broadcast_in_dim3A_26 = vector.broadcast %jit3A_25 : f32 to vector<4x640xf32>
      %select_n3A_27 = arith.select %eq3A_24, %slice3A, %broadcast_in_dim3A_26 : vector<4x640xi1>, vector<4x640xf32>
      %reduce_sum3A = arith.constant dense<0.000000e+00> : vector<4xf32>
      %reduce_sum3A_28 = vector.multi_reduction <add>, %select_n3A_27, %reduce_sum3A [1] : vector<4x640xf32> to vector<4xf32>
      %broadcast_in_dim3A_29 = vector.shape_cast %reduce_sum3A_28 : vector<4xf32> to vector<4x1xf32>
      %jit3A_30 = arith.constant 0.000000e+00 : f32
      %broadcast_in_dim3A_31 = vector.broadcast %jit3A_30 : f32 to vector<4x640xf32>
      %select_n3A_32 = arith.select %eq3A_24, %slice3A_2, %broadcast_in_dim3A_31 : vector<4x640xi1>, vector<4x640xf32>
      %reduce_sum3A_33 = arith.constant dense<0.000000e+00> : vector<4xf32>
      %reduce_sum3A_34 = vector.multi_reduction <add>, %select_n3A_32, %reduce_sum3A_33 [1] : vector<4x640xf32> to vector<4xf32>
      %broadcast_in_dim3A_35 = vector.shape_cast %reduce_sum3A_34 : vector<4xf32> to vector<4x1xf32>
      %jit3A_36 = arith.constant 0.000000e+00 : f32
      %broadcast_in_dim3A_37 = vector.broadcast %jit3A_36 : f32 to vector<4x640xf32>
      %select_n3A_38 = arith.select %eq3A_24, %slice3A_3, %broadcast_in_dim3A_37 : vector<4x640xi1>, vector<4x640xf32>
      %reduce_sum3A_39 = arith.constant dense<0.000000e+00> : vector<4xf32>
      %reduce_sum3A_40 = vector.multi_reduction <add>, %select_n3A_38, %reduce_sum3A_39 [1] : vector<4x640xf32> to vector<4xf32>
      %broadcast_in_dim3A_41 = vector.shape_cast %reduce_sum3A_40 : vector<4xf32> to vector<4x1xf32>
      %sub3A = vector.broadcast %broadcast_in_dim3A_29 : vector<4x1xf32> to vector<4x640xf32>
      %sub3A_42 = arith.subf %slice3A, %sub3A : vector<4x640xf32>
      %integer_pow3A = arith.mulf %sub3A_42, %sub3A_42 : vector<4x640xf32>
      %sub3A_43 = vector.broadcast %broadcast_in_dim3A_35 : vector<4x1xf32> to vector<4x640xf32>
      %sub3A_44 = arith.subf %slice3A_2, %sub3A_43 : vector<4x640xf32>
      %integer_pow3A_45 = arith.mulf %sub3A_44, %sub3A_44 : vector<4x640xf32>
      %add3A = arith.addf %integer_pow3A, %integer_pow3A_45 : vector<4x640xf32>
      %sub3A_46 = vector.broadcast %broadcast_in_dim3A_41 : vector<4x1xf32> to vector<4x640xf32>
      %sub3A_47 = arith.subf %slice3A_3, %sub3A_46 : vector<4x640xf32>
      %integer_pow3A_48 = arith.mulf %sub3A_47, %sub3A_47 : vector<4x640xf32>
      %add3A_49 = arith.addf %add3A, %integer_pow3A_48 : vector<4x640xf32>
      %jit3A_50 = arith.constant 0xFF800000 : f32
      %broadcast_in_dim3A_51 = vector.broadcast %jit3A_50 : f32 to vector<4x640xf32>
      %select_n3A_52 = arith.select %lt3A_6, %add3A_49, %broadcast_in_dim3A_51 : vector<4x640xi1>, vector<4x640xf32>
      %min3A = arith.minimumf %scan3A_21, %select_n3A_52 : vector<4x640xf32>
      %reduce_max3A = arith.constant dense<0xFF800000> : vector<4xf32>
      %reduce_max3A_53 = vector.multi_reduction <maximumf>, %min3A, %reduce_max3A [1] : vector<4x640xf32> to vector<4xf32>
      %broadcast_in_dim3A_54 = vector.shape_cast %reduce_max3A_53 : vector<4xf32> to vector<4x1xf32>
      %eq3A_55 = vector.broadcast %broadcast_in_dim3A_54 : vector<4x1xf32> to vector<4x640xf32>
      %eq3A_56 = arith.cmpf oeq, %min3A, %eq3A_55 : vector<4x640xf32>
      %jit3A_57 = arith.constant 640 : i32
      %broadcast_in_dim3A_58 = vector.broadcast %jit3A_57 : i32 to vector<4x640xi32>
      %select_n3A_59 = arith.select %eq3A_56, %iota3A, %broadcast_in_dim3A_58 : vector<4x640xi1>, vector<4x640xi32>
      %reduce_min3A = arith.constant dense<2147483647> : vector<4xi32>
      %reduce_min3A_60 = vector.multi_reduction <minsi>, %select_n3A_59, %reduce_min3A [1] : vector<4x640xi32> to vector<4xi32>
      %broadcast_in_dim3A_61 = vector.shape_cast %reduce_min3A_60 : vector<4xi32> to vector<4x1xi32>
      %add3A_62 = arith.constant 1 : i32
      %add3A_63 = arith.addi %scan3A_20, %add3A_62 : i32
      %eq3A_64 = vector.broadcast %add3A_63 : i32 to vector<4x256xi32>
      %eq3A_65 = arith.cmpi eq, %iota3A_4, %eq3A_64 : vector<4x256xi32>
      %broadcast_in_dim3A_66 = vector.shape_cast %broadcast_in_dim3A_61 : vector<4x1xi32> to vector<4x1xi32>
      %broadcast_in_dim3A_67 = vector.broadcast %broadcast_in_dim3A_66 : vector<4x1xi32> to vector<4x256xi32>
      %select_n3A_68 = arith.select %eq3A_65, %broadcast_in_dim3A_67, %scan3A_23 : vector<4x256xi1>, vector<4x256xi32>
      scf.yield %min3A, %broadcast_in_dim3A_61, %select_n3A_68 : vector<4x640xf32>, vector<4x1xi32>, vector<4x256xi32>
    }
    %scan3A_17 = arith.constant 155 : i32
    %swap3A = arith.constant 0 : index
    %swap3A_18 = arith.constant 0 : index
    %swap3A_19 = vector.load %arg1[%swap3A, %swap3A_18] : memref<4x256xi32, #tpu.memory_space<vmem>>, vector<4x256xi32>
    tpu.vector_store %arg1[%swap3A, %swap3A_18], %scan3A_16#2 {strides = array<i32>} : memref<4x256xi32, #tpu.memory_space<vmem>>, vector<4x256xi32>,
    return
  }
}

module attributes {stable_mosaic.version = 14 : i64} {
  func.func @_mlp_kernel(%arg0: i32, %arg1: memref<1024x256xf32, #tpu.memory_space<vmem>>, %arg2: memref<256x128xf32, #tpu.memory_space<vmem>>, %arg3: memref<1x128xf32, #tpu.memory_space<vmem>>, %arg4: memref<128x128xf32, #tpu.memory_space<vmem>>, %arg5: memref<1x128xf32, #tpu.memory_space<vmem>>, %arg6: memref<128x128xf32, #tpu.memory_space<vmem>>, %arg7: memref<1x128xf32, #tpu.memory_space<vmem>>, %arg8: memref<1024x128xf32, #tpu.memory_space<vmem>>) attributes {dimension_semantics = [#tpu.dimension_semantics<arbitrary>], iteration_bounds = array<i64: 79>, scalar_prefetch = 0 : i64, scratch_operands = 0 : i64, tpu.core_type = #tpu.core_type<tc>, window_params = [{transform_indices = @transform_0, window_bounds = array<i64: 1024, 256>}, {pipeline_mode = #tpu.pipeline_mode<synchronous>, transform_indices = @transform_1, window_bounds = array<i64: 256, 128>}, {pipeline_mode = #tpu.pipeline_mode<synchronous>, transform_indices = @transform_2, window_bounds = array<i64: 1, 128>}, {pipeline_mode = #tpu.pipeline_mode<synchronous>, transform_indices = @transform_3, window_bounds = array<i64: 128, 128>}, {pipeline_mode = #tpu.pipeline_mode<synchronous>, transform_indices = @transform_4, window_bounds = array<i64: 1, 128>}, {pipeline_mode = #tpu.pipeline_mode<synchronous>, transform_indices = @transform_5, window_bounds = array<i64: 128, 128>}, {pipeline_mode = #tpu.pipeline_mode<synchronous>, transform_indices = @transform_6, window_bounds = array<i64: 1, 128>}, {transform_indices = @transform_7, window_bounds = array<i64: 1024, 128>}]} {
    %get3A = arith.constant 0 : index
    %get3A_0 = arith.constant 0 : index
    %get3A_1 = vector.load %arg1[%get3A, %get3A_0] : memref<1024x256xf32, #tpu.memory_space<vmem>>, vector<1024x256xf32>
    %get3A_2 = arith.constant 0 : index
    %get3A_3 = arith.constant 0 : index
    %get3A_4 = vector.load %arg2[%get3A_2, %get3A_3] : memref<256x128xf32, #tpu.memory_space<vmem>>, vector<256x128xf32>
    %get3A_5 = arith.constant 0 : index
    %get3A_6 = arith.constant 0 : index
    %get3A_7 = vector.load %arg3[%get3A_5, %get3A_6] : memref<1x128xf32, #tpu.memory_space<vmem>>, vector<1x128xf32>
    %dot_general3A = arith.constant dense<0.000000e+00> : vector<1024x128xf32>
    %dot_general3A_8 = tpu.matmul %get3A_1, %get3A_4, %dot_general3A {dimension_numbers = #tpu.dot_dimension_numbers<[1], [0], [0], [1], [0, 0, 1, 1], [], []>, transpose_lhs_hint = false} : vector<1024x256xf32>, vector<256x128xf32>, vector<1024x128xf32> -> vector<1024x128xf32>
    %add3A = vector.broadcast %get3A_7 : vector<1x128xf32> to vector<1024x128xf32>
    %add3A_9 = arith.addf %dot_general3A_8, %add3A : vector<1024x128xf32>
    %logistic3A = arith.negf %add3A_9 : vector<1024x128xf32>
    %logistic3A_10 = math.exp %logistic3A : vector<1024x128xf32>
    %logistic3A_11 = arith.constant 1.000000e+00 : f32
    %logistic3A_12 = vector.broadcast %logistic3A_11 : f32 to vector<1024x128xf32>
    %logistic3A_13 = arith.addf %logistic3A_12, %logistic3A_10 : vector<1024x128xf32>
    %logistic3A_14 = arith.divf %logistic3A_12, %logistic3A_13 : vector<1024x128xf32>
    %get3A_15 = arith.constant 0 : index
    %get3A_16 = arith.constant 0 : index
    %get3A_17 = vector.load %arg4[%get3A_15, %get3A_16] : memref<128x128xf32, #tpu.memory_space<vmem>>, vector<128x128xf32>
    %get3A_18 = arith.constant 0 : index
    %get3A_19 = arith.constant 0 : index
    %get3A_20 = vector.load %arg5[%get3A_18, %get3A_19] : memref<1x128xf32, #tpu.memory_space<vmem>>, vector<1x128xf32>
    %dot_general3A_21 = arith.constant dense<0.000000e+00> : vector<1024x128xf32>
    %dot_general3A_22 = tpu.matmul %logistic3A_14, %get3A_17, %dot_general3A_21 {dimension_numbers = #tpu.dot_dimension_numbers<[1], [0], [0], [1], [0, 0, 1, 1], [], []>, transpose_lhs_hint = false} : vector<1024x128xf32>, vector<128x128xf32>, vector<1024x128xf32> -> vector<1024x128xf32>
    %add3A_23 = vector.broadcast %get3A_20 : vector<1x128xf32> to vector<1024x128xf32>
    %add3A_24 = arith.addf %dot_general3A_22, %add3A_23 : vector<1024x128xf32>
    %logistic3A_25 = arith.negf %add3A_24 : vector<1024x128xf32>
    %logistic3A_26 = math.exp %logistic3A_25 : vector<1024x128xf32>
    %logistic3A_27 = arith.constant 1.000000e+00 : f32
    %logistic3A_28 = vector.broadcast %logistic3A_27 : f32 to vector<1024x128xf32>
    %logistic3A_29 = arith.addf %logistic3A_28, %logistic3A_26 : vector<1024x128xf32>
    %logistic3A_30 = arith.divf %logistic3A_28, %logistic3A_29 : vector<1024x128xf32>
    %get3A_31 = arith.constant 0 : index
    %get3A_32 = arith.constant 0 : index
    %get3A_33 = vector.load %arg6[%get3A_31, %get3A_32] : memref<128x128xf32, #tpu.memory_space<vmem>>, vector<128x128xf32>
    %get3A_34 = arith.constant 0 : index
    %get3A_35 = arith.constant 0 : index
    %get3A_36 = vector.load %arg7[%get3A_34, %get3A_35] : memref<1x128xf32, #tpu.memory_space<vmem>>, vector<1x128xf32>
    %dot_general3A_37 = arith.constant dense<0.000000e+00> : vector<1024x128xf32>
    %dot_general3A_38 = tpu.matmul %logistic3A_30, %get3A_33, %dot_general3A_37 {dimension_numbers = #tpu.dot_dimension_numbers<[1], [0], [0], [1], [0, 0, 1, 1], [], []>, transpose_lhs_hint = false} : vector<1024x128xf32>, vector<128x128xf32>, vector<1024x128xf32> -> vector<1024x128xf32>
    %add3A_39 = vector.broadcast %get3A_36 : vector<1x128xf32> to vector<1024x128xf32>
    %add3A_40 = arith.addf %dot_general3A_38, %add3A_39 : vector<1024x128xf32>
    %swap3A = arith.constant 0 : index
    %swap3A_41 = arith.constant 0 : index
    %swap3A_42 = vector.load %arg8[%swap3A, %swap3A_41] : memref<1024x128xf32, #tpu.memory_space<vmem>>, vector<1024x128xf32>
    tpu.vector_store %arg8[%swap3A, %swap3A_41], %add3A_40 {strides = array<i32>} : memref<1024x128xf32, #tpu.memory_space<vmem>>, vector<1024x128xf32>,
    return
  }
  func.func @transform_0(%arg0: i32) -> (i32, i32) {
    %c0_i32 = arith.constant 0 : i32
    %c0_i32_0 = arith.constant 0 : i32
    return %arg0, %c0_i32 : i32, i32
  }
  func.func @transform_1(%arg0: i32) -> (i32, i32) {
    %c0_i32 = arith.constant 0 : i32
    %c0_i32_0 = arith.constant 0 : i32
    %c0_i32_1 = arith.constant 0 : i32
    return %c0_i32, %c0_i32_0 : i32, i32
  }
  func.func @transform_2(%arg0: i32) -> (i32, i32) {
    %c0_i32 = arith.constant 0 : i32
    %c0_i32_0 = arith.constant 0 : i32
    %c0_i32_1 = arith.constant 0 : i32
    return %c0_i32, %c0_i32_0 : i32, i32
  }
  func.func @transform_3(%arg0: i32) -> (i32, i32) {
    %c0_i32 = arith.constant 0 : i32
    %c0_i32_0 = arith.constant 0 : i32
    %c0_i32_1 = arith.constant 0 : i32
    return %c0_i32, %c0_i32_0 : i32, i32
  }
  func.func @transform_4(%arg0: i32) -> (i32, i32) {
    %c0_i32 = arith.constant 0 : i32
    %c0_i32_0 = arith.constant 0 : i32
    %c0_i32_1 = arith.constant 0 : i32
    return %c0_i32, %c0_i32_0 : i32, i32
  }
  func.func @transform_5(%arg0: i32) -> (i32, i32) {
    %c0_i32 = arith.constant 0 : i32
    %c0_i32_0 = arith.constant 0 : i32
    %c0_i32_1 = arith.constant 0 : i32
    return %c0_i32, %c0_i32_0 : i32, i32
  }
  func.func @transform_6(%arg0: i32) -> (i32, i32) {
    %c0_i32 = arith.constant 0 : i32
    %c0_i32_0 = arith.constant 0 : i32
    %c0_i32_1 = arith.constant 0 : i32
    return %c0_i32, %c0_i32_0 : i32, i32
  }
  func.func @transform_7(%arg0: i32) -> (i32, i32) {
    %c0_i32 = arith.constant 0 : i32
    %c0_i32_0 = arith.constant 0 : i32
    return %arg0, %c0_i32 : i32, i32
  }
}

module attributes {stable_mosaic.version = 14 : i64} {
  func.func @_mlp_kernel(%arg0: i32, %arg1: memref<1024x128xf32, #tpu.memory_space<vmem>>, %arg2: memref<128x128xf32, #tpu.memory_space<vmem>>, %arg3: memref<1x128xf32, #tpu.memory_space<vmem>>, %arg4: memref<128x128xf32, #tpu.memory_space<vmem>>, %arg5: memref<1x128xf32, #tpu.memory_space<vmem>>, %arg6: memref<128x128xf32, #tpu.memory_space<vmem>>, %arg7: memref<1x128xf32, #tpu.memory_space<vmem>>, %arg8: memref<1024x128xf32, #tpu.memory_space<vmem>>) attributes {dimension_semantics = [#tpu.dimension_semantics<arbitrary>], iteration_bounds = array<i64: 20>, scalar_prefetch = 0 : i64, scratch_operands = 0 : i64, tpu.core_type = #tpu.core_type<tc>, window_params = [{transform_indices = @transform_0, window_bounds = array<i64: 1024, 128>}, {pipeline_mode = #tpu.pipeline_mode<synchronous>, transform_indices = @transform_1, window_bounds = array<i64: 128, 128>}, {pipeline_mode = #tpu.pipeline_mode<synchronous>, transform_indices = @transform_2, window_bounds = array<i64: 1, 128>}, {pipeline_mode = #tpu.pipeline_mode<synchronous>, transform_indices = @transform_3, window_bounds = array<i64: 128, 128>}, {pipeline_mode = #tpu.pipeline_mode<synchronous>, transform_indices = @transform_4, window_bounds = array<i64: 1, 128>}, {pipeline_mode = #tpu.pipeline_mode<synchronous>, transform_indices = @transform_5, window_bounds = array<i64: 128, 128>}, {pipeline_mode = #tpu.pipeline_mode<synchronous>, transform_indices = @transform_6, window_bounds = array<i64: 1, 128>}, {transform_indices = @transform_7, window_bounds = array<i64: 1024, 128>}]} {
    %get3A = arith.constant 0 : index
    %get3A_0 = arith.constant 0 : index
    %get3A_1 = vector.load %arg1[%get3A, %get3A_0] : memref<1024x128xf32, #tpu.memory_space<vmem>>, vector<1024x128xf32>
    %get3A_2 = arith.constant 0 : index
    %get3A_3 = arith.constant 0 : index
    %get3A_4 = vector.load %arg2[%get3A_2, %get3A_3] : memref<128x128xf32, #tpu.memory_space<vmem>>, vector<128x128xf32>
    %get3A_5 = arith.constant 0 : index
    %get3A_6 = arith.constant 0 : index
    %get3A_7 = vector.load %arg3[%get3A_5, %get3A_6] : memref<1x128xf32, #tpu.memory_space<vmem>>, vector<1x128xf32>
    %dot_general3A = arith.constant dense<0.000000e+00> : vector<1024x128xf32>
    %dot_general3A_8 = tpu.matmul %get3A_1, %get3A_4, %dot_general3A {dimension_numbers = #tpu.dot_dimension_numbers<[1], [0], [0], [1], [0, 0, 1, 1], [], []>, transpose_lhs_hint = false} : vector<1024x128xf32>, vector<128x128xf32>, vector<1024x128xf32> -> vector<1024x128xf32>
    %add3A = vector.broadcast %get3A_7 : vector<1x128xf32> to vector<1024x128xf32>
    %add3A_9 = arith.addf %dot_general3A_8, %add3A : vector<1024x128xf32>
    %logistic3A = arith.negf %add3A_9 : vector<1024x128xf32>
    %logistic3A_10 = math.exp %logistic3A : vector<1024x128xf32>
    %logistic3A_11 = arith.constant 1.000000e+00 : f32
    %logistic3A_12 = vector.broadcast %logistic3A_11 : f32 to vector<1024x128xf32>
    %logistic3A_13 = arith.addf %logistic3A_12, %logistic3A_10 : vector<1024x128xf32>
    %logistic3A_14 = arith.divf %logistic3A_12, %logistic3A_13 : vector<1024x128xf32>
    %get3A_15 = arith.constant 0 : index
    %get3A_16 = arith.constant 0 : index
    %get3A_17 = vector.load %arg4[%get3A_15, %get3A_16] : memref<128x128xf32, #tpu.memory_space<vmem>>, vector<128x128xf32>
    %get3A_18 = arith.constant 0 : index
    %get3A_19 = arith.constant 0 : index
    %get3A_20 = vector.load %arg5[%get3A_18, %get3A_19] : memref<1x128xf32, #tpu.memory_space<vmem>>, vector<1x128xf32>
    %dot_general3A_21 = arith.constant dense<0.000000e+00> : vector<1024x128xf32>
    %dot_general3A_22 = tpu.matmul %logistic3A_14, %get3A_17, %dot_general3A_21 {dimension_numbers = #tpu.dot_dimension_numbers<[1], [0], [0], [1], [0, 0, 1, 1], [], []>, transpose_lhs_hint = false} : vector<1024x128xf32>, vector<128x128xf32>, vector<1024x128xf32> -> vector<1024x128xf32>
    %add3A_23 = vector.broadcast %get3A_20 : vector<1x128xf32> to vector<1024x128xf32>
    %add3A_24 = arith.addf %dot_general3A_22, %add3A_23 : vector<1024x128xf32>
    %logistic3A_25 = arith.negf %add3A_24 : vector<1024x128xf32>
    %logistic3A_26 = math.exp %logistic3A_25 : vector<1024x128xf32>
    %logistic3A_27 = arith.constant 1.000000e+00 : f32
    %logistic3A_28 = vector.broadcast %logistic3A_27 : f32 to vector<1024x128xf32>
    %logistic3A_29 = arith.addf %logistic3A_28, %logistic3A_26 : vector<1024x128xf32>
    %logistic3A_30 = arith.divf %logistic3A_28, %logistic3A_29 : vector<1024x128xf32>
    %get3A_31 = arith.constant 0 : index
    %get3A_32 = arith.constant 0 : index
    %get3A_33 = vector.load %arg6[%get3A_31, %get3A_32] : memref<128x128xf32, #tpu.memory_space<vmem>>, vector<128x128xf32>
    %get3A_34 = arith.constant 0 : index
    %get3A_35 = arith.constant 0 : index
    %get3A_36 = vector.load %arg7[%get3A_34, %get3A_35] : memref<1x128xf32, #tpu.memory_space<vmem>>, vector<1x128xf32>
    %dot_general3A_37 = arith.constant dense<0.000000e+00> : vector<1024x128xf32>
    %dot_general3A_38 = tpu.matmul %logistic3A_30, %get3A_33, %dot_general3A_37 {dimension_numbers = #tpu.dot_dimension_numbers<[1], [0], [0], [1], [0, 0, 1, 1], [], []>, transpose_lhs_hint = false} : vector<1024x128xf32>, vector<128x128xf32>, vector<1024x128xf32> -> vector<1024x128xf32>
    %add3A_39 = vector.broadcast %get3A_36 : vector<1x128xf32> to vector<1024x128xf32>
    %add3A_40 = arith.addf %dot_general3A_38, %add3A_39 : vector<1024x128xf32>
    %swap3A = arith.constant 0 : index
    %swap3A_41 = arith.constant 0 : index
    %swap3A_42 = vector.load %arg8[%swap3A, %swap3A_41] : memref<1024x128xf32, #tpu.memory_space<vmem>>, vector<1024x128xf32>
    tpu.vector_store %arg8[%swap3A, %swap3A_41], %add3A_40 {strides = array<i32>} : memref<1024x128xf32, #tpu.memory_space<vmem>>, vector<1024x128xf32>,
    return
  }
  func.func @transform_0(%arg0: i32) -> (i32, i32) {
    %c0_i32 = arith.constant 0 : i32
    %c0_i32_0 = arith.constant 0 : i32
    return %arg0, %c0_i32 : i32, i32
  }
  func.func @transform_1(%arg0: i32) -> (i32, i32) {
    %c0_i32 = arith.constant 0 : i32
    %c0_i32_0 = arith.constant 0 : i32
    %c0_i32_1 = arith.constant 0 : i32
    return %c0_i32, %c0_i32_0 : i32, i32
  }
  func.func @transform_2(%arg0: i32) -> (i32, i32) {
    %c0_i32 = arith.constant 0 : i32
    %c0_i32_0 = arith.constant 0 : i32
    %c0_i32_1 = arith.constant 0 : i32
    return %c0_i32, %c0_i32_0 : i32, i32
  }
  func.func @transform_3(%arg0: i32) -> (i32, i32) {
    %c0_i32 = arith.constant 0 : i32
    %c0_i32_0 = arith.constant 0 : i32
    %c0_i32_1 = arith.constant 0 : i32
    return %c0_i32, %c0_i32_0 : i32, i32
  }
  func.func @transform_4(%arg0: i32) -> (i32, i32) {
    %c0_i32 = arith.constant 0 : i32
    %c0_i32_0 = arith.constant 0 : i32
    %c0_i32_1 = arith.constant 0 : i32
    return %c0_i32, %c0_i32_0 : i32, i32
  }
  func.func @transform_5(%arg0: i32) -> (i32, i32) {
    %c0_i32 = arith.constant 0 : i32
    %c0_i32_0 = arith.constant 0 : i32
    %c0_i32_1 = arith.constant 0 : i32
    return %c0_i32, %c0_i32_0 : i32, i32
  }
  func.func @transform_6(%arg0: i32) -> (i32, i32) {
    %c0_i32 = arith.constant 0 : i32
    %c0_i32_0 = arith.constant 0 : i32
    %c0_i32_1 = arith.constant 0 : i32
    return %c0_i32, %c0_i32_0 : i32, i32
  }
  func.func @transform_7(%arg0: i32) -> (i32, i32) {
    %c0_i32 = arith.constant 0 : i32
    %c0_i32_0 = arith.constant 0 : i32
    return %arg0, %c0_i32 : i32, i32
  }
}

module attributes {stable_mosaic.version = 14 : i64} {
  func.func @_mlp_kernel(%arg0: i32, %arg1: memref<1024x128xf32, #tpu.memory_space<vmem>>, %arg2: memref<128x128xf32, #tpu.memory_space<vmem>>, %arg3: memref<1x128xf32, #tpu.memory_space<vmem>>, %arg4: memref<128x128xf32, #tpu.memory_space<vmem>>, %arg5: memref<1x128xf32, #tpu.memory_space<vmem>>, %arg6: memref<128x128xf32, #tpu.memory_space<vmem>>, %arg7: memref<1x128xf32, #tpu.memory_space<vmem>>, %arg8: memref<1024x128xf32, #tpu.memory_space<vmem>>) attributes {dimension_semantics = [#tpu.dimension_semantics<arbitrary>], iteration_bounds = array<i64: 40>, scalar_prefetch = 0 : i64, scratch_operands = 0 : i64, tpu.core_type = #tpu.core_type<tc>, window_params = [{transform_indices = @transform_0, window_bounds = array<i64: 1024, 128>}, {pipeline_mode = #tpu.pipeline_mode<synchronous>, transform_indices = @transform_1, window_bounds = array<i64: 128, 128>}, {pipeline_mode = #tpu.pipeline_mode<synchronous>, transform_indices = @transform_2, window_bounds = array<i64: 1, 128>}, {pipeline_mode = #tpu.pipeline_mode<synchronous>, transform_indices = @transform_3, window_bounds = array<i64: 128, 128>}, {pipeline_mode = #tpu.pipeline_mode<synchronous>, transform_indices = @transform_4, window_bounds = array<i64: 1, 128>}, {pipeline_mode = #tpu.pipeline_mode<synchronous>, transform_indices = @transform_5, window_bounds = array<i64: 128, 128>}, {pipeline_mode = #tpu.pipeline_mode<synchronous>, transform_indices = @transform_6, window_bounds = array<i64: 1, 128>}, {transform_indices = @transform_7, window_bounds = array<i64: 1024, 128>}]} {
    %get3A = arith.constant 0 : index
    %get3A_0 = arith.constant 0 : index
    %get3A_1 = vector.load %arg1[%get3A, %get3A_0] : memref<1024x128xf32, #tpu.memory_space<vmem>>, vector<1024x128xf32>
    %get3A_2 = arith.constant 0 : index
    %get3A_3 = arith.constant 0 : index
    %get3A_4 = vector.load %arg2[%get3A_2, %get3A_3] : memref<128x128xf32, #tpu.memory_space<vmem>>, vector<128x128xf32>
    %get3A_5 = arith.constant 0 : index
    %get3A_6 = arith.constant 0 : index
    %get3A_7 = vector.load %arg3[%get3A_5, %get3A_6] : memref<1x128xf32, #tpu.memory_space<vmem>>, vector<1x128xf32>
    %dot_general3A = arith.constant dense<0.000000e+00> : vector<1024x128xf32>
    %dot_general3A_8 = tpu.matmul %get3A_1, %get3A_4, %dot_general3A {dimension_numbers = #tpu.dot_dimension_numbers<[1], [0], [0], [1], [0, 0, 1, 1], [], []>, transpose_lhs_hint = false} : vector<1024x128xf32>, vector<128x128xf32>, vector<1024x128xf32> -> vector<1024x128xf32>
    %add3A = vector.broadcast %get3A_7 : vector<1x128xf32> to vector<1024x128xf32>
    %add3A_9 = arith.addf %dot_general3A_8, %add3A : vector<1024x128xf32>
    %logistic3A = arith.negf %add3A_9 : vector<1024x128xf32>
    %logistic3A_10 = math.exp %logistic3A : vector<1024x128xf32>
    %logistic3A_11 = arith.constant 1.000000e+00 : f32
    %logistic3A_12 = vector.broadcast %logistic3A_11 : f32 to vector<1024x128xf32>
    %logistic3A_13 = arith.addf %logistic3A_12, %logistic3A_10 : vector<1024x128xf32>
    %logistic3A_14 = arith.divf %logistic3A_12, %logistic3A_13 : vector<1024x128xf32>
    %get3A_15 = arith.constant 0 : index
    %get3A_16 = arith.constant 0 : index
    %get3A_17 = vector.load %arg4[%get3A_15, %get3A_16] : memref<128x128xf32, #tpu.memory_space<vmem>>, vector<128x128xf32>
    %get3A_18 = arith.constant 0 : index
    %get3A_19 = arith.constant 0 : index
    %get3A_20 = vector.load %arg5[%get3A_18, %get3A_19] : memref<1x128xf32, #tpu.memory_space<vmem>>, vector<1x128xf32>
    %dot_general3A_21 = arith.constant dense<0.000000e+00> : vector<1024x128xf32>
    %dot_general3A_22 = tpu.matmul %logistic3A_14, %get3A_17, %dot_general3A_21 {dimension_numbers = #tpu.dot_dimension_numbers<[1], [0], [0], [1], [0, 0, 1, 1], [], []>, transpose_lhs_hint = false} : vector<1024x128xf32>, vector<128x128xf32>, vector<1024x128xf32> -> vector<1024x128xf32>
    %add3A_23 = vector.broadcast %get3A_20 : vector<1x128xf32> to vector<1024x128xf32>
    %add3A_24 = arith.addf %dot_general3A_22, %add3A_23 : vector<1024x128xf32>
    %logistic3A_25 = arith.negf %add3A_24 : vector<1024x128xf32>
    %logistic3A_26 = math.exp %logistic3A_25 : vector<1024x128xf32>
    %logistic3A_27 = arith.constant 1.000000e+00 : f32
    %logistic3A_28 = vector.broadcast %logistic3A_27 : f32 to vector<1024x128xf32>
    %logistic3A_29 = arith.addf %logistic3A_28, %logistic3A_26 : vector<1024x128xf32>
    %logistic3A_30 = arith.divf %logistic3A_28, %logistic3A_29 : vector<1024x128xf32>
    %get3A_31 = arith.constant 0 : index
    %get3A_32 = arith.constant 0 : index
    %get3A_33 = vector.load %arg6[%get3A_31, %get3A_32] : memref<128x128xf32, #tpu.memory_space<vmem>>, vector<128x128xf32>
    %get3A_34 = arith.constant 0 : index
    %get3A_35 = arith.constant 0 : index
    %get3A_36 = vector.load %arg7[%get3A_34, %get3A_35] : memref<1x128xf32, #tpu.memory_space<vmem>>, vector<1x128xf32>
    %dot_general3A_37 = arith.constant dense<0.000000e+00> : vector<1024x128xf32>
    %dot_general3A_38 = tpu.matmul %logistic3A_30, %get3A_33, %dot_general3A_37 {dimension_numbers = #tpu.dot_dimension_numbers<[1], [0], [0], [1], [0, 0, 1, 1], [], []>, transpose_lhs_hint = false} : vector<1024x128xf32>, vector<128x128xf32>, vector<1024x128xf32> -> vector<1024x128xf32>
    %add3A_39 = vector.broadcast %get3A_36 : vector<1x128xf32> to vector<1024x128xf32>
    %add3A_40 = arith.addf %dot_general3A_38, %add3A_39 : vector<1024x128xf32>
    %swap3A = arith.constant 0 : index
    %swap3A_41 = arith.constant 0 : index
    %swap3A_42 = vector.load %arg8[%swap3A, %swap3A_41] : memref<1024x128xf32, #tpu.memory_space<vmem>>, vector<1024x128xf32>
    tpu.vector_store %arg8[%swap3A, %swap3A_41], %add3A_40 {strides = array<i32>} : memref<1024x128xf32, #tpu.memory_space<vmem>>, vector<1024x128xf32>,
    return
  }
  func.func @transform_0(%arg0: i32) -> (i32, i32) {
    %c0_i32 = arith.constant 0 : i32
    %c0_i32_0 = arith.constant 0 : i32
    return %arg0, %c0_i32 : i32, i32
  }
  func.func @transform_1(%arg0: i32) -> (i32, i32) {
    %c0_i32 = arith.constant 0 : i32
    %c0_i32_0 = arith.constant 0 : i32
    %c0_i32_1 = arith.constant 0 : i32
    return %c0_i32, %c0_i32_0 : i32, i32
  }
  func.func @transform_2(%arg0: i32) -> (i32, i32) {
    %c0_i32 = arith.constant 0 : i32
    %c0_i32_0 = arith.constant 0 : i32
    %c0_i32_1 = arith.constant 0 : i32
    return %c0_i32, %c0_i32_0 : i32, i32
  }
  func.func @transform_3(%arg0: i32) -> (i32, i32) {
    %c0_i32 = arith.constant 0 : i32
    %c0_i32_0 = arith.constant 0 : i32
    %c0_i32_1 = arith.constant 0 : i32
    return %c0_i32, %c0_i32_0 : i32, i32
  }
  func.func @transform_4(%arg0: i32) -> (i32, i32) {
    %c0_i32 = arith.constant 0 : i32
    %c0_i32_0 = arith.constant 0 : i32
    %c0_i32_1 = arith.constant 0 : i32
    return %c0_i32, %c0_i32_0 : i32, i32
  }
  func.func @transform_5(%arg0: i32) -> (i32, i32) {
    %c0_i32 = arith.constant 0 : i32
    %c0_i32_0 = arith.constant 0 : i32
    %c0_i32_1 = arith.constant 0 : i32
    return %c0_i32, %c0_i32_0 : i32, i32
  }
  func.func @transform_6(%arg0: i32) -> (i32, i32) {
    %c0_i32 = arith.constant 0 : i32
    %c0_i32_0 = arith.constant 0 : i32
    %c0_i32_1 = arith.constant 0 : i32
    return %c0_i32, %c0_i32_0 : i32, i32
  }
  func.func @transform_7(%arg0: i32) -> (i32, i32) {
    %c0_i32 = arith.constant 0 : i32
    %c0_i32_0 = arith.constant 0 : i32
    return %arg0, %c0_i32 : i32, i32
  }
}

module attributes {stable_mosaic.version = 14 : i64} {
  func.func @_mlp_kernel(%arg0: i32, %arg1: memref<1024x128xf32, #tpu.memory_space<vmem>>, %arg2: memref<128x128xf32, #tpu.memory_space<vmem>>, %arg3: memref<1x128xf32, #tpu.memory_space<vmem>>, %arg4: memref<1024x128xf32, #tpu.memory_space<vmem>>) attributes {dimension_semantics = [#tpu.dimension_semantics<arbitrary>], iteration_bounds = array<i64: 3>, scalar_prefetch = 0 : i64, scratch_operands = 0 : i64, tpu.core_type = #tpu.core_type<tc>, window_params = [{transform_indices = @transform_0, window_bounds = array<i64: 1024, 128>}, {pipeline_mode = #tpu.pipeline_mode<synchronous>, transform_indices = @transform_1, window_bounds = array<i64: 128, 128>}, {pipeline_mode = #tpu.pipeline_mode<synchronous>, transform_indices = @transform_2, window_bounds = array<i64: 1, 128>}, {transform_indices = @transform_3, window_bounds = array<i64: 1024, 128>}]} {
    %get3A = arith.constant 0 : index
    %get3A_0 = arith.constant 0 : index
    %get3A_1 = vector.load %arg1[%get3A, %get3A_0] : memref<1024x128xf32, #tpu.memory_space<vmem>>, vector<1024x128xf32>
    %get3A_2 = arith.constant 0 : index
    %get3A_3 = arith.constant 0 : index
    %get3A_4 = vector.load %arg2[%get3A_2, %get3A_3] : memref<128x128xf32, #tpu.memory_space<vmem>>, vector<128x128xf32>
    %get3A_5 = arith.constant 0 : index
    %get3A_6 = arith.constant 0 : index
    %get3A_7 = vector.load %arg3[%get3A_5, %get3A_6] : memref<1x128xf32, #tpu.memory_space<vmem>>, vector<1x128xf32>
    %dot_general3A = arith.constant dense<0.000000e+00> : vector<1024x128xf32>
    %dot_general3A_8 = tpu.matmul %get3A_1, %get3A_4, %dot_general3A {dimension_numbers = #tpu.dot_dimension_numbers<[1], [0], [0], [1], [0, 0, 1, 1], [], []>, transpose_lhs_hint = false} : vector<1024x128xf32>, vector<128x128xf32>, vector<1024x128xf32> -> vector<1024x128xf32>
    %add3A = vector.broadcast %get3A_7 : vector<1x128xf32> to vector<1024x128xf32>
    %add3A_9 = arith.addf %dot_general3A_8, %add3A : vector<1024x128xf32>
    %max3A = arith.constant 0.000000e+00 : f32
    %max3A_10 = vector.broadcast %max3A : f32 to vector<1024x128xf32>
    %max3A_11 = arith.maximumf %add3A_9, %max3A_10 : vector<1024x128xf32>
    %swap3A = arith.constant 0 : index
    %swap3A_12 = arith.constant 0 : index
    %swap3A_13 = vector.load %arg4[%swap3A, %swap3A_12] : memref<1024x128xf32, #tpu.memory_space<vmem>>, vector<1024x128xf32>
    tpu.vector_store %arg4[%swap3A, %swap3A_12], %max3A_11 {strides = array<i32>} : memref<1024x128xf32, #tpu.memory_space<vmem>>, vector<1024x128xf32>,
    return
  }
  func.func @transform_0(%arg0: i32) -> (i32, i32) {
    %c0_i32 = arith.constant 0 : i32
    %c0_i32_0 = arith.constant 0 : i32
    return %arg0, %c0_i32 : i32, i32
  }
  func.func @transform_1(%arg0: i32) -> (i32, i32) {
    %c0_i32 = arith.constant 0 : i32
    %c0_i32_0 = arith.constant 0 : i32
    %c0_i32_1 = arith.constant 0 : i32
    return %c0_i32, %c0_i32_0 : i32, i32
  }
  func.func @transform_2(%arg0: i32) -> (i32, i32) {
    %c0_i32 = arith.constant 0 : i32
    %c0_i32_0 = arith.constant 0 : i32
    %c0_i32_1 = arith.constant 0 : i32
    return %c0_i32, %c0_i32_0 : i32, i32
  }
  func.func @transform_3(%arg0: i32) -> (i32, i32) {
    %c0_i32 = arith.constant 0 : i32
    %c0_i32_0 = arith.constant 0 : i32
    return %arg0, %c0_i32 : i32, i32
  }
}

module attributes {stable_mosaic.version = 14 : i64} {
  func.func @_mlp_kernel(%arg0: i32, %arg1: memref<1024x128xf32, #tpu.memory_space<vmem>>, %arg2: memref<128x128xf32, #tpu.memory_space<vmem>>, %arg3: memref<1x128xf32, #tpu.memory_space<vmem>>, %arg4: memref<128x128xf32, #tpu.memory_space<vmem>>, %arg5: memref<1x128xf32, #tpu.memory_space<vmem>>, %arg6: memref<128x128xf32, #tpu.memory_space<vmem>>, %arg7: memref<1x128xf32, #tpu.memory_space<vmem>>, %arg8: memref<1024x128xf32, #tpu.memory_space<vmem>>) attributes {dimension_semantics = [#tpu.dimension_semantics<arbitrary>], iteration_bounds = array<i64: 159>, scalar_prefetch = 0 : i64, scratch_operands = 0 : i64, tpu.core_type = #tpu.core_type<tc>, window_params = [{transform_indices = @transform_0, window_bounds = array<i64: 1024, 128>}, {pipeline_mode = #tpu.pipeline_mode<synchronous>, transform_indices = @transform_1, window_bounds = array<i64: 128, 128>}, {pipeline_mode = #tpu.pipeline_mode<synchronous>, transform_indices = @transform_2, window_bounds = array<i64: 1, 128>}, {pipeline_mode = #tpu.pipeline_mode<synchronous>, transform_indices = @transform_3, window_bounds = array<i64: 128, 128>}, {pipeline_mode = #tpu.pipeline_mode<synchronous>, transform_indices = @transform_4, window_bounds = array<i64: 1, 128>}, {pipeline_mode = #tpu.pipeline_mode<synchronous>, transform_indices = @transform_5, window_bounds = array<i64: 128, 128>}, {pipeline_mode = #tpu.pipeline_mode<synchronous>, transform_indices = @transform_6, window_bounds = array<i64: 1, 128>}, {transform_indices = @transform_7, window_bounds = array<i64: 1024, 128>}]} {
    %get3A = arith.constant 0 : index
    %get3A_0 = arith.constant 0 : index
    %get3A_1 = vector.load %arg1[%get3A, %get3A_0] : memref<1024x128xf32, #tpu.memory_space<vmem>>, vector<1024x128xf32>
    %get3A_2 = arith.constant 0 : index
    %get3A_3 = arith.constant 0 : index
    %get3A_4 = vector.load %arg2[%get3A_2, %get3A_3] : memref<128x128xf32, #tpu.memory_space<vmem>>, vector<128x128xf32>
    %get3A_5 = arith.constant 0 : index
    %get3A_6 = arith.constant 0 : index
    %get3A_7 = vector.load %arg3[%get3A_5, %get3A_6] : memref<1x128xf32, #tpu.memory_space<vmem>>, vector<1x128xf32>
    %dot_general3A = arith.constant dense<0.000000e+00> : vector<1024x128xf32>
    %dot_general3A_8 = tpu.matmul %get3A_1, %get3A_4, %dot_general3A {dimension_numbers = #tpu.dot_dimension_numbers<[1], [0], [0], [1], [0, 0, 1, 1], [], []>, transpose_lhs_hint = false} : vector<1024x128xf32>, vector<128x128xf32>, vector<1024x128xf32> -> vector<1024x128xf32>
    %add3A = vector.broadcast %get3A_7 : vector<1x128xf32> to vector<1024x128xf32>
    %add3A_9 = arith.addf %dot_general3A_8, %add3A : vector<1024x128xf32>
    %logistic3A = arith.negf %add3A_9 : vector<1024x128xf32>
    %logistic3A_10 = math.exp %logistic3A : vector<1024x128xf32>
    %logistic3A_11 = arith.constant 1.000000e+00 : f32
    %logistic3A_12 = vector.broadcast %logistic3A_11 : f32 to vector<1024x128xf32>
    %logistic3A_13 = arith.addf %logistic3A_12, %logistic3A_10 : vector<1024x128xf32>
    %logistic3A_14 = arith.divf %logistic3A_12, %logistic3A_13 : vector<1024x128xf32>
    %get3A_15 = arith.constant 0 : index
    %get3A_16 = arith.constant 0 : index
    %get3A_17 = vector.load %arg4[%get3A_15, %get3A_16] : memref<128x128xf32, #tpu.memory_space<vmem>>, vector<128x128xf32>
    %get3A_18 = arith.constant 0 : index
    %get3A_19 = arith.constant 0 : index
    %get3A_20 = vector.load %arg5[%get3A_18, %get3A_19] : memref<1x128xf32, #tpu.memory_space<vmem>>, vector<1x128xf32>
    %dot_general3A_21 = arith.constant dense<0.000000e+00> : vector<1024x128xf32>
    %dot_general3A_22 = tpu.matmul %logistic3A_14, %get3A_17, %dot_general3A_21 {dimension_numbers = #tpu.dot_dimension_numbers<[1], [0], [0], [1], [0, 0, 1, 1], [], []>, transpose_lhs_hint = false} : vector<1024x128xf32>, vector<128x128xf32>, vector<1024x128xf32> -> vector<1024x128xf32>
    %add3A_23 = vector.broadcast %get3A_20 : vector<1x128xf32> to vector<1024x128xf32>
    %add3A_24 = arith.addf %dot_general3A_22, %add3A_23 : vector<1024x128xf32>
    %logistic3A_25 = arith.negf %add3A_24 : vector<1024x128xf32>
    %logistic3A_26 = math.exp %logistic3A_25 : vector<1024x128xf32>
    %logistic3A_27 = arith.constant 1.000000e+00 : f32
    %logistic3A_28 = vector.broadcast %logistic3A_27 : f32 to vector<1024x128xf32>
    %logistic3A_29 = arith.addf %logistic3A_28, %logistic3A_26 : vector<1024x128xf32>
    %logistic3A_30 = arith.divf %logistic3A_28, %logistic3A_29 : vector<1024x128xf32>
    %get3A_31 = arith.constant 0 : index
    %get3A_32 = arith.constant 0 : index
    %get3A_33 = vector.load %arg6[%get3A_31, %get3A_32] : memref<128x128xf32, #tpu.memory_space<vmem>>, vector<128x128xf32>
    %get3A_34 = arith.constant 0 : index
    %get3A_35 = arith.constant 0 : index
    %get3A_36 = vector.load %arg7[%get3A_34, %get3A_35] : memref<1x128xf32, #tpu.memory_space<vmem>>, vector<1x128xf32>
    %dot_general3A_37 = arith.constant dense<0.000000e+00> : vector<1024x128xf32>
    %dot_general3A_38 = tpu.matmul %logistic3A_30, %get3A_33, %dot_general3A_37 {dimension_numbers = #tpu.dot_dimension_numbers<[1], [0], [0], [1], [0, 0, 1, 1], [], []>, transpose_lhs_hint = false} : vector<1024x128xf32>, vector<128x128xf32>, vector<1024x128xf32> -> vector<1024x128xf32>
    %add3A_39 = vector.broadcast %get3A_36 : vector<1x128xf32> to vector<1024x128xf32>
    %add3A_40 = arith.addf %dot_general3A_38, %add3A_39 : vector<1024x128xf32>
    %swap3A = arith.constant 0 : index
    %swap3A_41 = arith.constant 0 : index
    %swap3A_42 = vector.load %arg8[%swap3A, %swap3A_41] : memref<1024x128xf32, #tpu.memory_space<vmem>>, vector<1024x128xf32>
    tpu.vector_store %arg8[%swap3A, %swap3A_41], %add3A_40 {strides = array<i32>} : memref<1024x128xf32, #tpu.memory_space<vmem>>, vector<1024x128xf32>,
    return
  }
  func.func @transform_0(%arg0: i32) -> (i32, i32) {
    %c0_i32 = arith.constant 0 : i32
    %c0_i32_0 = arith.constant 0 : i32
    return %arg0, %c0_i32 : i32, i32
  }
  func.func @transform_1(%arg0: i32) -> (i32, i32) {
    %c0_i32 = arith.constant 0 : i32
    %c0_i32_0 = arith.constant 0 : i32
    %c0_i32_1 = arith.constant 0 : i32
    return %c0_i32, %c0_i32_0 : i32, i32
  }
  func.func @transform_2(%arg0: i32) -> (i32, i32) {
    %c0_i32 = arith.constant 0 : i32
    %c0_i32_0 = arith.constant 0 : i32
    %c0_i32_1 = arith.constant 0 : i32
    return %c0_i32, %c0_i32_0 : i32, i32
  }
  func.func @transform_3(%arg0: i32) -> (i32, i32) {
    %c0_i32 = arith.constant 0 : i32
    %c0_i32_0 = arith.constant 0 : i32
    %c0_i32_1 = arith.constant 0 : i32
    return %c0_i32, %c0_i32_0 : i32, i32
  }
  func.func @transform_4(%arg0: i32) -> (i32, i32) {
    %c0_i32 = arith.constant 0 : i32
    %c0_i32_0 = arith.constant 0 : i32
    %c0_i32_1 = arith.constant 0 : i32
    return %c0_i32, %c0_i32_0 : i32, i32
  }
  func.func @transform_5(%arg0: i32) -> (i32, i32) {
    %c0_i32 = arith.constant 0 : i32
    %c0_i32_0 = arith.constant 0 : i32
    %c0_i32_1 = arith.constant 0 : i32
    return %c0_i32, %c0_i32_0 : i32, i32
  }
  func.func @transform_6(%arg0: i32) -> (i32, i32) {
    %c0_i32 = arith.constant 0 : i32
    %c0_i32_0 = arith.constant 0 : i32
    %c0_i32_1 = arith.constant 0 : i32
    return %c0_i32, %c0_i32_0 : i32, i32
  }
  func.func @transform_7(%arg0: i32) -> (i32, i32) {
    %c0_i32 = arith.constant 0 : i32
    %c0_i32_0 = arith.constant 0 : i32
    return %arg0, %c0_i32 : i32, i32
  }
}

module attributes {stable_mosaic.version = 14 : i64} {
  func.func @_mlp_kernel(%arg0: i32, %arg1: memref<1024x256xf32, #tpu.memory_space<vmem>>, %arg2: memref<256x128xf32, #tpu.memory_space<vmem>>, %arg3: memref<1x128xf32, #tpu.memory_space<vmem>>, %arg4: memref<1024x128xf32, #tpu.memory_space<vmem>>) attributes {dimension_semantics = [#tpu.dimension_semantics<arbitrary>], iteration_bounds = array<i64: 10>, scalar_prefetch = 0 : i64, scratch_operands = 0 : i64, tpu.core_type = #tpu.core_type<tc>, window_params = [{transform_indices = @transform_0, window_bounds = array<i64: 1024, 256>}, {pipeline_mode = #tpu.pipeline_mode<synchronous>, transform_indices = @transform_1, window_bounds = array<i64: 256, 128>}, {pipeline_mode = #tpu.pipeline_mode<synchronous>, transform_indices = @transform_2, window_bounds = array<i64: 1, 128>}, {transform_indices = @transform_3, window_bounds = array<i64: 1024, 128>}]} {
    %get3A = arith.constant 0 : index
    %get3A_0 = arith.constant 0 : index
    %get3A_1 = vector.load %arg1[%get3A, %get3A_0] : memref<1024x256xf32, #tpu.memory_space<vmem>>, vector<1024x256xf32>
    %get3A_2 = arith.constant 0 : index
    %get3A_3 = arith.constant 0 : index
    %get3A_4 = vector.load %arg2[%get3A_2, %get3A_3] : memref<256x128xf32, #tpu.memory_space<vmem>>, vector<256x128xf32>
    %get3A_5 = arith.constant 0 : index
    %get3A_6 = arith.constant 0 : index
    %get3A_7 = vector.load %arg3[%get3A_5, %get3A_6] : memref<1x128xf32, #tpu.memory_space<vmem>>, vector<1x128xf32>
    %dot_general3A = arith.constant dense<0.000000e+00> : vector<1024x128xf32>
    %dot_general3A_8 = tpu.matmul %get3A_1, %get3A_4, %dot_general3A {dimension_numbers = #tpu.dot_dimension_numbers<[1], [0], [0], [1], [0, 0, 1, 1], [], []>, transpose_lhs_hint = false} : vector<1024x256xf32>, vector<256x128xf32>, vector<1024x128xf32> -> vector<1024x128xf32>
    %add3A = vector.broadcast %get3A_7 : vector<1x128xf32> to vector<1024x128xf32>
    %add3A_9 = arith.addf %dot_general3A_8, %add3A : vector<1024x128xf32>
    %max3A = arith.constant 0.000000e+00 : f32
    %max3A_10 = vector.broadcast %max3A : f32 to vector<1024x128xf32>
    %max3A_11 = arith.maximumf %add3A_9, %max3A_10 : vector<1024x128xf32>
    %swap3A = arith.constant 0 : index
    %swap3A_12 = arith.constant 0 : index
    %swap3A_13 = vector.load %arg4[%swap3A, %swap3A_12] : memref<1024x128xf32, #tpu.memory_space<vmem>>, vector<1024x128xf32>
    tpu.vector_store %arg4[%swap3A, %swap3A_12], %max3A_11 {strides = array<i32>} : memref<1024x128xf32, #tpu.memory_space<vmem>>, vector<1024x128xf32>,
    return
  }
  func.func @transform_0(%arg0: i32) -> (i32, i32) {
    %c0_i32 = arith.constant 0 : i32
    %c0_i32_0 = arith.constant 0 : i32
    return %arg0, %c0_i32 : i32, i32
  }
  func.func @transform_1(%arg0: i32) -> (i32, i32) {
    %c0_i32 = arith.constant 0 : i32
    %c0_i32_0 = arith.constant 0 : i32
    %c0_i32_1 = arith.constant 0 : i32
    return %c0_i32, %c0_i32_0 : i32, i32
  }
  func.func @transform_2(%arg0: i32) -> (i32, i32) {
    %c0_i32 = arith.constant 0 : i32
    %c0_i32_0 = arith.constant 0 : i32
    %c0_i32_1 = arith.constant 0 : i32
    return %c0_i32, %c0_i32_0 : i32, i32
  }
  func.func @transform_3(%arg0: i32) -> (i32, i32) {
    %c0_i32 = arith.constant 0 : i32
    %c0_i32_0 = arith.constant 0 : i32
    return %arg0, %c0_i32 : i32, i32
  }
}

module attributes {stable_mosaic.version = 14 : i64} {
  func.func @_mlp_kernel(%arg0: i32, %arg1: memref<1024x128xf32, #tpu.memory_space<vmem>>, %arg2: memref<128x128xf32, #tpu.memory_space<vmem>>, %arg3: memref<1x128xf32, #tpu.memory_space<vmem>>, %arg4: memref<128x128xf32, #tpu.memory_space<vmem>>, %arg5: memref<1x128xf32, #tpu.memory_space<vmem>>, %arg6: memref<128x128xf32, #tpu.memory_space<vmem>>, %arg7: memref<1x128xf32, #tpu.memory_space<vmem>>, %arg8: memref<1024x128xf32, #tpu.memory_space<vmem>>) attributes {dimension_semantics = [#tpu.dimension_semantics<arbitrary>], iteration_bounds = array<i64: 10>, scalar_prefetch = 0 : i64, scratch_operands = 0 : i64, tpu.core_type = #tpu.core_type<tc>, window_params = [{transform_indices = @transform_0, window_bounds = array<i64: 1024, 128>}, {pipeline_mode = #tpu.pipeline_mode<synchronous>, transform_indices = @transform_1, window_bounds = array<i64: 128, 128>}, {pipeline_mode = #tpu.pipeline_mode<synchronous>, transform_indices = @transform_2, window_bounds = array<i64: 1, 128>}, {pipeline_mode = #tpu.pipeline_mode<synchronous>, transform_indices = @transform_3, window_bounds = array<i64: 128, 128>}, {pipeline_mode = #tpu.pipeline_mode<synchronous>, transform_indices = @transform_4, window_bounds = array<i64: 1, 128>}, {pipeline_mode = #tpu.pipeline_mode<synchronous>, transform_indices = @transform_5, window_bounds = array<i64: 128, 128>}, {pipeline_mode = #tpu.pipeline_mode<synchronous>, transform_indices = @transform_6, window_bounds = array<i64: 1, 128>}, {transform_indices = @transform_7, window_bounds = array<i64: 1024, 128>}]} {
    %get3A = arith.constant 0 : index
    %get3A_0 = arith.constant 0 : index
    %get3A_1 = vector.load %arg1[%get3A, %get3A_0] : memref<1024x128xf32, #tpu.memory_space<vmem>>, vector<1024x128xf32>
    %get3A_2 = arith.constant 0 : index
    %get3A_3 = arith.constant 0 : index
    %get3A_4 = vector.load %arg2[%get3A_2, %get3A_3] : memref<128x128xf32, #tpu.memory_space<vmem>>, vector<128x128xf32>
    %get3A_5 = arith.constant 0 : index
    %get3A_6 = arith.constant 0 : index
    %get3A_7 = vector.load %arg3[%get3A_5, %get3A_6] : memref<1x128xf32, #tpu.memory_space<vmem>>, vector<1x128xf32>
    %dot_general3A = arith.constant dense<0.000000e+00> : vector<1024x128xf32>
    %dot_general3A_8 = tpu.matmul %get3A_1, %get3A_4, %dot_general3A {dimension_numbers = #tpu.dot_dimension_numbers<[1], [0], [0], [1], [0, 0, 1, 1], [], []>, transpose_lhs_hint = false} : vector<1024x128xf32>, vector<128x128xf32>, vector<1024x128xf32> -> vector<1024x128xf32>
    %add3A = vector.broadcast %get3A_7 : vector<1x128xf32> to vector<1024x128xf32>
    %add3A_9 = arith.addf %dot_general3A_8, %add3A : vector<1024x128xf32>
    %max3A = arith.constant 0.000000e+00 : f32
    %max3A_10 = vector.broadcast %max3A : f32 to vector<1024x128xf32>
    %max3A_11 = arith.maximumf %add3A_9, %max3A_10 : vector<1024x128xf32>
    %get3A_12 = arith.constant 0 : index
    %get3A_13 = arith.constant 0 : index
    %get3A_14 = vector.load %arg4[%get3A_12, %get3A_13] : memref<128x128xf32, #tpu.memory_space<vmem>>, vector<128x128xf32>
    %get3A_15 = arith.constant 0 : index
    %get3A_16 = arith.constant 0 : index
    %get3A_17 = vector.load %arg5[%get3A_15, %get3A_16] : memref<1x128xf32, #tpu.memory_space<vmem>>, vector<1x128xf32>
    %dot_general3A_18 = arith.constant dense<0.000000e+00> : vector<1024x128xf32>
    %dot_general3A_19 = tpu.matmul %max3A_11, %get3A_14, %dot_general3A_18 {dimension_numbers = #tpu.dot_dimension_numbers<[1], [0], [0], [1], [0, 0, 1, 1], [], []>, transpose_lhs_hint = false} : vector<1024x128xf32>, vector<128x128xf32>, vector<1024x128xf32> -> vector<1024x128xf32>
    %add3A_20 = vector.broadcast %get3A_17 : vector<1x128xf32> to vector<1024x128xf32>
    %add3A_21 = arith.addf %dot_general3A_19, %add3A_20 : vector<1024x128xf32>
    %max3A_22 = arith.constant 0.000000e+00 : f32
    %max3A_23 = vector.broadcast %max3A_22 : f32 to vector<1024x128xf32>
    %max3A_24 = arith.maximumf %add3A_21, %max3A_23 : vector<1024x128xf32>
    %get3A_25 = arith.constant 0 : index
    %get3A_26 = arith.constant 0 : index
    %get3A_27 = vector.load %arg6[%get3A_25, %get3A_26] : memref<128x128xf32, #tpu.memory_space<vmem>>, vector<128x128xf32>
    %get3A_28 = arith.constant 0 : index
    %get3A_29 = arith.constant 0 : index
    %get3A_30 = vector.load %arg7[%get3A_28, %get3A_29] : memref<1x128xf32, #tpu.memory_space<vmem>>, vector<1x128xf32>
    %dot_general3A_31 = arith.constant dense<0.000000e+00> : vector<1024x128xf32>
    %dot_general3A_32 = tpu.matmul %max3A_24, %get3A_27, %dot_general3A_31 {dimension_numbers = #tpu.dot_dimension_numbers<[1], [0], [0], [1], [0, 0, 1, 1], [], []>, transpose_lhs_hint = false} : vector<1024x128xf32>, vector<128x128xf32>, vector<1024x128xf32> -> vector<1024x128xf32>
    %add3A_33 = vector.broadcast %get3A_30 : vector<1x128xf32> to vector<1024x128xf32>
    %add3A_34 = arith.addf %dot_general3A_32, %add3A_33 : vector<1024x128xf32>
    %logistic3A = arith.negf %add3A_34 : vector<1024x128xf32>
    %logistic3A_35 = math.exp %logistic3A : vector<1024x128xf32>
    %logistic3A_36 = arith.constant 1.000000e+00 : f32
    %logistic3A_37 = vector.broadcast %logistic3A_36 : f32 to vector<1024x128xf32>
    %logistic3A_38 = arith.addf %logistic3A_37, %logistic3A_35 : vector<1024x128xf32>
    %logistic3A_39 = arith.divf %logistic3A_37, %logistic3A_38 : vector<1024x128xf32>
    %swap3A = arith.constant 0 : index
    %swap3A_40 = arith.constant 0 : index
    %swap3A_41 = vector.load %arg8[%swap3A, %swap3A_40] : memref<1024x128xf32, #tpu.memory_space<vmem>>, vector<1024x128xf32>
    tpu.vector_store %arg8[%swap3A, %swap3A_40], %logistic3A_39 {strides = array<i32>} : memref<1024x128xf32, #tpu.memory_space<vmem>>, vector<1024x128xf32>,
    return
  }
  func.func @transform_0(%arg0: i32) -> (i32, i32) {
    %c0_i32 = arith.constant 0 : i32
    %c0_i32_0 = arith.constant 0 : i32
    return %arg0, %c0_i32 : i32, i32
  }
  func.func @transform_1(%arg0: i32) -> (i32, i32) {
    %c0_i32 = arith.constant 0 : i32
    %c0_i32_0 = arith.constant 0 : i32
    %c0_i32_1 = arith.constant 0 : i32
    return %c0_i32, %c0_i32_0 : i32, i32
  }
  func.func @transform_2(%arg0: i32) -> (i32, i32) {
    %c0_i32 = arith.constant 0 : i32
    %c0_i32_0 = arith.constant 0 : i32
    %c0_i32_1 = arith.constant 0 : i32
    return %c0_i32, %c0_i32_0 : i32, i32
  }
  func.func @transform_3(%arg0: i32) -> (i32, i32) {
    %c0_i32 = arith.constant 0 : i32
    %c0_i32_0 = arith.constant 0 : i32
    %c0_i32_1 = arith.constant 0 : i32
    return %c0_i32, %c0_i32_0 : i32, i32
  }
  func.func @transform_4(%arg0: i32) -> (i32, i32) {
    %c0_i32 = arith.constant 0 : i32
    %c0_i32_0 = arith.constant 0 : i32
    %c0_i32_1 = arith.constant 0 : i32
    return %c0_i32, %c0_i32_0 : i32, i32
  }
  func.func @transform_5(%arg0: i32) -> (i32, i32) {
    %c0_i32 = arith.constant 0 : i32
    %c0_i32_0 = arith.constant 0 : i32
    %c0_i32_1 = arith.constant 0 : i32
    return %c0_i32, %c0_i32_0 : i32, i32
  }
  func.func @transform_6(%arg0: i32) -> (i32, i32) {
    %c0_i32 = arith.constant 0 : i32
    %c0_i32_0 = arith.constant 0 : i32
    %c0_i32_1 = arith.constant 0 : i32
    return %c0_i32, %c0_i32_0 : i32, i32
  }
  func.func @transform_7(%arg0: i32) -> (i32, i32) {
    %c0_i32 = arith.constant 0 : i32
    %c0_i32_0 = arith.constant 0 : i32
    return %arg0, %c0_i32 : i32, i32
  }
}

</mosaic_0001>

<sc_bundles>
// kernel: scatter_offload_async_start.1
scs
__scs_entry_jumppad:
0x0: {  	(pc) =	sbr.rel $0x88, $3  }
0x1: {  	(tag) =	ssettag $0x0;
	lr =	simm.s32 $0x1  }
0x2: {  	[smem:$0x3F64] =	sst lr;
	_ =	strace $0xD0000000  }
0x3: {  	_ = 	snop  }
0x4: {  	_ = 	snop  }
0x5: {  	_ = 	snop  }
0x6: {  	_ = 	snop  }
0x7: {  	_ = 	snop  }
__scs_overlays_trampoline_lowered:
0x8: {  	[smem:$0x3F73] =	sst s0  }
0x9: {  	[smem:$0x3F74] =	sst s1  }
0xa: {  	[smem:$0x3F75] =	sst s2  }
0xb: {  	[smem:$0x3F76] =	sst s3  }
0xc: {  	[smem:$0x3F77] =	sst s4  }
0xd: {  	[smem:$0x3F78] =	sst s5  }
0xe: {  	[smem:$0x3F79] =	sst s6  }
0xf: {  	[smem:$0x3F7A] =	sst s7  }
0x10: {  	[smem:$0x3F7B] =	sst s8  }
0x11: {  	[smem:$0x3F7C] =	sst s9;
	s0 =	simm.s32 @!p0 $0x0  }
0x12: {  	s1 =	sld [smem:$0x3F62];
	s0 =	simm.s32 @p0 $0x1  }
0x13: {  	[smem:$0x3F7D] =	sst s0;
	s0 =	simm.s32 @!p1 $0x0  }
0x14: {  	s2 =	sld [smem:$0x3F61];
	s0 =	simm.s32 @p1 $0x1  }
0x15: {  	[smem:$0x3F7E] =	sst s0;
	s0 =	simm.s32 @!p2 $0x0  }
0x16: {  	s3 =	sld [smem:$0x3FDB];
	s0 =	simm.s32 @p2 $0x1  }
0x17: {  	s4 =	simm.s32 $0x1BF5;
	[smem:$0x3F80] =	sst s0  }
0x18: {  	s0 =	sld [smem:$0x3F63];
	_ =	swait.ge [sflag:s4], $0x0  }
0x19: {  	s7 =	sld [smem:$0x3F64]  }
0x1a: {  	s8 =	sadd.s32 $0xFFFFE003, lr  }
0x1b: {  	s9 =	sadd.s32 $0xFFFFFEF7, lr;
	s5 =	simm.s32 $0xFFFFFFFF;
	p2 =	slt.u32 s8, $0xFFFFF086  }
0x1c: {  	p1 =	slt.u32 s9, $0xF7A;
	s5 =	simm.s32 @!p2 $0x0  }
0x1d: {  	s5 =	simm.s32 @p1 $0x1;
	p0 =	seq.s32 s7, s2  }
0x1e: {  	s7 =	smul.u32 @!p0 $0xF7A, s2;
	p2 =	seq.s32 @!p0 s5, $0x0  }
0x1f: {  	s9 =	smul.u32 $0xF7A, s1;
	s8 =	simm.s32 @!p0 $0x1BF5;
	p2 =	por !p2, p0  }
0x20: {  	[sflag:s8] =	ssyncset.s32 @!p0 $0xFFFFF086;
	s6 =	sadd.s32 @!p0 s3, s7;
	s7 =	simm.s32 @!p0 $0x108  }
0x21: {  	s3 =	sadd.s32 s3, s9;
	s6 =	sadd.s32 @!p0 $0x88, s6;
	s7 =	simm.s32 @p2 $0x1082  }
0x22: {  	[simem:s7], [sflag:s8] =	dma.local @!p0 [hbm:s6], $0xF7A  }
0x23: {  	s9 =	sor.u32 $0xD0000000, s2;
	s6 =	simm.s32 $0x108;
	_ =	swait.ge @!p0 [sflag:s8], $0x0  }
0x24: {  	s3 =	sadd.s32 $0x88, s3;
	s6 =	simm.s32 @!p1 $0x1082;
	[sflag:s4] =	ssyncset.s32 $0xFFFFF086  }
0x25: {  	[simem:s6], [sflag:s4] =	dma.local [hbm:s3], $0xF7A  }
0x26: {  	[smem:$0x3F64] =	sst s1;
	(tag) =	ssettag s2;
	_ =	strace s9  }
0x27: {  	s1 =	sld [smem:$0x3F74]  }
0x28: {  	s2 =	sld [smem:$0x3F75]  }
0x29: {  	s4 =	sld [smem:$0x3F77]  }
0x2a: {  	p0 =	seq.s32 s5, $0x0;
	s5 =	sld [smem:$0x3F78]  }
0x2b: {  	s6 =	sld [smem:$0x3F79]  }
0x2c: {  	s7 =	sld [smem:$0x3F7A]  }
0x2d: {  	s3 =	simm.s32 $0x108;
	s8 =	sld [smem:$0x3F7B]  }
0x2e: {  	s3 =	simm.s32 @!p0 $0x1082;
	s9 =	sld [smem:$0x3F7C]  }
0x2f: {  	lr =	sadd.s32 s0, s3;
	s0 =	sld [smem:$0x3F73]  }
0x30: {  	s3 =	sld [smem:$0x3F76]  }
0x31: {  	[smem:$0x3F7F] =	sst s10  }
0x32: {  	s10 =	sld [smem:$0x3F7D];
	_ =	sdelay $0x3  }
0x33: {  	p0 =	seq.s32 s10, $0x1;
	s10 =	sld [smem:$0x3F7F];
	_ =	sdelay $0x3  }
0x34: {  	[smem:$0x3F7F] =	sst s10  }
0x35: {  	s10 =	sld [smem:$0x3F7E];
	_ =	sdelay $0x3  }
0x36: {  	p1 =	seq.s32 s10, $0x1;
	s10 =	sld [smem:$0x3F7F];
	_ =	sdelay $0x3  }
0x37: {  	[smem:$0x3F7F] =	sst s10  }
0x38: {  	s10 =	sld [smem:$0x3F80]  }
0x39: {  	_ = 	snop;
	(pc) =	sbr.ind lr, $3  }
0x3a: {  	_ = 	snop  }
0x3b: {  	_ = 	snop  }
0x3c: {  	p2 =	seq.s32 s10, $0x1;
	s10 =	sld [smem:$0x3F7F]  }
0x3d: {  	_ =	shalt  }
0x3e: {  	_ =	shalt  }
0x3f: {  	_ =	shalt  }
0x40: {  	_ =	shalt  }
0x41: {  	_ =	shalt  }
0x42: {  	_ =	shalt  }
0x43: {  	_ =	shalt  }
0x44: {  	_ =	shalt  }
0x45: {  	_ =	shalt  }
0x46: {  	_ =	shalt  }
0x47: {  	_ =	shalt  }
0x48: {  	_ =	shalt  }
0x49: {  	_ =	shalt  }
0x4a: {  	_ =	shalt  }
0x4b: {  	_ =	shalt  }
0x4c: {  	_ =	shalt  }
0x4d: {  	_ =	shalt  }
0x4e: {  	_ =	shalt  }
0x4f: {  	_ =	shalt  }
0x50: {  	_ =	shalt  }
0x51: {  	_ =	shalt  }
0x52: {  	_ =	shalt  }
0x53: {  	_ =	shalt  }
0x54: {  	_ =	shalt  }
0x55: {  	_ =	shalt  }
0x56: {  	_ =	shalt  }
0x57: {  	_ =	shalt  }
0x58: {  	_ =	shalt  }
0x59: {  	_ =	shalt  }
0x5a: {  	_ =	shalt  }
0x5b: {  	_ =	shalt  }
0x5c: {  	_ =	shalt  }
0x5d: {  	_ =	shalt  }
0x5e: {  	_ =	shalt  }
0x5f: {  	_ =	shalt  }
0x60: {  	_ =	shalt  }
0x61: {  	_ =	shalt  }
0x62: {  	_ =	shalt  }
0x63: {  	_ =	shalt  }
0x64: {  	_ =	shalt  }
0x65: {  	_ =	shalt  }
0x66: {  	_ =	shalt  }
0x67: {  	_ =	shalt  }
0x68: {  	_ =	shalt  }
0x69: {  	_ =	shalt  }
0x6a: {  	_ =	shalt  }
0x6b: {  	_ =	shalt  }
0x6c: {  	_ =	shalt  }
0x6d: {  	_ =	shalt  }
0x6e: {  	_ =	shalt  }
0x6f: {  	_ =	shalt  }
0x70: {  	_ =	shalt  }
0x71: {  	_ =	shalt  }
0x72: {  	_ =	shalt  }
0x73: {  	_ =	shalt  }
0x74: {  	_ =	shalt  }
0x75: {  	_ =	shalt  }
0x76: {  	_ =	shalt  }
0x77: {  	_ =	shalt  }
0x78: {  	_ =	shalt  }
0x79: {  	_ =	shalt  }
0x7a: {  	_ =	shalt  }
0x7b: {  	_ =	shalt  }
0x7c: {  	_ =	shalt  }
0x7d: {  	_ =	shalt  }
0x7e: {  	_ =	shalt  }
0x7f: {  	_ =	shalt  }
0x80: {  	_ =	shalt  }
0x81: {  	_ =	shalt  }
0x82: {  	_ =	shalt  }
0x83: {  	_ =	shalt  }
0x84: {  	_ =	shalt  }
0x85: {  	_ =	shalt  }
0x86: {  	_ =	shalt  }
0x87: {  	_ =	shalt  }
.Lfunc_end0:
.L_simem_size_0:
called_computation.1_lowered:
.L_overlay_start_0:
0x88: {  	s2 =	sld [smem:$0x3FD9]  }
0x89: {  	s3 =	sld [smem:$0x3FFE];
	_ =	sdelay $0x1  }
0x8a: {  	s1 =	srdreg.scid  }
0x8b: {  	s0 =	sand.u32 $0x1, s1  }
0x8c: {  	s15 =	sshll.u32 s0, $0xA;
	s2 =	sadd.s32 s3, s2  }
0x8d: {  	s2 =	sadd.s32 s2, s15  }
0x8e: {  	[smem:$0x3F8B] =	sst s2  }
0x8f: {  	_ = 	snop  }
0x90: {  	(tm) =	ssettm $0x1  }
0x91: {  	s16 =	sld [smem:$0x3FFB];
	_ =	sdelay $0x3  }
0x92: {  	_ =	strace s16  }
0x93: {  	s2 =	sld [smem:$0x3FFC];
	_ =	sdelay $0x3  }
0x94: {  	_ =	strace s2  }
0x95: {  	s2 =	sld [smem:$0x3FFD];
	_ =	sdelay $0x3  }
0x96: {  	_ =	strace s2  }
0x97: {  	_ =	strace $0x8FFFFFFF  }
0x98: {  	s17 =	sld [smem:$0x3FDB];
	_ =	sdelay $0x1  }
0x99: {  	s18 =	simm.s32 $_scs_section_size  }
0x9a: {  	s4 =	simm.s32 $_size__tile_overlayer_lowered;
	s5 =	simm.s32 $_tile_overlayer_lowered  }
0x9b: {  	s21 =	simm.s32 $0x1BFF;
	s20 =	sshll.u32 s5, $0x1;
	s2 =	sadd.s32 s18, s17  }
0x9c: {  	s6 =	simm.s32 $0x0;
	s19 =	sshll.u32 s4, $0x1;
	s4 =	sadd.s32 s20, s2  }
0x9d: {  	[timem:s6], [sflag:s21] =	dma.local [hbm:s4], s19  }
0x9e: {  	_ =	swait.ge [sflag:s21], s19  }
0x9f: {  	s3 =	ssub.s32 $0x0, s19;
	[sflag:s21] =	ssyncset.done $0x0  }
0xa0: {  	[sflag:s21] =	ssyncadd.s32 s3;
	_ =	sdelay $0x1  }
0xa1: {  	s22 =	simm.s32 $0x1B8B  }
0xa2: {  	_ =	swait.ge [sflag:s22], $0x1  }
0xa3: {  	[sflag:s22] =	ssyncset.done $0x0  }
0xa4: {  	s23 =	sld [smem:$0x3FFE];
	[sflag:s22] =	ssyncadd.s32 $0xFFFFFFFF  }
0xa5: {  	s25 =	simm.s32 $0x1B8E;
	s24 =	sld [smem:$0x0]  }
0xa6: {  	s26 =	simm.s32 $execute0_lowered;
	[smem:$0x3FD2] =	sst s25  }
0xa7: {  	s5 =	sshll.u32 s26, $0x1;
	_ =	strace $0x80000049;
	[dreg:$0x1] =	wrdreg $0xFFFFFFFF  }
0xa8: {  	s28 =	simm.s32 $_size_execute0_lowered;
	s2 =	sadd.s32 s2, s5;
	[dreg:$0x0] =	wrdreg $0x0  }
0xa9: {  	s5 =	sshll.u32 s28, $0x1;
	[dreg:$0x2] =	wrdreg s2  }
0xaa: {  	[dreg:$0x3] =	wrdreg s5  }
0xab: {  	[dreg:$0x4] =	wrdreg $0xC0  }
0xac: {  	_ =	task [dreg:s6], $0x5FFFF  }
0xad: {  	[dreg:$0x1] =	wrdreg $0xFFFFFFFF  }
0xae: {  	[dreg:$0x0] =	wrdreg $0x60  }
0xaf: {  	[dreg:$0x2] =	wrdreg s23  }
0xb0: {  	[dreg:$0x3] =	wrdreg s1  }
0xb1: {  	[dreg:$0x4] =	wrdreg s24  }
0xb2: {  	[dreg:$0x5] =	wrdreg $0x9  }
0xb3: {  	_ =	task.clear_ibuf [dreg:s6], $0x6FFFF;
	_ =	strace $0x90000049  }
0xb4: {  	s29 =	simm.s32 $0x9;
	_ =	strace $0x8000004B  }
0xb5: {  	_ =	swait.ge [sflag:s29], $0x1  }
0xb6: {  	[sflag:s29] =	ssyncadd.s32 $0xFFFFFFFF  }
0xb7: {  	_ =	strace $0x9000004B  }
0xb8: {  	_ =	sfence  }
0xb9: {  	s30 =	sld [smem:$0x0];
	_ =	sdelay $0x2  }
0xba: {  	s31 =	sshll.u32 s1, $0xD;
	s1 =	sshrl.u32 s1, $0x2  }
0xbb: {  	s3 =	sand.u32 $0x4000, s31;
	s1 =	sadd.s32 s1, s30  }
0xbc: {  	s0 =	sor.u32 s3, s0;
	s1 =	sshll.u32 s1, $0x11  }
0xbd: {  	s0 =	sor.u32 s1, s0  }
0xbe: {  	s0 =	sadd.s32 $0x8F2B, s0  }
0xbf: {  	[sflag:s0] =	ssyncadd.remote.s32 $0x1  }
0xc0: {  	_ =	sfence.sel $0xFFFF  }
0xc1: {  	[dreg:$0x0] =	wrdreg $0xFFFFFFFF;
	(pc) =	sbr.abs _section_cstart, $3  }
0xc2: {  	[dreg:$0x1] =	wrdreg $0xFFFFFFFF  }
0xc3: {  	_ =	task.clear_ibuf [dreg:s6], $0x2FFFF;
	_ =	strace $0x9FFFFFFF  }
0xc4: {  	(tm) =	ssettm $0x7FFFFFFF  }
0xc5: {  	_ =	shalt  }
tec
execute0_lowered:
.L_overlay_start_1:
0x0: {  	(tag) =	ssettag $0x1  }
0x1: {  	s2 =	rddreg [dreg:$0x0]  }
0x2: {  	s3 =	rddreg [dreg:$0x1];
	_ =	strace $0x8000004A;
	s0 =	simm.s32 $0x1  }
0x3: {  	v0 =	vimm.s32 $0x0;
	[sflag:s0] =	ssyncpa.u1 $0x0;
	s0 =	simm.s32 $0x108  }
0x4: {  	[tilespmem:s0+$0x70] =	vst v0  }
0x5: {  	[tilespmem:s0+$0x60] =	vst v0  }
0x6: {  	[tilespmem:s0+$0x50] =	vst v0  }
0x7: {  	[tilespmem:s0+$0x40] =	vst v0  }
0x8: {  	[tilespmem:s0+$0x30] =	vst v0  }
0x9: {  	s1 =	sadd.s32 $0x11200, s2;
	s15 =	sadd.s32 $0xDD400, s2;
	s6 =	sadd.s32 $0xE2400, s2;
	[tilespmem:s0+$0x20] =	vst v0  }
0xa: {  	s14 =	sadd.s32 $0xC200, s2;
	s5 =	sand.u32 $0x1, s3;
	s3 =	simm.s32 $0x40;
	[tilespmem:s0+$0x10] =	vst v0  }
.LBB2_1:
0xb: {  	s3 =	sadd.s32 $0x40, s3;
	[tilespmem:s0+$0x0] =	vst v0;
	s0 =	sadd.s32 $0x80, s0  }
0xc: {  	p0 =	slt.u32 s3, $0x3C40;
	[tilespmem:s0+$0x70] =	vst v0  }
0xd: {  	[tilespmem:s0+$0x60] =	vst v0  }
.Ltmp0:
0xe: {  	[tilespmem:s0+$0x50] =	vst v0;
	(pc) =	sbr.rel @p0 .LBB2_1-.Ltmp0, $4  }
0xf: {  	[tilespmem:s0+$0x40] =	vst v0  }
0x10: {  	[tilespmem:s0+$0x30] =	vst v0  }
0x11: {  	[tilespmem:s0+$0x20] =	vst v0  }
0x12: {  	[tilespmem:s0+$0x10] =	vst v0  }
0x13: {  	s9 =	stileid.u32  }
0x14: {  	s2 =	smul.u32 $0x14, s9  }
0x15: {  	s3 =	smin.u32 s9, $0xE  }
0x16: {  	s2 =	sadd.s32 s3, s2  }
0x17: {  	p0 =	slt.u32 s9, $0xE;
	s7 =	smul.u32 $0xF0, s2;
	s2 =	simm.s32 $0x13B0  }
0x18: {  	s2 =	simm.s32 @!p0 $0x12C0  }
0x19: {  	s2 =	sadd.s32 s2, s7  }
0x1a: {  	s8 =	smin.u32 s2, $0x13880  }
0x1b: {  	s2 =	ssub.s32 s8, s7  }
0x1c: {  	p0 =	sgt.s32 s2, $0x0  }
0x1d: {  	s29 =	simm.s32 $0x2;
	s10 =	simm.s32 $0x9;
	s2 =	simm.s32 @!p0 $0x0  }
0x1e: {  	s4 =	simm.s32 $0xA;
	s11 =	simm.s32 $0xB;
	s28 =	smulhi.u32 $0x88888889, s2  }
0x1f: {  	[dreg:$0x4] =	wrdreg s5;
	s31 =	smul.u32 $0x2710, s5;
	s12 =	simm.s32 $0x1  }
0x20: {  	s22 =	simm.s32 $0x0;
	s18 =	simm.s32 $0xC;
	s30 =	sshrl.u32 s28, $0x7  }
0x21: {  	s20 =	simm.s32 $0x0;
	s21 =	simm.s32 $0x0;
	s3 =	smul.u32 $0xF0, s30  }
.Ltmp1:
0x22: {  	[tilespmem:s0+$0x0] =	vst v0;
	v0 =	vimm.s32 $0xFFFFFFFF;
	[sflag:s29] =	ssyncpa.u1 $0x0;
	s16 =	sshll.u32 s9, $0x8;
	(pc) =	sbr.rel .LBB2_3-.Ltmp1, $4  }
0x23: {  	[tilespmem:$0xF208] =	vst v0;
	[sflag:s10] =	ssyncpa.u1 $0x0;
	p0 =	sne.s32 s2, s3;
	s2 =	simm.s32 $0x1  }
0x24: {  	s14 =	sadd.s32 s31, s14;
	[sflag:s4] =	ssyncpa.u1 $0x0;
	s2 =	simm.s32 @!p0 $0x0  }
0x25: {  	s15 =	sadd.s32 s31, s15;
	[sflag:s11] =	ssyncpa.u1 $0x0;
	s13 =	sadd.s32 s2, s30  }
0x26: {  	v0 =	vlaneseq.u32;
	s19 =	smov.u32 s7;
	p0 =	por $0x0, $0x0;
	s17 =	sadd.s32 $0x1, s13  }
.LBB2_18:
0x27: {  	s0 =	sshrl.u32 s31, $0x2  }
.LBB2_20:
0x28: {  	_ =	swait.ge [sflag:s18], s0  }
0x29: {  	s31 =	ssub.s32 $0x0, s0;
	v1 =	vmov s24;
	vm0 =	veq.s32 v0, $0x0;
	[sflag:s18] =	ssyncset.done $0x0  }
0x2a: {  	vm15 =	veq.s32 v0, $0x2;
	v1 =	vsel vm0, s30, v1;
	[sflag:s18] =	ssyncadd.s32 s31  }
0x2b: {  	v1 =	vsel vm15, s22, v1;
	[sflag:s18] =	ssyncpa.u1 $0x1  }
0x2c: {  	[tilespmem:$0xF208] =	vst v1  }
.LBB2_21:
0x2d: {  	s0 =	sadd.s32 $0xF0, s19  }
0x2e: {  	s2 =	smov.u32 s7;
	p1 =	slt.s32 s0, s8  }
0x2f: {  	s2 =	smov.u32 @p1 s0;
	p1 =	sne.s32 s21, s17  }
.Ltmp2:
0x30: {  	_ = 	snop;
	(pc) =	sbr.rel @!p1 .LBB2_22-.Ltmp2, $3  }
0x31: {  	_ =	sdelay $0x1  }
0x32: {  	s22 =	smov.u32 s20;
	s31 =	sadd.s32 $0x1, s21;
	s20 =	smov.u32 s19  }
0x33: {  	p0 =	por !p0, !p0;
	s21 =	smov.u32 s31;
	s19 =	smov.u32 s2  }
.LBB2_3:
0x34: {  	p1 =	sge.u32 s21, s13  }
0x35: {  	s0 =	smulhi.u32 @!p1 $0xAAAAAAAB, s21  }
0x36: {  	s2 =	smov.u32 s19;
	p2 =	sgt.s32 @!p1 s19, $0x13790  }
0x37: {  	s3 =	sshra.s32 @!p1 s19, $0x1F;
	p2 =	por !p2, p1;
	s0 =	sshrl.u32 @!p1 s0, $0x1  }
0x38: {  	s3 =	sand.u32 @!p1 s3, s19;
	s2 =	simm.s32 @p2 $0x13790;
	s0 =	smul.u32 @!p1 $0x3, s0  }
0x39: {  	s2 =	ssub.s32 @!p1 s2, s3  }
0x3a: {  	s2 =	sadd.s32 @!p1 $0xFFFEC870, s2;
	s0 =	ssub.s32 @!p1 s21, s0  }
0x3b: {  	s3 =	sshll.u32 @!p1 s2, $0x2;
	p2 =	sgt.s32 @!p1 s2, $0xEF;
	s0 =	smul.u32 @!p1 $0x3C0, s0  }
0x3c: {  	s4 =	sand.u32 @!p1 $0x7, s19;
	s2 =	ssub.s32 @!p1 $0x3C0, s3;
	p2 =	por !p2, p1  }
0x3d: {  	s3 =	sshrl.u32 @!p1 s19, $0x3;
	s2 =	sshrl.u32 @!p1 s2, $0x2;
	s0 =	sshrl.u32 @!p1 s0, $0x2  }
0x3e: {  	s3 =	sadd.s32 @!p1 s3, s14;
	s2 =	simm.s32 @!p2 $0x0;
	s0 =	sadd.s32 @!p1 $0x10248, s0  }
0x3f: {  	[tilespmem:s0], [sflag:$0xA] =	stream.linear.gather @!p1 [hbm4b:s3+s4], s2, $0x38;
	[tilespmem:$0x1F6F8] =	vst v63  }
0x40: {  	s0 =	sadd.s32 $0xFFFFFFFF, s21  }
0x41: {  	p1 =	sge.u32 s0, s13  }
0x42: {  	p2 =	sgt.s32 @!p1 s20, $0x13790  }
0x43: {  	s2 =	smov.u32 s20;
	s3 =	sshra.s32 @!p1 s20, $0x1F;
	p2 =	por !p2, p1  }
0x44: {  	s3 =	sand.u32 @!p1 s3, s20;
	s2 =	simm.s32 @p2 $0x13790  }
0x45: {  	s2 =	ssub.s32 @!p1 s2, s3  }
0x46: {  	s2 =	sadd.s32 @!p1 $0xFFFEC870, s2  }
0x47: {  	s4 =	sand.u32 @!p1 $0x1, s0;
	s3 =	sshll.u32 @!p1 s2, $0x2  }
0x48: {  	p2 =	sgt.s32 @!p1 s2, $0xEF;
	s2 =	ssub.s32 @!p1 $0x3C0, s3;
	s3 =	smulhi.u32 @!p1 $0xAAAAAAAB, s0  }
0x49: {  	s23 =	smul.u32 @!p1 $0x3C0, s4;
	p2 =	por !p2, p1;
	s2 =	sshrl.u32 @!p1 s2, $0x2  }
0x4a: {  	s5 =	simm.s32 @!p1 $0xA;
	s2 =	simm.s32 @!p2 $0x0;
	s3 =	sshrl.u32 @!p1 s3, $0x1  }
0x4b: {  	s23 =	sshrl.u32 @!p1 s23, $0x2;
	_ =	swait.ge @!p1 [sflag:s5], s2;
	s3 =	smul.u32 @!p1 $0x3, s3  }
0x4c: {  	s23 =	sadd.s32 @!p1 $0x10518, s23;
	s24 =	ssub.s32 @!p1 $0x0, s2;
	[sflag:s5] =	ssyncset.done @!p1 $0x0  }
0x4d: {  	[sflag:s5] =	ssyncadd.s32 @!p1 s24;
	s5 =	sshrl.u32 @!p1 s20, $0x3;
	s0 =	ssub.s32 @!p1 s0, s3  }
0x4e: {  	s24 =	sand.u32 @!p1 $0x7, s20;
	s5 =	sadd.s32 @!p1 s5, s15;
	s0 =	smul.u32 @!p1 $0x3C0, s0  }
0x4f: {  	[tilespmem:s23], [sflag:$0xB] =	stream.linear.gather @!p1 [hbm4b:s5+s24], s2, $0x38;
	[tilespmem:$0x1F6F8] =	vst v63  }
0x50: {  	s3 =	ssub.s32 @!p1 $0x13880, s20;
	s2 =	smul.u32 @!p1 $0x1E000, s4  }
0x51: {  	p2 =	slt.s32 @!p1 s3, $0xF0  }
0x52: {  	p2 =	por !p2, p1;
	s0 =	sshrl.u32 @!p1 s0, $0x2;
	s2 =	sshrl.u32 @!p1 s2, $0x2  }
0x53: {  	s3 =	simm.s32 @p2 $0xF0;
	s0 =	sadd.s32 @!p1 $0x10248, s0;
	s2 =	sor.u32 @!p1 $0x106F8, s2  }
0x54: {  	[tilespmem:s2], [sflag:$0x9] =	stream.indirect.gather @!p1 [hbm4b:s6+s3], $0x80, s0, s3, $0xb8;
	[tilespmem:$0x1F6F8] =	vst v63  }
0x55: {  	p1 =	slt.u32 s21, $0x2  }
.Ltmp3:
0x56: {  	_ = 	snop;
	(pc) =	sbr.rel @p1 .LBB2_21-.Ltmp3, $1  }
0x57: {  	_ =	sdelay $0x3  }
0x58: {  	p1 =	sgt.s32 s22, $0x13790  }
0x59: {  	s0 =	smov.u32 s22;
	s2 =	sshra.s32 s22, $0x1F;
	s3 =	ssub.s32 $0x13880, s22  }
0x5a: {  	s0 =	simm.s32 @!p1 $0x13790;
	s2 =	sand.u32 s2, s22;
	p1 =	slt.s32 s3, $0xF0  }
0x5b: {  	s0 =	ssub.s32 s0, s2;
	s3 =	simm.s32 @!p1 $0xF0  }
0x5c: {  	s0 =	sadd.s32 $0xFFFEC870, s0;
	s25 =	sshll.u32 s3, $0x7  }
0x5d: {  	s26 =	sshll.u32 s0, $0x2;
	s2 =	sand.u32 $0x3FFFFF80, s25  }
0x5e: {  	p1 =	sgt.s32 s0, $0xEF;
	s29 =	ssub.s32 $0x3C0, s26;
	_ =	swait.ge [sflag:s10], s2  }
0x5f: {  	s2 =	ssub.s32 $0x0, s2;
	[sflag:s10] =	ssyncset.done $0x0;
	s0 =	sshrl.u32 s29, $0x2  }
0x60: {  	[sflag:s10] =	ssyncadd.s32 s2;
	s0 =	simm.s32 @p1 $0x0  }
0x61: {  	_ =	swait.ge [sflag:s11], s0  }
0x62: {  	s0 =	ssub.s32 $0x0, s0;
	[sflag:s11] =	ssyncset.done $0x0  }
0x63: {  	[sflag:s11] =	ssyncadd.s32 s0  }
0x64: {  	v1 =	vld [tilespmem:$0xF208];
	_ =	sdelay $0x4  }
0x65: {  	(v2sf) =	vpush v1, $0x0  }
0x66: {  	(v2sf) =	vpush v1, $0x1  }
0x67: {  	(v2sf) =	vpush v1, $0x2;
	_ =	sdelay $0x3  }
0x68: {  	s0 =	sadd.s32 $0xF0, s22  }
0x69: {  	s2 =	ssub.s32 $0x27100, s22;
	p1 =	slt.s32 s8, s0  }
0x6a: {  	s0 =	smov.u32 @p1 s8;
	p1 =	sgt.s32 s2, $0x0  }
0x6b: {  	s26 =	ssub.s32 s0, s22;
	s2 =	simm.s32 @!p1 $0x0  }
0x6c: {  	p1 =	slt.s32 s2, s26  }
0x6d: {  	s26 =	smov.u32 @p1 s2  }
0x6e: {  	s25 =	simm.s32 $0x1;
	p1 =	slt.s32 s26, $0x1  }
.Ltmp4:
0x6f: {  	s25 =	simm.s32 @!p0 $0x0;
	(pc) =	sbr.rel @p1 .LBB2_8-.Ltmp4, $4  }
0x70: {  	s31 =	smul.u32 $0x3C0, s25  }
0x71: {  	s28 =	spop (v2sf)  }
0x72: {  	s0 =	sshrl.u32 s31, $0x2;
	s30 =	spop (v2sf)  }
0x73: {  	s23 =	sadd.s32 $0x10518, s0;
	s22 =	spop (v2sf)  }
0x74: {  	s0 =	smin.u32 s26, $0x10  }
0x75: {  	v1 =	vmov s0  }
0x76: {  	p2 =	sgt.s32 s26, $0x10;
	vm1 =	vgt.u32 v1, v0  }
.Ltmp5:
0x77: {  	_ = 	snop;
	(pc) =	sbr.rel @!p2 .LBB2_7-.Ltmp5, $2  }
0x78: {  	_ =	sdelay $0x2  }
0x79: {  	s4 =	simm.s32 $0x10;
	s24 =	sadd.s32 $0xFFFFFFF0, s26;
	s0 =	smov.u32 s23;
	vm0 =	vmmov vm1  }
.LBB2_6:
0x7a: {  	s2 =	smin.u32 s24, $0x10;
	s4 =	sadd.s32 $0x10, s4;
	v1 =	vld.msk [tilespmem:s0+$0x0 ss:$0x1], vm1  }
0x7b: {  	v2 =	vmov s2;
	p2 =	slt.s32 s4, s26  }
0x7c: {  	vm1 =	vgt.u32 v2, v0  }
.Ltmp6:
0x7d: {  	(pc) =	sbr.rel @p2 .LBB2_6-.Ltmp6, $3  }
0x7e: {  	_ =	sdelay $0x1  }
0x7f: {  	v1 =	vshll.u32 v1, $0x4  }
0x80: {  	s24 =	sadd.s32 $0xFFFFFFF0, s24;
	[tilespmem:s0+$0x0] =	vst.msk vm0, v1;
	s0 =	sadd.s32 $0x10, s0;
	vm0 =	vmmov vm1  }
.LBB2_7:
0x81: {  	_ =	sdelay $0x4  }
0x82: {  	v1 =	vld.msk [tilespmem:s0+$0x0 ss:$0x1], vm1;
	_ =	sdelay $0x4  }
0x83: {  	v1 =	vshll.u32 v1, $0x4  }
0x84: {  	[tilespmem:s0+$0x0] =	vst.msk vm0, v1  }
.LBB2_8:
0x85: {  	s0 =	sand.u32 $0x1, s21  }
0x86: {  	s2 =	smul.u32 $0x7800, s0  }
0x87: {  	p2 =	sne.s32 s30, $0xFFFFFFFF  }
0x88: {  	v1 =	vld @!p2 [tilespmem:s2+$0x106F8];
	_ =	sdelay $0x2  }
0x89: {  	s0 =	smul.u32 $0xF0, s0;
	_ =	sdelay $0x1  }
0x8a: {  	v2 =	vld.msk @!p2 [tilespmem:s0+$0x10518], $0x1;
	[tilespmem:$0x108] =	vst @!p2 v1  }
0x8b: {  	v1 =	vld @!p2 [tilespmem:s2+$0x10708];
	_ =	sdelay $0x4  }
0x8c: {  	[tilespmem:$0x118] =	vst @!p2 v1  }
0x8d: {  	v1 =	vld @!p2 [tilespmem:s2+$0x10718];
	_ =	sdelay $0x4  }
0x8e: {  	[tilespmem:$0x128] =	vst @!p2 v1  }
0x8f: {  	v1 =	vld @!p2 [tilespmem:s2+$0x10728];
	_ =	sdelay $0x4  }
0x90: {  	[tilespmem:$0x138] =	vst @!p2 v1  }
0x91: {  	v1 =	vld @!p2 [tilespmem:s2+$0x10738];
	_ =	sdelay $0x4  }
0x92: {  	[tilespmem:$0x148] =	vst @!p2 v1  }
0x93: {  	(v2sf) =	vpush @!p2 v2, $0x0;
	v1 =	vld @!p2 [tilespmem:s2+$0x10748];
	_ =	sdelay $0x4  }
0x94: {  	[tilespmem:$0x158] =	vst @!p2 v1  }
0x95: {  	v1 =	vld @!p2 [tilespmem:s2+$0x10758];
	_ =	sdelay $0x4  }
0x96: {  	[tilespmem:$0x168] =	vst @!p2 v1  }
0x97: {  	v1 =	vld @!p2 [tilespmem:s2+$0x10768]  }
.Ltmp7:
0x98: {  	_ = 	snop;
	(pc) =	sbr.rel @p1 .LBB2_19-.Ltmp7, $4  }
0x99: {  	_ = 	snop  }
0x9a: {  	s29 =	spop @!p2 (v2sf)  }
0x9b: {  	s22 =	simm.s32 @!p2 $0x0;
	s24 =	smov.u32 s29  }
0x9c: {  	s29 =	smov.u32 @p2 s28;
	s24 =	smov.u32 @p2 s30;
	[tilespmem:$0x178] =	vst @!p2 v1;
	[sflag:s18] =	ssyncpa.u1 $0x0  }
0x9d: {  	v1 =	vld.msk [tilespmem:s23+$0x0], $0x1;
	_ =	sdelay $0x4  }
0x9e: {  	(v2sf) =	vpush v1, $0x0;
	_ =	sdelay $0xe  }
0x9f: {  	s2 =	smul.u32 $0x1E000, s25;
	s0 =	spop (v2sf)  }
0xa0: {  	s26 =	ssub.s32 $0x0, s26;
	p1 =	seq.s32 s29, s0  }
0xa1: {  	s30 =	sadd.s32 $0x1, s26;
	s2 =	sshrl.u32 s2, $0x2;
	p2 =	sgt.s32 @!p1 s29, $0x0  }
0xa2: {  	s25 =	sor.u32 $0x10738, s2;
	s2 =	smov.u32 s29;
	p2 =	por !p2, p1  }
0xa3: {  	s2 =	simm.s32 @p2 $0x0;
	p2 =	seq.s32 s30, $0x0  }
.Ltmp8:
0xa4: {  	_ = 	snop;
	(pc) =	sbr.rel @p2 .LBB2_11-.Ltmp8, $4  }
0xa5: {  	_ = 	snop  }
0xa6: {  	s28 =	simm.s32 $0x0;
	s31 =	sadd.s32 $0x1, s23;
	s2 =	smin.u32 @!p1 s2, $0x270F0  }
0xa7: {  	s4 =	simm.s32 @!p1 $0x1;
	s5 =	simm.s32 @!p1 $0x7988;
	s3 =	sand.u32 @!p1 $0x3FFF8, s2  }
0xa8: {  	s4 =	smov.u32 @p1 s28;
	s2 =	sand.u32 @!p1 $0x7, s2;
	s3 =	sadd.s32 @!p1 s1, s3  }
.LBB2_10:
0xa9: {  	s9 =	smov.u32 s4  }
0xaa: {  	[tilespmem:s5], [sflag:$0x2] =	stream.linear.gather @!p1 [hbm4b:s3+s2], $0x80, $0x38;
	[tilespmem:$0x1F6F8] =	vst v63  }
0xab: {  	s30 =	sadd.s32 $0x1, s30;
	s2 =	smov.u32 s0;
	v1 =	vld.msk [tilespmem:s31+$0x0], $0x1  }
0xac: {  	p2 =	seq.s32 s30, $0x0;
	_ =	sdelay $0x3  }
0xad: {  	(v2sf) =	vpush v1, $0x0;
	_ =	sdelay $0xe  }
0xae: {  	s0 =	spop (v2sf)  }
0xaf: {  	p1 =	seq.s32 s2, s0  }
0xb0: {  	p3 =	sgt.s32 @!p1 s2, $0x0;
	s3 =	sshll.u32 @!p1 s4, $0x9;
	s4 =	sadd.s32 @!p1 $0x1, s4  }
.Ltmp9:
0xb1: {  	p3 =	por !p3, p1;
	s3 =	sshra.s32 @!p1 s3, $0x2;
	(pc) =	sbr.rel @!p2 .LBB2_10-.Ltmp9, $4  }
0xb2: {  	s4 =	smov.u32 @p1 s9;
	s2 =	simm.s32 @p3 $0x0;
	s5 =	sadd.s32 @!p1 $0x7988, s3  }
0xb3: {  	s2 =	smin.u32 @!p1 s2, $0x270F0  }
0xb4: {  	s3 =	sand.u32 @!p1 $0x3FFF8, s2;
	s2 =	sand.u32 @!p1 $0x7, s2  }
0xb5: {  	s31 =	sadd.s32 $0x1, s31;
	s3 =	sadd.s32 @!p1 s1, s3  }
.LBB2_11:
0xb6: {  	[tilespmem:s5], [sflag:$0x2] =	stream.linear.gather @!p1 [hbm4b:s3+s2], $0x80, $0x38;
	[tilespmem:$0x1F6F8] =	vst v63  }
.Ltmp10:
0xb7: {  	s0 =	sshll.u32 s4, $0x7;
	(pc) =	sbr.rel .LBB2_12-.Ltmp10, $4  }
0xb8: {  	s30 =	simm.s32 $0x2;
	s0 =	sand.u32 $0x3FFFFF80, s0  }
0xb9: {  	_ =	swait.ge [sflag:s30], s0  }
0xba: {  	s0 =	ssub.s32 $0x0, s0;
	[sflag:s30] =	ssyncset.done $0x0  }
0xbb: {  	s31 =	simm.s32 $0x0;
	[sflag:s30] =	ssyncadd.s32 s0  }
.LBB2_13:
0xbc: {  	s0 =	sshra.s32 s0, $0x2;
	v1 =	vld [tilespmem:s25+$0xFFFFFFC0]  }
0xbd: {  	v2 =	vld [tilespmem:s0+$0x108];
	_ =	sdelay $0x4  }
0xbe: {  	v1 =	vmax.f32 v1, v2  }
0xbf: {  	v2 =	vld [tilespmem:s0+$0x118];
	[tilespmem:s0+$0x108] =	vst v1  }
0xc0: {  	v1 =	vld [tilespmem:s25+$0xFFFFFFD0];
	_ =	sdelay $0x4  }
0xc1: {  	v1 =	vmax.f32 v1, v2  }
0xc2: {  	v2 =	vld [tilespmem:s0+$0x128];
	[tilespmem:s0+$0x118] =	vst v1  }
0xc3: {  	v1 =	vld [tilespmem:s25+$0xFFFFFFE0];
	_ =	sdelay $0x4  }
0xc4: {  	v1 =	vmax.f32 v1, v2  }
0xc5: {  	v2 =	vld [tilespmem:s0+$0x138];
	[tilespmem:s0+$0x128] =	vst v1  }
0xc6: {  	v1 =	vld [tilespmem:s25+$0xFFFFFFF0];
	_ =	sdelay $0x4  }
0xc7: {  	v1 =	vmax.f32 v1, v2  }
0xc8: {  	v2 =	vld [tilespmem:s0+$0x148];
	[tilespmem:s0+$0x138] =	vst v1  }
0xc9: {  	v1 =	vld [tilespmem:s25+$0x0];
	_ =	sdelay $0x4  }
0xca: {  	v1 =	vmax.f32 v1, v2  }
0xcb: {  	v2 =	vld [tilespmem:s0+$0x158];
	[tilespmem:s0+$0x148] =	vst v1  }
0xcc: {  	v1 =	vld [tilespmem:s25+$0x10];
	_ =	sdelay $0x4  }
0xcd: {  	v1 =	vmax.f32 v1, v2  }
0xce: {  	v2 =	vld [tilespmem:s0+$0x168];
	[tilespmem:s0+$0x158] =	vst v1  }
0xcf: {  	v1 =	vld [tilespmem:s25+$0x20];
	_ =	sdelay $0x4  }
0xd0: {  	v1 =	vmax.f32 v1, v2  }
0xd1: {  	v2 =	vld [tilespmem:s0+$0x178];
	[tilespmem:s0+$0x168] =	vst v1  }
0xd2: {  	v1 =	vld [tilespmem:s25+$0x30];
	_ =	sdelay $0x4  }
0xd3: {  	v1 =	vmax.f32 v1, v2  }
0xd4: {  	[tilespmem:s0+$0x178] =	vst v1  }
.LBB2_17:
0xd5: {  	s26 =	sadd.s32 $0x1, s26  }
0xd6: {  	p1 =	seq.s32 s26, $0x0  }
.Ltmp11:
0xd7: {  	_ = 	snop;
	(pc) =	sbr.rel @p1 .LBB2_18-.Ltmp11, $2  }
0xd8: {  	_ =	sdelay $0x2  }
0xd9: {  	s23 =	sadd.s32 $0x1, s23;
	s25 =	sadd.s32 $0x80, s25;
	s29 =	smov.u32 s30  }
.LBB2_12:
0xda: {  	v1 =	vld.msk [tilespmem:s23+$0x0], $0x1;
	_ =	sdelay $0x4  }
0xdb: {  	(v2sf) =	vpush v1, $0x0;
	_ =	sdelay $0xe  }
0xdc: {  	s30 =	spop (v2sf)  }
0xdd: {  	p1 =	sne.s32 s29, s30  }
.Ltmp12:
0xde: {  	_ = 	snop;
	(pc) =	sbr.rel @!p1 .LBB2_13-.Ltmp12, $2  }
0xdf: {  	_ =	sdelay $0x2  }
0xe0: {  	s0 =	sshll.u32 s22, $0x9  }
0xe1: {  	p1 =	seq.s32 s29, s24  }
.Ltmp13:
0xe2: {  	_ = 	snop;
	(pc) =	sbr.rel @!p1 .LBB2_15-.Ltmp13, $1  }
0xe3: {  	_ =	sdelay $0x3  }
0xe4: {  	s0 =	sshra.s32 s0, $0x2  }
.Ltmp14:
0xe5: {  	s0 =	sadd.s32 $0x108, s0;
	(pc) =	sbr.rel .LBB2_16-.Ltmp14, $4  }
0xe6: {  	[spmem:s16] =	stream.linear.scatter [tilespmem:s0], [sflag:$0x1], $0x80, $0x38;
	[tilespmem:$0x1F6F8] =	vst v63  }
0xe7: {  	_ =	swait.ge [sflag:s12], $0x80  }
0xe8: {  	[sflag:s12] =	ssyncset.done $0x0  }
0xe9: {  	[sflag:s12] =	ssyncadd.s32 $0xFFFFFF80  }
.LBB2_15:
0xea: {  	s2 =	sshll.u32 s28, $0x9;
	s0 =	sshra.s32 s0, $0x2  }
0xeb: {  	s2 =	sshra.s32 s2, $0x2;
	v2 =	vld [tilespmem:s0+$0x108]  }
0xec: {  	v1 =	vld [tilespmem:s2+$0x7988];
	_ =	sdelay $0x4  }
0xed: {  	v1 =	vmax.f32 v1, v2  }
0xee: {  	v2 =	vld [tilespmem:s0+$0x118];
	[tilespmem:s0+$0x108] =	vst v1  }
0xef: {  	v1 =	vld [tilespmem:s2+$0x7998];
	_ =	sdelay $0x4  }
0xf0: {  	v1 =	vmax.f32 v1, v2  }
0xf1: {  	v2 =	vld [tilespmem:s0+$0x128];
	[tilespmem:s0+$0x118] =	vst v1  }
0xf2: {  	v1 =	vld [tilespmem:s2+$0x79A8];
	_ =	sdelay $0x4  }
0xf3: {  	v1 =	vmax.f32 v1, v2  }
0xf4: {  	v2 =	vld [tilespmem:s0+$0x138];
	[tilespmem:s0+$0x128] =	vst v1  }
0xf5: {  	v1 =	vld [tilespmem:s2+$0x79B8];
	_ =	sdelay $0x4  }
0xf6: {  	v1 =	vmax.f32 v1, v2  }
0xf7: {  	v2 =	vld [tilespmem:s0+$0x148];
	[tilespmem:s0+$0x138] =	vst v1  }
0xf8: {  	v1 =	vld [tilespmem:s2+$0x79C8];
	_ =	sdelay $0x4  }
0xf9: {  	v1 =	vmax.f32 v1, v2  }
0xfa: {  	v2 =	vld [tilespmem:s0+$0x158];
	[tilespmem:s0+$0x148] =	vst v1  }
0xfb: {  	v1 =	vld [tilespmem:s2+$0x79D8];
	_ =	sdelay $0x4  }
0xfc: {  	v1 =	vmax.f32 v1, v2  }
0xfd: {  	v2 =	vld [tilespmem:s0+$0x168];
	[tilespmem:s0+$0x158] =	vst v1  }
0xfe: {  	v1 =	vld [tilespmem:s2+$0x79E8];
	_ =	sdelay $0x4  }
0xff: {  	v1 =	vmax.f32 v1, v2  }
0x100: {  	v2 =	vld [tilespmem:s0+$0x178];
	[tilespmem:s0+$0x168] =	vst v1  }
0x101: {  	v1 =	vld [tilespmem:s2+$0x79F8];
	_ =	sdelay $0x3  }
0x102: {  	p1 =	sgt.u32 s29, $0x270F0  }
0x103: {  	s2 =	sand.u32 @!p1 $0x3FFF8, s29;
	v1 =	vmax.f32 v1, v2  }
0x104: {  	s3 =	sadd.s32 $0x108, s0;
	[tilespmem:s0+$0x178] =	vst v1;
	s0 =	sadd.s32 @!p1 s1, s2;
	s2 =	sand.u32 @!p1 $0x7, s29  }
0x105: {  	[hbm4b:s0+s2] =	stream.linear.scatter @!p1 [tilespmem:s3], [sflag:$0xC], $0x80, $0x38;
	[tilespmem:$0x1F6F8] =	vst v63  }
0x106: {  	s0 =	simm.s32 $0x0  }
0x107: {  	s0 =	simm.s32 @!p1 $0x200  }
0x108: {  	s31 =	sadd.s32 s0, s31  }
.LBB2_16:
0x109: {  	s0 =	sadd.s32 $0x1, s22  }
0x10a: {  	s2 =	smulhi.u32 $0x88888889, s0;
	_ =	sdelay $0x1  }
0x10b: {  	v1 =	vld [tilespmem:s25+$0xFFFFFFC0];
	s2 =	sshrl.u32 s2, $0x7  }
0x10c: {  	s2 =	smul.u32 $0xF0, s2;
	_ =	sdelay $0x1  }
0x10d: {  	s22 =	ssub.s32 s0, s2  }
0x10e: {  	s0 =	sshll.u32 s22, $0x7  }
0x10f: {  	[tilespmem:s0+$0x108] =	vst v1  }
0x110: {  	v1 =	vld [tilespmem:s25+$0xFFFFFFD0];
	_ =	sdelay $0x4  }
0x111: {  	[tilespmem:s0+$0x118] =	vst v1  }
0x112: {  	v1 =	vld [tilespmem:s25+$0xFFFFFFE0];
	_ =	sdelay $0x4  }
0x113: {  	[tilespmem:s0+$0x128] =	vst v1  }
0x114: {  	v1 =	vld [tilespmem:s25+$0xFFFFFFF0];
	_ =	sdelay $0x4  }
0x115: {  	[tilespmem:s0+$0x138] =	vst v1  }
0x116: {  	v1 =	vld [tilespmem:s25+$0x0];
	_ =	sdelay $0x4  }
0x117: {  	[tilespmem:s0+$0x148] =	vst v1  }
0x118: {  	v1 =	vld [tilespmem:s25+$0x10];
	_ =	sdelay $0x4  }
0x119: {  	[tilespmem:s0+$0x158] =	vst v1  }
0x11a: {  	v1 =	vld [tilespmem:s25+$0x20];
	_ =	sdelay $0x4  }
0x11b: {  	[tilespmem:s0+$0x168] =	vst v1  }
0x11c: {  	v1 =	vld [tilespmem:s25+$0x30]  }
.Ltmp15:
0x11d: {  	_ = 	snop;
	(pc) =	sbr.rel .LBB2_17-.Ltmp15, $2  }
0x11e: {  	_ =	sdelay $0x2  }
0x11f: {  	s28 =	sadd.s32 $0x1, s28;
	[tilespmem:s0+$0x178] =	vst v1  }
.LBB2_19:
.Ltmp16:
0x120: {  	(pc) =	sbr.rel .LBB2_20-.Ltmp16, $4  }
0x121: {  	_ = 	snop  }
0x122: {  	s0 =	simm.s32 $0x2  }
0x123: {  	_ =	swait.ge [sflag:s0], $0x0  }
0x124: {  	s30 =	smov.u32 s29;
	[sflag:s0] =	ssyncset.done $0x0;
	s0 =	simm.s32 $0x0  }
.LBB2_22:
0x125: {  	_ =	sfence.sel $0x180000  }
0x126: {  	s0 =	simm.s32 $0x9;
	[bflag:$0x0] =	sbarrier.arrive $0xFFFF  }
0x127: {  	s24 =	simm.s32 $0xA;
	[sflag:s0] =	ssyncpa.u1 $0x1  }
0x128: {  	s25 =	simm.s32 $0xB;
	[sflag:s24] =	ssyncpa.u1 $0x1  }
0x129: {  	s26 =	simm.s32 $0x2;
	[sflag:s25] =	ssyncpa.u1 $0x1  }
0x12a: {  	[sflag:s26] =	ssyncpa.u1 $0x1  }
0x12b: {  	v0 =	vld [tilespmem:$0xF208];
	_ =	sdelay $0x4  }
0x12c: {  	(v2sf) =	vpush v0, $0x0  }
0x12d: {  	(v2sf) =	vpush v0, $0x1;
	_ =	sdelay $0x1  }
0x12e: {  	(v2sf) =	vpush v0, $0x2;
	_ =	sdelay $0xb  }
0x12f: {  	s0 =	spop (v2sf)  }
0x130: {  	s2 =	spop (v2sf)  }
0x131: {  	s3 =	smov.u32 s0;
	p0 =	sne.s32 s0, s2  }
0x132: {  	s4 =	spop (v2sf);
	s3 =	simm.s32 @!p0 $0xFFFFFFFF  }
0x133: {  	v2 =	vimm.s32 $0x1;
	v3 =	vlaneseq.u32;
	p0 =	seq.s32 s4, $0xFFFFFFFF;
	v1 =	vmov s3  }
0x134: {  	s16 =	stileid.u32;
	v0 =	vperm.xlane v0, v2;
	p1 =	sne.s32 @!p0 s0, s2;
	v1 =	vperm.xlane v1, v3  }
0x135: {  	vm0 =	vcmask $0x3F04;
	s6 =	simm.s32 $0xF208;
	s0 =	simm.s32 @!p0 $0x1;
	p1 =	por !p1, p0  }
0x136: {  	s3 =	sshll.u32 s16, $0x1;
	s2 =	sshll.u32 @!p0 s4, $0x9;
	s0 =	simm.s32 @p1 $0x0;
	v0 =	vsel vm0, v1, v0  }
0x137: {  	s5 =	sor.u32 $0x1000, s3;
	s2 =	sshra.s32 @!p0 s2, $0x2;
	s0 =	sor.u32 @!p0 s0, s3;
	[tilespmem:$0xF208] =	vst v0  }
0x138: {  	[spmem:s5] =	stream.linear.scatter [tilespmem:s6], [sflag:$0x1], $0x2, $0x38;
	[tilespmem:$0x1F6F8] =	vst v63  }
0x139: {  	s2 =	sadd.s32 @!p0 $0x108, s2;
	s0 =	sshll.u32 @!p0 s0, $0x7  }
0x13a: {  	[spmem:s0] =	stream.linear.scatter @!p0 [tilespmem:s2], [sflag:$0x1], $0x80, $0x38;
	[tilespmem:$0x1F6F8] =	vst v63  }
0x13b: {  	s0 =	simm.s32 @!p0 $0x82  }
0x13c: {  	s28 =	simm.s32 $0x1;
	s0 =	simm.s32 @p0 $0x2  }
0x13d: {  	_ =	swait.ge [sflag:s28], s0  }
0x13e: {  	s0 =	ssub.s32 $0x0, s0;
	[sflag:s28] =	ssyncset.done $0x0  }
0x13f: {  	p0 =	sne.s32 s16, $0x0;
	[sflag:s28] =	ssyncadd.s32 s0  }
.Ltmp17:
0x140: {  	_ =	sfence.stream.spmem;
	(pc) =	sbr.rel @p0 .LBB2_39-.Ltmp17, $4  }
0x141: {  	s29 =	simm.s32 $0x3;
	[bflag:$0x0] =	sbarrier.arrive $0xFFFF  }
0x142: {  	s30 =	simm.s32 $0x4;
	[sflag:s29] =	ssyncpa.u1 $0x1  }
0x143: {  	s31 =	simm.s32 $0x3C;
	[sflag:s30] =	ssyncpa.u1 $0x1  }
0x144: {  	s15 =	rddreg [dreg:$0x4];
	[sflag:s31] =	ssyncpa.u1 $0x1  }
0x145: {  	_ =	sfence.stream.spmem;
	s0 =	simm.s32 $0x5  }
0x146: {  	s2 =	simm.s32 $0x1000;
	s3 =	simm.s32 $0xF218;
	[sflag:s0] =	ssyncpa.u1 $0x0  }
0x147: {  	[tilespmem:s3], [sflag:$0x5] =	stream.linear.gather [spmem:s2], $0x20, $0x38;
	[tilespmem:$0x1F6F8] =	vst v63  }
0x148: {  	s26 =	simm.s32 $0x0;
	s28 =	simm.s32 $0xF238  }
0x149: {  	[tilespmem:s28], [sflag:$0x5] =	stream.linear.gather [spmem:s26], $0x1000, $0x38;
	[tilespmem:$0x1F6F8] =	vst v63  }
0x14a: {  	_ =	swait.ge [sflag:s0], $0x1020  }
0x14b: {  	[sflag:s0] =	ssyncset.done $0x0  }
0x14c: {  	s29 =	simm.s32 $0x0;
	[sflag:s0] =	ssyncadd.s32 $0xFFFFEFE0  }
0x14d: {  	v0 =	vld.msk [tilespmem:s29+$0xF218], $0x1;
	_ =	sdelay $0x1  }
0x14e: {  	s30 =	simm.s32 $0x1  }
0x14f: {  	v1 =	vld.msk [tilespmem:s30+$0xF218], $0x1;
	_ =	sdelay $0x1  }
0x150: {  	(v2sf) =	vpush v0, $0x0;
	_ =	sdelay $0x2  }
0x151: {  	(v2sf) =	vpush v1, $0x0;
	_ =	sdelay $0x2  }
0x152: {  	s31 =	simm.s32 $0x2  }
0x153: {  	v0 =	vld.msk [tilespmem:s31+$0xF218], $0x1;
	_ =	sdelay $0x2  }
0x154: {  	s4 =	simm.s32 $0xFFFFFFFF;
	s5 =	simm.s32 $0xFFFFFFFF;
	s0 =	simm.s32 $0xC  }
.LBB2_24:
0x155: {  	s2 =	smov.u32 s5;
	s3 =	smov.u32 s4  }
0x156: {  	s4 =	sshra.s32 s0, $0x2;
	p1 =	sne.s32 s0, $0x7C;
	s0 =	sadd.s32 $0x4, s0;
	(v2sf) =	vpush v0, $0x0  }
0x157: {  	v0 =	vld.msk [tilespmem:s4+$0xF218], $0x1  }
.Ltmp18:
0x158: {  	(pc) =	sbr.rel @p1 .LBB2_24-.Ltmp18, $4  }
0x159: {  	s5 =	spop (v2sf)  }
0x15a: {  	p2 =	sne.s32 s3, $0xFFFFFFFF;
	s4 =	smov.u32 s5  }
0x15b: {  	p3 =	seq.s32 s5, $0xFFFFFFFF;
	s4 =	smov.u32 @p2 s3  }
0x15c: {  	s5 =	smov.u32 @p3 s2;
	s4 =	smov.u32 @p3 s3  }
0x15d: {  	(v2sf) =	vpush v0, $0x0;
	_ =	sdelay $0x8  }
0x15e: {  	s0 =	spop (v2sf)  }
0x15f: {  	p1 =	sne.s32 s4, $0xFFFFFFFF;
	s2 =	smov.u32 s0  }
0x160: {  	s9 =	simm.s32 $0x6;
	p2 =	seq.s32 s0, $0xFFFFFFFF;
	s2 =	smov.u32 @p1 s4  }
0x161: {  	s6 =	simm.s32 $0x0;
	s2 =	smov.u32 @p2 s4;
	s3 =	spop (v2sf)  }
0x162: {  	s0 =	smov.u32 @p2 s5;
	p1 =	sne.s32 s2, $0xFFFFFFFF;
	s4 =	smov.u32 s3  }
.Ltmp19:
0x163: {  	p2 =	seq.s32 s3, $0xFFFFFFFF;
	s4 =	smov.u32 @p1 s2;
	(pc) =	sbr.rel .LBB2_26-.Ltmp19, $4  }
0x164: {  	s10 =	simm.s32 $0xF188;
	s4 =	smov.u32 @p2 s2;
	s7 =	spop (v2sf)  }
0x165: {  	s11 =	simm.s32 $0x0;
	p1 =	sne.s32 s4, $0xFFFFFFFF;
	s8 =	smov.u32 s7  }
0x166: {  	s3 =	smov.u32 @p2 s0;
	p2 =	seq.s32 s7, $0xFFFFFFFF;
	s8 =	smov.u32 @p1 s4  }
0x167: {  	[sflag:s9] =	ssyncpa.u1 $0x0;
	s7 =	smov.u32 @p2 s3;
	s8 =	smov.u32 @p2 s4  }
.LBB2_32:
0x168: {  	p1 =	sgt.u32 s12, $0x270F0  }
0x169: {  	p2 =	seq.s32 @!p1 s12, s8  }
0x16a: {  	p1 =	por p1, p2  }
0x16b: {  	p2 =	sne.s32 @!p1 s12, s7  }
0x16c: {  	p1 =	por p1, !p2  }
0x16d: {  	s0 =	sshll.u32 @p1 s11, $0x9  }
0x16e: {  	s0 =	sand.u32 @!p1 $0x3FFF8, s12  }
0x16f: {  	s2 =	sand.u32 @!p1 $0x7, s12;
	s0 =	sadd.s32 @!p1 s1, s0  }
0x170: {  	[tilespmem:s10], [sflag:$0x6] =	stream.linear.gather @!p1 [hbm4b:s0+s2], $0x80, $0x38;
	[tilespmem:$0x1F6F8] =	vst v63  }
0x171: {  	_ =	swait.ge @!p1 [sflag:s9], $0x80  }
0x172: {  	[sflag:s9] =	ssyncset.done @!p1 $0x0  }
0x173: {  	s0 =	sshll.u32 @!p1 s11, $0x9;
	[sflag:s9] =	ssyncadd.s32 @!p1 $0xFFFFFF80  }
0x174: {  	s2 =	sshrl.u32 @!p1 s0, $0x2;
	v1 =	vld @!p1 [tilespmem:$0xF188]  }
0x175: {  	v2 =	vld @!p1 [tilespmem:s2+$0xF238];
	_ =	sdelay $0x4  }
0x176: {  	v1 =	vmax.f32 @!p1 v1, v2  }
0x177: {  	v2 =	vld @!p1 [tilespmem:s2+$0xF248];
	[tilespmem:s2+$0xF238] =	vst @!p1 v1  }
0x178: {  	v1 =	vld @!p1 [tilespmem:$0xF198];
	_ =	sdelay $0x4  }
0x179: {  	v1 =	vmax.f32 @!p1 v1, v2  }
0x17a: {  	v2 =	vld @!p1 [tilespmem:s2+$0xF258];
	[tilespmem:s2+$0xF248] =	vst @!p1 v1  }
0x17b: {  	v1 =	vld @!p1 [tilespmem:$0xF1A8];
	_ =	sdelay $0x4  }
0x17c: {  	v1 =	vmax.f32 @!p1 v1, v2  }
0x17d: {  	v2 =	vld @!p1 [tilespmem:s2+$0xF268];
	[tilespmem:s2+$0xF258] =	vst @!p1 v1  }
0x17e: {  	v1 =	vld @!p1 [tilespmem:$0xF1B8];
	_ =	sdelay $0x4  }
0x17f: {  	v1 =	vmax.f32 @!p1 v1, v2  }
0x180: {  	v2 =	vld @!p1 [tilespmem:s2+$0xF278];
	[tilespmem:s2+$0xF268] =	vst @!p1 v1  }
0x181: {  	v1 =	vld @!p1 [tilespmem:$0xF1C8];
	_ =	sdelay $0x4  }
0x182: {  	v1 =	vmax.f32 @!p1 v1, v2  }
0x183: {  	v2 =	vld @!p1 [tilespmem:s2+$0xF288];
	[tilespmem:s2+$0xF278] =	vst @!p1 v1  }
0x184: {  	v1 =	vld @!p1 [tilespmem:$0xF1D8];
	_ =	sdelay $0x4  }
0x185: {  	v1 =	vmax.f32 @!p1 v1, v2  }
0x186: {  	v2 =	vld @!p1 [tilespmem:s2+$0xF298];
	[tilespmem:s2+$0xF288] =	vst @!p1 v1  }
0x187: {  	v1 =	vld @!p1 [tilespmem:$0xF1E8];
	_ =	sdelay $0x4  }
0x188: {  	v1 =	vmax.f32 @!p1 v1, v2  }
0x189: {  	v2 =	vld @!p1 [tilespmem:s2+$0xF2A8];
	[tilespmem:s2+$0xF298] =	vst @!p1 v1  }
0x18a: {  	v1 =	vld @!p1 [tilespmem:$0xF1F8];
	_ =	sdelay $0x4  }
0x18b: {  	v1 =	vmax.f32 @!p1 v1, v2  }
0x18c: {  	[tilespmem:s2+$0xF2A8] =	vst @!p1 v1  }
0x18d: {  	s0 =	sshrl.u32 s0, $0x2;
	[tilespmem:s6+$0xF218] =	vst.msk $0x1, v0  }
0x18e: {  	v0 =	vld [tilespmem:s0+$0xF238];
	_ =	sdelay $0x2  }
0x18f: {  	s31 =	sshll.u32 s6, $0x9  }
0x190: {  	s2 =	sshra.s32 s31, $0x2  }
0x191: {  	[tilespmem:s2+$0xF238] =	vst v0  }
0x192: {  	v0 =	vld [tilespmem:s0+$0xF248];
	_ =	sdelay $0x4  }
0x193: {  	[tilespmem:s2+$0xF248] =	vst v0  }
0x194: {  	v0 =	vld [tilespmem:s0+$0xF258];
	_ =	sdelay $0x4  }
0x195: {  	[tilespmem:s2+$0xF258] =	vst v0  }
0x196: {  	v0 =	vld [tilespmem:s0+$0xF268];
	_ =	sdelay $0x4  }
0x197: {  	[tilespmem:s2+$0xF268] =	vst v0  }
0x198: {  	v0 =	vld [tilespmem:s0+$0xF278];
	_ =	sdelay $0x4  }
0x199: {  	[tilespmem:s2+$0xF278] =	vst v0  }
0x19a: {  	v0 =	vld [tilespmem:s0+$0xF288];
	_ =	sdelay $0x4  }
0x19b: {  	[tilespmem:s2+$0xF288] =	vst v0  }
0x19c: {  	v0 =	vld [tilespmem:s0+$0xF298];
	_ =	sdelay $0x4  }
0x19d: {  	[tilespmem:s2+$0xF298] =	vst v0  }
0x19e: {  	v0 =	vld [tilespmem:s0+$0xF2A8];
	_ =	sdelay $0x4  }
0x19f: {  	s6 =	sadd.s32 $0x1, s6;
	[tilespmem:s2+$0xF2A8] =	vst v0  }
.LBB2_33:
0x1a0: {  	s11 =	sadd.s32 $0x1, s11  }
0x1a1: {  	p1 =	sne.s32 s11, $0x20  }
.Ltmp20:
0x1a2: {  	_ = 	snop;
	(pc) =	sbr.rel @!p1 .LBB2_34-.Ltmp20, $1  }
0x1a3: {  	_ =	sdelay $0x3  }
.LBB2_26:
0x1a4: {  	v0 =	vld.msk [tilespmem:s11+$0xF218], $0x1;
	_ =	sdelay $0x4  }
0x1a5: {  	(v2sf) =	vpush v0, $0x0;
	_ =	sdelay $0xe  }
0x1a6: {  	s12 =	spop (v2sf)  }
0x1a7: {  	p1 =	seq.s32 s12, $0xFFFFFFFF  }
.Ltmp21:
0x1a8: {  	_ = 	snop;
	(pc) =	sbr.rel @p1 .LBB2_33-.Ltmp21, $1  }
0x1a9: {  	_ =	sdelay $0x3  }
0x1aa: {  	p1 =	slt.s32 s6, $0x1  }
.Ltmp22:
0x1ab: {  	_ = 	snop;
	(pc) =	sbr.rel @p1 .LBB2_32-.Ltmp22, $1  }
0x1ac: {  	_ =	sdelay $0x3  }
0x1ad: {  	s13 =	simm.s32 $0xF218;
	p1 =	por $0x0, $0x0  }
0x1ae: {  	v1 =	vld.msk @!p1 [tilespmem:s13+$0x0], $0x1;
	_ =	sdelay $0x4  }
0x1af: {  	(v2sf) =	vpush @!p1 v1, $0x0;
	_ =	sdelay $0xd  }
0x1b0: {  	p3 =	sne.s32 s6, $0x1  }
.Ltmp23:
0x1b1: {  	s0 =	spop @!p1 (v2sf);
	(pc) =	sbr.rel @!p3 .LBB2_30-.Ltmp23, $4  }
0x1b2: {  	p2 =	seq.s32 @!p1 s12, s0  }
0x1b3: {  	s14 =	simm.s32 $0x0;
	p2 =	por !p2, p1  }
0x1b4: {  	s2 =	simm.s32 $0xFFFFFFFF;
	s14 =	simm.s32 @p2 $0xFFFFFFFF  }
0x1b5: {  	s0 =	simm.s32 $0x1;
	s14 =	smov.u32 @p1 s2  }
.LBB2_29:
0x1b6: {  	s2 =	smov.u32 s14;
	p1 =	sne.s32 s14, $0xFFFFFFFF  }
0x1b7: {  	s13 =	sadd.s32 $0x1, s13;
	s14 =	smov.u32 s0;
	s0 =	sadd.s32 $0x1, s0  }
0x1b8: {  	p2 =	sne.s32 s6, s0;
	v1 =	vld.msk @!p1 [tilespmem:s13+$0x0], $0x1;
	_ =	sdelay $0x4  }
0x1b9: {  	(v2sf) =	vpush @!p1 v1, $0x0;
	_ =	sdelay $0xe  }
.Ltmp24:
0x1ba: {  	s3 =	spop @!p1 (v2sf);
	(pc) =	sbr.rel @p2 .LBB2_29-.Ltmp24, $4  }
0x1bb: {  	p3 =	seq.s32 @!p1 s12, s3  }
0x1bc: {  	p3 =	por !p3, p1  }
0x1bd: {  	s14 =	simm.s32 @p3 $0xFFFFFFFF  }
0x1be: {  	s14 =	smov.u32 @p1 s2  }
.LBB2_30:
0x1bf: {  	p1 =	seq.s32 s14, $0xFFFFFFFF  }
.Ltmp25:
0x1c0: {  	_ = 	snop;
	(pc) =	sbr.rel @p1 .LBB2_32-.Ltmp25, $1  }
0x1c1: {  	_ =	sdelay $0x3  }
0x1c2: {  	s0 =	sshll.u32 s11, $0x7  }
0x1c3: {  	s2 =	sshll.u32 s14, $0x9;
	s0 =	sand.u32 $0x3FFFFF80, s0  }
0x1c4: {  	s2 =	sshra.s32 s2, $0x2;
	v0 =	vld [tilespmem:s0+$0xF238]  }
0x1c5: {  	v1 =	vld [tilespmem:s2+$0xF238];
	_ =	sdelay $0x4  }
0x1c6: {  	v0 =	vmax.f32 v0, v1  }
0x1c7: {  	v57 =	vld [tilespmem:s2+$0xF248];
	[tilespmem:s2+$0xF238] =	vst v0  }
0x1c8: {  	v0 =	vld [tilespmem:s0+$0xF248];
	_ =	sdelay $0x4  }
0x1c9: {  	v0 =	vmax.f32 v0, v57  }
0x1ca: {  	v58 =	vld [tilespmem:s2+$0xF258];
	[tilespmem:s2+$0xF248] =	vst v0  }
0x1cb: {  	v0 =	vld [tilespmem:s0+$0xF258];
	_ =	sdelay $0x4  }
0x1cc: {  	v0 =	vmax.f32 v0, v58  }
0x1cd: {  	v59 =	vld [tilespmem:s2+$0xF268];
	[tilespmem:s2+$0xF258] =	vst v0  }
0x1ce: {  	v0 =	vld [tilespmem:s0+$0xF268];
	_ =	sdelay $0x4  }
0x1cf: {  	v0 =	vmax.f32 v0, v59  }
0x1d0: {  	v60 =	vld [tilespmem:s2+$0xF278];
	[tilespmem:s2+$0xF268] =	vst v0  }
0x1d1: {  	v0 =	vld [tilespmem:s0+$0xF278];
	_ =	sdelay $0x4  }
0x1d2: {  	v0 =	vmax.f32 v0, v60  }
0x1d3: {  	v61 =	vld [tilespmem:s2+$0xF288];
	[tilespmem:s2+$0xF278] =	vst v0  }
0x1d4: {  	v0 =	vld [tilespmem:s0+$0xF288];
	_ =	sdelay $0x4  }
0x1d5: {  	v0 =	vmax.f32 v0, v61  }
0x1d6: {  	v62 =	vld [tilespmem:s2+$0xF298];
	[tilespmem:s2+$0xF288] =	vst v0  }
0x1d7: {  	v0 =	vld [tilespmem:s0+$0xF298];
	_ =	sdelay $0x4  }
0x1d8: {  	v0 =	vmax.f32 v0, v62  }
0x1d9: {  	v63 =	vld [tilespmem:s2+$0xF2A8];
	[tilespmem:s2+$0xF298] =	vst v0  }
0x1da: {  	v0 =	vld [tilespmem:s0+$0xF2A8];
	_ =	sdelay $0x1  }
.Ltmp26:
0x1db: {  	_ = 	snop;
	(pc) =	sbr.rel .LBB2_33-.Ltmp26, $3  }
0x1dc: {  	_ =	sdelay $0x1  }
0x1dd: {  	v0 =	vmax.f32 v0, v63  }
0x1de: {  	[tilespmem:s2+$0xF2A8] =	vst v0  }
.LBB2_34:
0x1df: {  	s0 =	simm.s32 $0x6;
	p1 =	seq.s32 s6, $0x0  }
0x1e0: {  	[sflag:s0] =	ssyncpa.u1 $0x1;
	v0 =	vimm.s32 @p1 $0xFFFFFFFF  }
0x1e1: {  	s9 =	sadd.s32 $0xFFFFFFFF, s6;
	[tilespmem:$0x10238] =	vst @p1 v0  }
0x1e2: {  	v0 =	vld.msk @!p1 [tilespmem:s9+$0xF218], $0x1;
	_ =	sdelay $0x1  }
0x1e3: {  	v1 =	vld.msk @!p1 [tilespmem:$0xF218], $0x1;
	_ =	sdelay $0x2  }
0x1e4: {  	p2 =	seq.s32 @!p1 s9, $0x0;
	v0 =	vbroadcast @!p1 v0, $0x0  }
0x1e5: {  	vm0 =	vmmov @!p1 $0x1;
	p2 =	por !p2, p1  }
0x1e6: {  	v1 =	vnsel @!p1 vm0, $0xFFFFFFFF, v1;
	vm0 =	vcmask @!p1 $0x308;
	v0 =	vpsel !p2, $0xFFFFFFFF, v0  }
0x1e7: {  	p2 =	sne.s32 @!p1 s8, s7;
	v0 =	vsel @!p1 vm0, v1, v0  }
0x1e8: {  	s0 =	simm.s32 @!p1 $0xF238;
	s2 =	simm.s32 @!p1 $0x0;
	p3 =	por !p2, p1;
	[tilespmem:$0x10238] =	vst @!p1 v0  }
0x1e9: {  	[spmem:s2] =	stream.linear.scatter @!p1 [tilespmem:s0], [sflag:$0x1], $0x80, $0x38;
	[tilespmem:$0x1F6F8] =	vst v63  }
0x1ea: {  	s0 =	sshll.u32 @!p3 s9, $0x9  }
0x1eb: {  	s0 =	sshra.s32 @!p3 s0, $0x2  }
0x1ec: {  	s2 =	simm.s32 @!p3 $0x80;
	s0 =	sadd.s32 @!p3 $0xF238, s0  }
0x1ed: {  	[spmem:s2] =	stream.linear.scatter @!p3 [tilespmem:s0], [sflag:$0x1], $0x80, $0x38;
	[tilespmem:$0x1F6F8] =	vst v63  }
0x1ee: {  	s0 =	simm.s32 @!p3 $0x1  }
0x1ef: {  	_ =	swait.ge @!p3 [sflag:s0], $0x100  }
0x1f0: {  	p1 =	por p2, p1;
	[sflag:s0] =	ssyncset.done @!p3 $0x0  }
0x1f1: {  	[sflag:s0] =	ssyncadd.s32 @!p3 $0xFFFFFF00;
	s0 =	simm.s32 @!p1 $0x1  }
0x1f2: {  	_ =	swait.ge @!p1 [sflag:s0], $0x80  }
0x1f3: {  	s29 =	simm.s32 $0x10238;
	[sflag:s0] =	ssyncset.done @!p1 $0x0  }
0x1f4: {  	s30 =	simm.s32 $0x1000;
	s31 =	simm.s32 $0x1;
	[sflag:s0] =	ssyncadd.s32 @!p1 $0xFFFFFF80  }
0x1f5: {  	[spmem:s30] =	stream.linear.scatter [tilespmem:s29], [sflag:$0x1], $0x10, $0x38;
	[tilespmem:$0x1F6F8] =	vst v63  }
0x1f6: {  	_ =	swait.ge [sflag:s31], $0x10  }
0x1f7: {  	[sflag:s31] =	ssyncset.done $0x0  }
0x1f8: {  	p1 =	seq.s32 s15, $0x0;
	s8 =	rddreg [dreg:$0x1];
	[sflag:s31] =	ssyncadd.s32 $0xFFFFFFF0  }
0x1f9: {  	s2 =	sshll.u32 @p1 s8, $0xE;
	s7 =	rddreg [dreg:$0x2]  }
0x1fa: {  	s0 =	sadd.s32 @p1 $0x15C3C, s2;
	s2 =	sshll.u32 @p1 s7, $0x11  }
0x1fb: {  	_ =	sfence.stream.spmem;
	s0 =	sor.u32 @p1 s2, s0  }
0x1fc: {  	[sflag:s0] =	ssyncadd.remote.s32 @p1 $0x1;
	s0 =	simm.s32 @p1 $0x4  }
0x1fd: {  	s3 =	simm.s32 @!p1 $0x3C;
	s2 =	sand.u32 $0xFFFFFFFE, s8;
	_ =	swait.ge @p1 [sflag:s0], $0x22  }
0x1fe: {  	s4 =	simm.s32 @!p1 $0x0;
	s2 =	sadd.s32 @!p1 $0x4, s2;
	[sflag:s0] =	ssyncset.done @p1 $0x0  }
0x1ff: {  	s5 =	simm.s32 @!p1 $0x100;
	[sflag:s0] =	ssyncadd.s32 @p1 $0xFFFFFFDE;
	s0 =	sshll.u32 @!p1 s2, $0x1A  }
0x200: {  	s2 =	sshll.u32 @!p1 s2, $0xD;
	s0 =	sor.u32 @!p1 s0, s7;
	_ =	swait.eq @!p1 [sflag:s3], $0x1  }
0x201: {  	s2 =	sor.u32 @!p1 $0x1C04, s2;
	s3 =	simm.s32 @!p1 $0x1C03;
	s0 =	sor.u32 @!p1 $0x80004000, s0  }
0x202: {  	[spmem:s5], [sflag:s2] =	dma.general @!p1 [spmem:s4], [sflag:s3], length:$0x20, [dreg:$0x0], stride_count:$0x0, ici_dest:s0, dma_misc:DstOpCode:WRITE  }
0x203: {  	p2 =	slt.s32 s9, $0x2;
	s4 =	simm.s32 @!p1 $0x200;
	s5 =	simm.s32 @!p1 $0x202  }
0x204: {  	[spmem:s5], [sflag:s2] =	dma.general @!p1 [spmem:s4], [sflag:s3], length:$0x2, [dreg:$0x0], stride_count:$0x0, ici_dest:s0, dma_misc:DstOpCode:WRITE  }
.Ltmp27:
0x205: {  	s0 =	simm.s32 @!p1 $0x3;
	(pc) =	sbr.rel @p2 .LBB2_38-.Ltmp27, $4  }
0x206: {  	s2 =	sshll.u32 @!p1 s8, $0xE;
	_ =	swait.ge @!p1 [sflag:s0], $0x22  }
0x207: {  	s3 =	sshll.u32 @!p1 s7, $0x11;
	s2 =	sadd.s32 @!p1 $0x11C3C, s2;
	[sflag:s0] =	ssyncset.done @!p1 $0x0  }
0x208: {  	[sflag:s0] =	ssyncadd.s32 @!p1 $0xFFFFFFDE;
	s0 =	sor.u32 @!p1 s3, s2  }
0x209: {  	[sflag:s0] =	ssyncadd.remote.s32 @!p1 $0xFFFFFFFF;
	s0 =	simm.s32 $0x0  }
0x20a: {  	s0 =	simm.s32 $0xF219  }
0x20b: {  	v0 =	vld.msk [tilespmem:s0+$0x0], $0x1;
	_ =	sdelay $0x4  }
0x20c: {  	(v2sf) =	vpush v0, $0x0;
	_ =	sdelay $0xb  }
0x20d: {  	s31 =	sadd.s32 $0xFFFFFFFE, s6  }
0x20e: {  	s0 =	sadd.s32 $0xFFFFFFFF, s31  }
0x20f: {  	p2 =	sne.s32 s0, $0x0  }
.Ltmp28:
0x210: {  	s2 =	spop (v2sf);
	(pc) =	sbr.rel @!p2 .LBB2_37-.Ltmp28, $4  }
0x211: {  	s4 =	simm.s32 $0xF2B8;
	s7 =	simm.s32 $0x0;
	p1 =	sgt.u32 s2, $0x270F0  }
0x212: {  	s5 =	simm.s32 $0x0;
	s6 =	simm.s32 $0xF21A;
	s3 =	sand.u32 @!p1 $0x3FFF8, s2  }
0x213: {  	s2 =	sand.u32 @!p1 $0x7, s2;
	s7 =	simm.s32 @!p1 $0x200;
	s3 =	sadd.s32 @!p1 s1, s3  }
0x214: {  	[hbm4b:s3+s2] =	stream.linear.scatter @!p1 [tilespmem:s4], [sflag:$0x5], $0x80, $0x38;
	[tilespmem:$0x1F6F8] =	vst v63  }
.LBB2_36:
0x215: {  	v0 =	vld.msk [tilespmem:s6+$0x0], $0x1;
	s0 =	sadd.s32 $0xFFFFFFFF, s0;
	s5 =	sadd.s32 s5, s7  }
0x216: {  	p1 =	sne.s32 s0, $0x0;
	_ =	sdelay $0x3  }
0x217: {  	(v2sf) =	vpush v0, $0x0;
	_ =	sdelay $0xe  }
.Ltmp29:
0x218: {  	s2 =	spop (v2sf);
	(pc) =	sbr.rel @p1 .LBB2_36-.Ltmp29, $4  }
0x219: {  	s7 =	simm.s32 $0x0;
	p2 =	sgt.u32 s2, $0x270F0  }
0x21a: {  	s4 =	sadd.s32 $0x80, s4;
	s7 =	simm.s32 @!p2 $0x200;
	s3 =	sand.u32 @!p2 $0x3FFF8, s2  }
0x21b: {  	s6 =	sadd.s32 $0x1, s6;
	s2 =	sand.u32 @!p2 $0x7, s2;
	s3 =	sadd.s32 @!p2 s1, s3  }
0x21c: {  	[hbm4b:s3+s2] =	stream.linear.scatter @!p2 [tilespmem:s4], [sflag:$0x5], $0x80, $0x38;
	[tilespmem:$0x1F6F8] =	vst v63  }
.LBB2_37:
0x21d: {  	s0 =	sadd.s32 s5, s7  }
0x21e: {  	s0 =	sshrl.u32 s0, $0x2  }
.LBB2_38:
0x21f: {  	s2 =	simm.s32 $0x5  }
0x220: {  	_ =	swait.ge [sflag:s2], s0  }
0x221: {  	s31 =	ssub.s32 $0x0, s0;
	[sflag:s2] =	ssyncset.done $0x0  }
0x222: {  	[sflag:s2] =	ssyncadd.s32 s31  }
0x223: {  	[sflag:s2] =	ssyncpa.u1 $0x1  }
.LBB2_39:
0x224: {  	s0 =	sor.u32 s15, s16  }
0x225: {  	p1 =	sne.s32 s0, $0x0  }
.Ltmp30:
0x226: {  	_ = 	snop;
	(pc) =	sbr.rel @p1 .LBB2_54-.Ltmp30, $3  }
0x227: {  	_ =	sdelay $0x1  }
0x228: {  	[bflag:$0x0] =	sbarrier.arrive $0xFFFF  }
0x229: {  	_ =	sfence  }
0x22a: {  	s0 =	simm.s32 $0x7  }
0x22b: {  	s2 =	simm.s32 $0x1000;
	s3 =	simm.s32 $0xF218;
	[sflag:s0] =	ssyncpa.u1 $0x0  }
0x22c: {  	[tilespmem:s3], [sflag:$0x7] =	stream.linear.gather [spmem:s2], $0x20, $0x38;
	[tilespmem:$0x1F6F8] =	vst v63  }
0x22d: {  	s30 =	simm.s32 $0xF238;
	s2 =	simm.s32 $0x0  }
0x22e: {  	[tilespmem:s30], [sflag:$0x7] =	stream.linear.gather [spmem:s2], $0x1000, $0x38;
	[tilespmem:$0x1F6F8] =	vst v63  }
.Ltmp31:
0x22f: {  	_ = 	snop;
	(pc) =	sbr.rel .LBB2_41-.Ltmp31, $4  }
0x230: {  	_ =	swait.ge [sflag:s0], $0x1020  }
0x231: {  	[sflag:s0] =	ssyncset.done $0x0  }
0x232: {  	s31 =	simm.s32 $0x8;
	[sflag:s0] =	ssyncadd.s32 $0xFFFFEFE0  }
0x233: {  	s3 =	simm.s32 $0x0;
	[sflag:s31] =	ssyncpa.u1 $0x0  }
.LBB2_47:
0x234: {  	p1 =	slt.u32 s4, $0x270F1  }
0x235: {  	s0 =	sand.u32 @p1 $0x3FFF8, s4  }
0x236: {  	s4 =	sand.u32 @p1 $0x7, s4;
	s5 =	simm.s32 @p1 $0xF188;
	s0 =	sadd.s32 @p1 s1, s0  }
0x237: {  	[tilespmem:s5], [sflag:$0x8] =	stream.linear.gather @p1 [hbm4b:s0+s4], $0x80, $0x38;
	[tilespmem:$0x1F6F8] =	vst v63  }
0x238: {  	s0 =	simm.s32 @p1 $0x8  }
0x239: {  	_ =	swait.ge @p1 [sflag:s0], $0x80  }
0x23a: {  	[sflag:s0] =	ssyncset.done @p1 $0x0  }
0x23b: {  	[sflag:s0] =	ssyncadd.s32 @p1 $0xFFFFFF80;
	s0 =	sshll.u32 @p1 s3, $0x9  }
0x23c: {  	s4 =	sshrl.u32 @p1 s0, $0x2;
	v1 =	vld @p1 [tilespmem:$0xF188]  }
0x23d: {  	v2 =	vld @p1 [tilespmem:s4+$0xF238];
	_ =	sdelay $0x4  }
0x23e: {  	v1 =	vmax.f32 @p1 v1, v2  }
0x23f: {  	v2 =	vld @p1 [tilespmem:s4+$0xF248];
	[tilespmem:s4+$0xF238] =	vst @p1 v1  }
0x240: {  	v1 =	vld @p1 [tilespmem:$0xF198];
	_ =	sdelay $0x4  }
0x241: {  	v1 =	vmax.f32 @p1 v1, v2  }
0x242: {  	v2 =	vld @p1 [tilespmem:s4+$0xF258];
	[tilespmem:s4+$0xF248] =	vst @p1 v1  }
0x243: {  	v1 =	vld @p1 [tilespmem:$0xF1A8];
	_ =	sdelay $0x4  }
0x244: {  	v1 =	vmax.f32 @p1 v1, v2  }
0x245: {  	v2 =	vld @p1 [tilespmem:s4+$0xF268];
	[tilespmem:s4+$0xF258] =	vst @p1 v1  }
0x246: {  	v1 =	vld @p1 [tilespmem:$0xF1B8];
	_ =	sdelay $0x4  }
0x247: {  	v1 =	vmax.f32 @p1 v1, v2  }
0x248: {  	v2 =	vld @p1 [tilespmem:s4+$0xF278];
	[tilespmem:s4+$0xF268] =	vst @p1 v1  }
0x249: {  	v1 =	vld @p1 [tilespmem:$0xF1C8];
	_ =	sdelay $0x4  }
0x24a: {  	v1 =	vmax.f32 @p1 v1, v2  }
0x24b: {  	v2 =	vld @p1 [tilespmem:s4+$0xF288];
	[tilespmem:s4+$0xF278] =	vst @p1 v1  }
0x24c: {  	v1 =	vld @p1 [tilespmem:$0xF1D8];
	_ =	sdelay $0x4  }
0x24d: {  	v1 =	vmax.f32 @p1 v1, v2  }
0x24e: {  	v2 =	vld @p1 [tilespmem:s4+$0xF298];
	[tilespmem:s4+$0xF288] =	vst @p1 v1  }
0x24f: {  	v1 =	vld @p1 [tilespmem:$0xF1E8];
	_ =	sdelay $0x4  }
0x250: {  	v1 =	vmax.f32 @p1 v1, v2  }
0x251: {  	v2 =	vld @p1 [tilespmem:s4+$0xF2A8];
	[tilespmem:s4+$0xF298] =	vst @p1 v1  }
0x252: {  	v1 =	vld @p1 [tilespmem:$0xF1F8];
	_ =	sdelay $0x4  }
0x253: {  	s5 =	sshll.u32 @!p1 s3, $0x9;
	v1 =	vmax.f32 @p1 v1, v2  }
0x254: {  	s5 =	smov.u32 @p1 s0;
	[tilespmem:s4+$0xF2A8] =	vst @p1 v1  }
0x255: {  	s0 =	sshrl.u32 s5, $0x2;
	[tilespmem:s2+$0xF218] =	vst.msk $0x1, v0  }
0x256: {  	v0 =	vld [tilespmem:s0+$0xF238];
	_ =	sdelay $0x2  }
0x257: {  	s31 =	sshll.u32 s2, $0x9  }
0x258: {  	s4 =	sshra.s32 s31, $0x2  }
0x259: {  	[tilespmem:s4+$0xF238] =	vst v0  }
0x25a: {  	v0 =	vld [tilespmem:s0+$0xF248];
	_ =	sdelay $0x4  }
0x25b: {  	[tilespmem:s4+$0xF248] =	vst v0  }
0x25c: {  	v0 =	vld [tilespmem:s0+$0xF258];
	_ =	sdelay $0x4  }
0x25d: {  	[tilespmem:s4+$0xF258] =	vst v0  }
0x25e: {  	v0 =	vld [tilespmem:s0+$0xF268];
	_ =	sdelay $0x4  }
0x25f: {  	[tilespmem:s4+$0xF268] =	vst v0  }
0x260: {  	v0 =	vld [tilespmem:s0+$0xF278];
	_ =	sdelay $0x4  }
0x261: {  	[tilespmem:s4+$0xF278] =	vst v0  }
0x262: {  	v0 =	vld [tilespmem:s0+$0xF288];
	_ =	sdelay $0x4  }
0x263: {  	[tilespmem:s4+$0xF288] =	vst v0  }
0x264: {  	v0 =	vld [tilespmem:s0+$0xF298];
	_ =	sdelay $0x4  }
0x265: {  	[tilespmem:s4+$0xF298] =	vst v0  }
0x266: {  	v0 =	vld [tilespmem:s0+$0xF2A8];
	_ =	sdelay $0x4  }
0x267: {  	s2 =	sadd.s32 $0x1, s2;
	[tilespmem:s4+$0xF2A8] =	vst v0  }
.LBB2_48:
0x268: {  	s3 =	sadd.s32 $0x1, s3  }
0x269: {  	p1 =	sne.s32 s3, $0x20  }
.Ltmp32:
0x26a: {  	_ = 	snop;
	(pc) =	sbr.rel @!p1 .LBB2_49-.Ltmp32, $1  }
0x26b: {  	_ =	sdelay $0x3  }
.LBB2_41:
0x26c: {  	v0 =	vld.msk [tilespmem:s3+$0xF218], $0x1;
	_ =	sdelay $0x4  }
0x26d: {  	(v2sf) =	vpush v0, $0x0;
	_ =	sdelay $0xe  }
0x26e: {  	s4 =	spop (v2sf)  }
0x26f: {  	p1 =	seq.s32 s4, $0xFFFFFFFF  }
.Ltmp33:
0x270: {  	_ = 	snop;
	(pc) =	sbr.rel @p1 .LBB2_48-.Ltmp33, $1  }
0x271: {  	_ =	sdelay $0x3  }
0x272: {  	p1 =	slt.s32 s2, $0x1  }
.Ltmp34:
0x273: {  	_ = 	snop;
	(pc) =	sbr.rel @p1 .LBB2_47-.Ltmp34, $1  }
0x274: {  	_ =	sdelay $0x3  }
0x275: {  	s5 =	simm.s32 $0xF218;
	p1 =	por $0x0, $0x0  }
0x276: {  	v1 =	vld.msk @!p1 [tilespmem:s5+$0x0], $0x1;
	_ =	sdelay $0x4  }
0x277: {  	(v2sf) =	vpush @!p1 v1, $0x0;
	_ =	sdelay $0xd  }
0x278: {  	p3 =	sne.s32 s2, $0x1  }
.Ltmp35:
0x279: {  	s0 =	spop @!p1 (v2sf);
	(pc) =	sbr.rel @!p3 .LBB2_45-.Ltmp35, $4  }
0x27a: {  	p2 =	seq.s32 @!p1 s4, s0  }
0x27b: {  	s6 =	simm.s32 $0x0;
	p2 =	por !p2, p1  }
0x27c: {  	s7 =	simm.s32 $0xFFFFFFFF;
	s6 =	simm.s32 @p2 $0xFFFFFFFF  }
0x27d: {  	s0 =	simm.s32 $0x1;
	s6 =	smov.u32 @p1 s7  }
.LBB2_44:
0x27e: {  	s7 =	smov.u32 s6;
	p1 =	sne.s32 s6, $0xFFFFFFFF  }
0x27f: {  	s5 =	sadd.s32 $0x1, s5;
	s6 =	smov.u32 s0;
	s0 =	sadd.s32 $0x1, s0  }
0x280: {  	p2 =	sne.s32 s2, s0;
	v1 =	vld.msk @!p1 [tilespmem:s5+$0x0], $0x1;
	_ =	sdelay $0x4  }
0x281: {  	(v2sf) =	vpush @!p1 v1, $0x0;
	_ =	sdelay $0xe  }
.Ltmp36:
0x282: {  	s8 =	spop @!p1 (v2sf);
	(pc) =	sbr.rel @p2 .LBB2_44-.Ltmp36, $4  }
0x283: {  	p3 =	seq.s32 @!p1 s4, s8  }
0x284: {  	p3 =	por !p3, p1  }
0x285: {  	s6 =	simm.s32 @p3 $0xFFFFFFFF  }
0x286: {  	s6 =	smov.u32 @p1 s7  }
.LBB2_45:
0x287: {  	p1 =	seq.s32 s6, $0xFFFFFFFF  }
.Ltmp37:
0x288: {  	_ = 	snop;
	(pc) =	sbr.rel @p1 .LBB2_47-.Ltmp37, $1  }
0x289: {  	_ =	sdelay $0x3  }
0x28a: {  	s0 =	sshll.u32 s3, $0x7  }
0x28b: {  	s4 =	sshll.u32 s6, $0x9;
	s0 =	sand.u32 $0x3FFFFF80, s0  }
0x28c: {  	s4 =	sshra.s32 s4, $0x2;
	v0 =	vld [tilespmem:s0+$0xF238]  }
0x28d: {  	v1 =	vld [tilespmem:s4+$0xF238];
	_ =	sdelay $0x4  }
0x28e: {  	v0 =	vmax.f32 v0, v1  }
0x28f: {  	v57 =	vld [tilespmem:s4+$0xF248];
	[tilespmem:s4+$0xF238] =	vst v0  }
0x290: {  	v0 =	vld [tilespmem:s0+$0xF248];
	_ =	sdelay $0x4  }
0x291: {  	v0 =	vmax.f32 v0, v57  }
0x292: {  	v58 =	vld [tilespmem:s4+$0xF258];
	[tilespmem:s4+$0xF248] =	vst v0  }
0x293: {  	v0 =	vld [tilespmem:s0+$0xF258];
	_ =	sdelay $0x4  }
0x294: {  	v0 =	vmax.f32 v0, v58  }
0x295: {  	v59 =	vld [tilespmem:s4+$0xF268];
	[tilespmem:s4+$0xF258] =	vst v0  }
0x296: {  	v0 =	vld [tilespmem:s0+$0xF268];
	_ =	sdelay $0x4  }
0x297: {  	v0 =	vmax.f32 v0, v59  }
0x298: {  	v60 =	vld [tilespmem:s4+$0xF278];
	[tilespmem:s4+$0xF268] =	vst v0  }
0x299: {  	v0 =	vld [tilespmem:s0+$0xF278];
	_ =	sdelay $0x4  }
0x29a: {  	v0 =	vmax.f32 v0, v60  }
0x29b: {  	v61 =	vld [tilespmem:s4+$0xF288];
	[tilespmem:s4+$0xF278] =	vst v0  }
0x29c: {  	v0 =	vld [tilespmem:s0+$0xF288];
	_ =	sdelay $0x4  }
0x29d: {  	v0 =	vmax.f32 v0, v61  }
0x29e: {  	v62 =	vld [tilespmem:s4+$0xF298];
	[tilespmem:s4+$0xF288] =	vst v0  }
0x29f: {  	v0 =	vld [tilespmem:s0+$0xF298];
	_ =	sdelay $0x4  }
0x2a0: {  	v0 =	vmax.f32 v0, v62  }
0x2a1: {  	v63 =	vld [tilespmem:s4+$0xF2A8];
	[tilespmem:s4+$0xF298] =	vst v0  }
0x2a2: {  	v0 =	vld [tilespmem:s0+$0xF2A8];
	_ =	sdelay $0x1  }
.Ltmp38:
0x2a3: {  	_ = 	snop;
	(pc) =	sbr.rel .LBB2_48-.Ltmp38, $3  }
0x2a4: {  	_ =	sdelay $0x1  }
0x2a5: {  	v0 =	vmax.f32 v0, v63  }
0x2a6: {  	[tilespmem:s4+$0xF2A8] =	vst v0  }
.LBB2_49:
0x2a7: {  	p1 =	slt.s32 s2, $0x1  }
.Ltmp39:
0x2a8: {  	_ = 	snop;
	(pc) =	sbr.rel @p1 .LBB2_53-.Ltmp39, $3  }
0x2a9: {  	_ =	sdelay $0x1  }
0x2aa: {  	s0 =	simm.s32 $0x8  }
0x2ab: {  	s3 =	simm.s32 $0x0;
	[sflag:s0] =	ssyncpa.u1 $0x1  }
0x2ac: {  	s0 =	simm.s32 $0xF218  }
0x2ad: {  	v0 =	vld.msk [tilespmem:s0+$0x0], $0x1;
	_ =	sdelay $0x4  }
0x2ae: {  	(v2sf) =	vpush v0, $0x0;
	_ =	sdelay $0xe  }
0x2af: {  	s0 =	sadd.s32 $0xFFFFFFFF, s2;
	s5 =	spop (v2sf)  }
0x2b0: {  	p2 =	sne.s32 s0, $0x0;
	p1 =	sgt.u32 s5, $0x270F0  }
.Ltmp40:
0x2b1: {  	s6 =	sand.u32 @!p1 $0x3FFF8, s5;
	(pc) =	sbr.rel @!p2 .LBB2_52-.Ltmp40, $4  }
0x2b2: {  	s4 =	simm.s32 $0xF238;
	s5 =	sand.u32 @!p1 $0x7, s5;
	s2 =	sadd.s32 @!p1 s1, s6  }
0x2b3: {  	[hbm4b:s2+s5] =	stream.linear.scatter @!p1 [tilespmem:s4], [sflag:$0x7], $0x80, $0x38;
	[tilespmem:$0x1F6F8] =	vst v63  }
0x2b4: {  	s5 =	simm.s32 $0x0  }
0x2b5: {  	s2 =	simm.s32 $0xF219;
	s5 =	simm.s32 @!p1 $0x200  }
.LBB2_51:
0x2b6: {  	v0 =	vld.msk [tilespmem:s2+$0x0], $0x1;
	s0 =	sadd.s32 $0xFFFFFFFF, s0;
	s3 =	sadd.s32 s3, s5  }
0x2b7: {  	p1 =	sne.s32 s0, $0x0;
	_ =	sdelay $0x3  }
0x2b8: {  	(v2sf) =	vpush v0, $0x0;
	_ =	sdelay $0xe  }
.Ltmp41:
0x2b9: {  	s6 =	spop (v2sf);
	(pc) =	sbr.rel @p1 .LBB2_51-.Ltmp41, $4  }
0x2ba: {  	s5 =	simm.s32 $0x0;
	p2 =	sgt.u32 s6, $0x270F0  }
0x2bb: {  	s4 =	sadd.s32 $0x80, s4;
	s5 =	simm.s32 @!p2 $0x200;
	s7 =	sand.u32 @!p2 $0x3FFF8, s6  }
0x2bc: {  	s2 =	sadd.s32 $0x1, s2;
	s6 =	sand.u32 @!p2 $0x7, s6;
	s7 =	sadd.s32 @!p2 s1, s7  }
0x2bd: {  	[hbm4b:s7+s6] =	stream.linear.scatter @!p2 [tilespmem:s4], [sflag:$0x7], $0x80, $0x38;
	[tilespmem:$0x1F6F8] =	vst v63  }
.LBB2_52:
0x2be: {  	s0 =	sadd.s32 s3, s5  }
0x2bf: {  	s3 =	sshrl.u32 s0, $0x2  }
.LBB2_53:
0x2c0: {  	s0 =	simm.s32 $0x7  }
0x2c1: {  	_ =	swait.ge [sflag:s0], s3  }
0x2c2: {  	s1 =	ssub.s32 $0x0, s3;
	[sflag:s0] =	ssyncset.done $0x0  }
0x2c3: {  	[sflag:s0] =	ssyncadd.s32 s1  }
0x2c4: {  	[sflag:s0] =	ssyncpa.u1 $0x1  }
.LBB2_54:
0x2c5: {  	_ =	sfence;
	s0 =	simm.s32 $0x1  }
0x2c6: {  	[sflag:s0] =	ssyncpa.u1 $0x1  }
0x2c7: {  	_ =	strace $0x9000004A  }
0x2c8: {  	[bflag:$0x2] =	sbarrier.arrive $0xFFFF  }
0x2c9: {  	s0 =	rddreg [dreg:$0x3]  }
0x2ca: {  	s0 =	sadd.s32 @!p0 $0x100000, s0  }
0x2cb: {  	[sflag:s0] =	ssyncadd.tile.s32 @!p0 $0x1;
	_ =	shalt  }
.Lfunc_end2:
_tile_overlayer_lowered:
.L_overlay_start_2:
0x2cc: {  	(tag) =	ssettag $0x2  }
0x2cd: {  	s0 =	rddreg [dreg:$0x0];
	s2 =	stileid.u32  }
0x2ce: {  	s1 =	rddreg [dreg:$0x1];
	p0 =	sne.s32 s2, $0x0  }
0x2cf: {  	s3 =	rddreg [dreg:$0x2];
	[bflag:$0x3] =	sbarrier.arrive $0xFFFF;
	s2 =	simm.s32 @!p0 $0x1C01  }
0x2d0: {  	[timem:s3], [sflag:s2] =	dma.local @!p0 [hbm:s0], s1  }
0x2d1: {  	s0 =	simm.s32 @!p0 $0x1  }
0x2d2: {  	_ =	swait.ge @!p0 [sflag:s0], s1  }
0x2d3: {  	s1 =	ssub.s32 @!p0 $0x0, s1;
	[sflag:s0] =	ssyncset.done @!p0 $0x0  }
0x2d4: {  	[sflag:s0] =	ssyncadd.s32 @!p0 s1  }
0x2d5: {  	[bflag:$0x3] =	sbarrier.arrive $0xFFFF  }
0x2d6: {  	_ =	shalt  }

// kernel: scatter_offload_async_start
scs
__scs_entry_jumppad:
0x0: {  	(pc) =	sbr.rel $0x88, $3  }
0x1: {  	(tag) =	ssettag $0x0;
	lr =	simm.s32 $0x1  }
0x2: {  	[smem:$0x3F64] =	sst lr;
	_ =	strace $0xD0000000  }
0x3: {  	_ = 	snop  }
0x4: {  	_ = 	snop  }
0x5: {  	_ = 	snop  }
0x6: {  	_ = 	snop  }
0x7: {  	_ = 	snop  }
__scs_overlays_trampoline_lowered:
0x8: {  	[smem:$0x3F73] =	sst s0  }
0x9: {  	[smem:$0x3F74] =	sst s1  }
0xa: {  	[smem:$0x3F75] =	sst s2  }
0xb: {  	[smem:$0x3F76] =	sst s3  }
0xc: {  	[smem:$0x3F77] =	sst s4  }
0xd: {  	[smem:$0x3F78] =	sst s5  }
0xe: {  	[smem:$0x3F79] =	sst s6  }
0xf: {  	[smem:$0x3F7A] =	sst s7  }
0x10: {  	[smem:$0x3F7B] =	sst s8  }
0x11: {  	[smem:$0x3F7C] =	sst s9;
	s0 =	simm.s32 @!p0 $0x0  }
0x12: {  	s1 =	sld [smem:$0x3F62];
	s0 =	simm.s32 @p0 $0x1  }
0x13: {  	[smem:$0x3F7D] =	sst s0;
	s0 =	simm.s32 @!p1 $0x0  }
0x14: {  	s2 =	sld [smem:$0x3F61];
	s0 =	simm.s32 @p1 $0x1  }
0x15: {  	[smem:$0x3F7E] =	sst s0;
	s0 =	simm.s32 @!p2 $0x0  }
0x16: {  	s3 =	sld [smem:$0x3FDB];
	s0 =	simm.s32 @p2 $0x1  }
0x17: {  	s4 =	simm.s32 $0x1BF5;
	[smem:$0x3F80] =	sst s0  }
0x18: {  	s0 =	sld [smem:$0x3F63];
	_ =	swait.ge [sflag:s4], $0x0  }
0x19: {  	s7 =	sld [smem:$0x3F64]  }
0x1a: {  	s8 =	sadd.s32 $0xFFFFE003, lr  }
0x1b: {  	s9 =	sadd.s32 $0xFFFFFEF7, lr;
	s5 =	simm.s32 $0xFFFFFFFF;
	p2 =	slt.u32 s8, $0xFFFFF086  }
0x1c: {  	p1 =	slt.u32 s9, $0xF7A;
	s5 =	simm.s32 @!p2 $0x0  }
0x1d: {  	s5 =	simm.s32 @p1 $0x1;
	p0 =	seq.s32 s7, s2  }
0x1e: {  	s7 =	smul.u32 @!p0 $0xF7A, s2;
	p2 =	seq.s32 @!p0 s5, $0x0  }
0x1f: {  	s9 =	smul.u32 $0xF7A, s1;
	s8 =	simm.s32 @!p0 $0x1BF5;
	p2 =	por !p2, p0  }
0x20: {  	[sflag:s8] =	ssyncset.s32 @!p0 $0xFFFFF086;
	s6 =	sadd.s32 @!p0 s3, s7;
	s7 =	simm.s32 @!p0 $0x108  }
0x21: {  	s3 =	sadd.s32 s3, s9;
	s6 =	sadd.s32 @!p0 $0x88, s6;
	s7 =	simm.s32 @p2 $0x1082  }
0x22: {  	[simem:s7], [sflag:s8] =	dma.local @!p0 [hbm:s6], $0xF7A  }
0x23: {  	s9 =	sor.u32 $0xD0000000, s2;
	s6 =	simm.s32 $0x108;
	_ =	swait.ge @!p0 [sflag:s8], $0x0  }
0x24: {  	s3 =	sadd.s32 $0x88, s3;
	s6 =	simm.s32 @!p1 $0x1082;
	[sflag:s4] =	ssyncset.s32 $0xFFFFF086  }
0x25: {  	[simem:s6], [sflag:s4] =	dma.local [hbm:s3], $0xF7A  }
0x26: {  	[smem:$0x3F64] =	sst s1;
	(tag) =	ssettag s2;
	_ =	strace s9  }
0x27: {  	s1 =	sld [smem:$0x3F74]  }
0x28: {  	s2 =	sld [smem:$0x3F75]  }
0x29: {  	s4 =	sld [smem:$0x3F77]  }
0x2a: {  	p0 =	seq.s32 s5, $0x0;
	s5 =	sld [smem:$0x3F78]  }
0x2b: {  	s6 =	sld [smem:$0x3F79]  }
0x2c: {  	s7 =	sld [smem:$0x3F7A]  }
0x2d: {  	s3 =	simm.s32 $0x108;
	s8 =	sld [smem:$0x3F7B]  }
0x2e: {  	s3 =	simm.s32 @!p0 $0x1082;
	s9 =	sld [smem:$0x3F7C]  }
0x2f: {  	lr =	sadd.s32 s0, s3;
	s0 =	sld [smem:$0x3F73]  }
0x30: {  	s3 =	sld [smem:$0x3F76]  }
0x31: {  	[smem:$0x3F7F] =	sst s10  }
0x32: {  	s10 =	sld [smem:$0x3F7D];
	_ =	sdelay $0x3  }
0x33: {  	p0 =	seq.s32 s10, $0x1;
	s10 =	sld [smem:$0x3F7F];
	_ =	sdelay $0x3  }
0x34: {  	[smem:$0x3F7F] =	sst s10  }
0x35: {  	s10 =	sld [smem:$0x3F7E];
	_ =	sdelay $0x3  }
0x36: {  	p1 =	seq.s32 s10, $0x1;
	s10 =	sld [smem:$0x3F7F];
	_ =	sdelay $0x3  }
0x37: {  	[smem:$0x3F7F] =	sst s10  }
0x38: {  	s10 =	sld [smem:$0x3F80]  }
0x39: {  	_ = 	snop;
	(pc) =	sbr.ind lr, $3  }
0x3a: {  	_ = 	snop  }
0x3b: {  	_ = 	snop  }
0x3c: {  	p2 =	seq.s32 s10, $0x1;
	s10 =	sld [smem:$0x3F7F]  }
0x3d: {  	_ =	shalt  }
0x3e: {  	_ =	shalt  }
0x3f: {  	_ =	shalt  }
0x40: {  	_ =	shalt  }
0x41: {  	_ =	shalt  }
0x42: {  	_ =	shalt  }
0x43: {  	_ =	shalt  }
0x44: {  	_ =	shalt  }
0x45: {  	_ =	shalt  }
0x46: {  	_ =	shalt  }
0x47: {  	_ =	shalt  }
0x48: {  	_ =	shalt  }
0x49: {  	_ =	shalt  }
0x4a: {  	_ =	shalt  }
0x4b: {  	_ =	shalt  }
0x4c: {  	_ =	shalt  }
0x4d: {  	_ =	shalt  }
0x4e: {  	_ =	shalt  }
0x4f: {  	_ =	shalt  }
0x50: {  	_ =	shalt  }
0x51: {  	_ =	shalt  }
0x52: {  	_ =	shalt  }
0x53: {  	_ =	shalt  }
0x54: {  	_ =	shalt  }
0x55: {  	_ =	shalt  }
0x56: {  	_ =	shalt  }
0x57: {  	_ =	shalt  }
0x58: {  	_ =	shalt  }
0x59: {  	_ =	shalt  }
0x5a: {  	_ =	shalt  }
0x5b: {  	_ =	shalt  }
0x5c: {  	_ =	shalt  }
0x5d: {  	_ =	shalt  }
0x5e: {  	_ =	shalt  }
0x5f: {  	_ =	shalt  }
0x60: {  	_ =	shalt  }
0x61: {  	_ =	shalt  }
0x62: {  	_ =	shalt  }
0x63: {  	_ =	shalt  }
0x64: {  	_ =	shalt  }
0x65: {  	_ =	shalt  }
0x66: {  	_ =	shalt  }
0x67: {  	_ =	shalt  }
0x68: {  	_ =	shalt  }
0x69: {  	_ =	shalt  }
0x6a: {  	_ =	shalt  }
0x6b: {  	_ =	shalt  }
0x6c: {  	_ =	shalt  }
0x6d: {  	_ =	shalt  }
0x6e: {  	_ =	shalt  }
0x6f: {  	_ =	shalt  }
0x70: {  	_ =	shalt  }
0x71: {  	_ =	shalt  }
0x72: {  	_ =	shalt  }
0x73: {  	_ =	shalt  }
0x74: {  	_ =	shalt  }
0x75: {  	_ =	shalt  }
0x76: {  	_ =	shalt  }
0x77: {  	_ =	shalt  }
0x78: {  	_ =	shalt  }
0x79: {  	_ =	shalt  }
0x7a: {  	_ =	shalt  }
0x7b: {  	_ =	shalt  }
0x7c: {  	_ =	shalt  }
0x7d: {  	_ =	shalt  }
0x7e: {  	_ =	shalt  }
0x7f: {  	_ =	shalt  }
0x80: {  	_ =	shalt  }
0x81: {  	_ =	shalt  }
0x82: {  	_ =	shalt  }
0x83: {  	_ =	shalt  }
0x84: {  	_ =	shalt  }
0x85: {  	_ =	shalt  }
0x86: {  	_ =	shalt  }
0x87: {  	_ =	shalt  }
.Lfunc_end0:
.L_simem_size_0:
called_computation_lowered:
.L_overlay_start_0:
0x88: {  	s2 =	sld [smem:$0x3FD9]  }
0x89: {  	s3 =	sld [smem:$0x3FFE];
	_ =	sdelay $0x1  }
0x8a: {  	s1 =	srdreg.scid  }
0x8b: {  	s0 =	sand.u32 $0x1, s1  }
0x8c: {  	s15 =	sshll.u32 s0, $0xA;
	s2 =	sadd.s32 s3, s2  }
0x8d: {  	s2 =	sadd.s32 s2, s15  }
0x8e: {  	[smem:$0x3F8B] =	sst s2  }
0x8f: {  	_ = 	snop  }
0x90: {  	(tm) =	ssettm $0x1  }
0x91: {  	s16 =	sld [smem:$0x3FFB];
	_ =	sdelay $0x3  }
0x92: {  	_ =	strace s16  }
0x93: {  	s2 =	sld [smem:$0x3FFC];
	_ =	sdelay $0x3  }
0x94: {  	_ =	strace s2  }
0x95: {  	s2 =	sld [smem:$0x3FFD];
	_ =	sdelay $0x3  }
0x96: {  	_ =	strace s2  }
0x97: {  	_ =	strace $0x8FFFFFFF  }
0x98: {  	s17 =	sld [smem:$0x3FDB];
	_ =	sdelay $0x1  }
0x99: {  	s18 =	simm.s32 $_scs_section_size  }
0x9a: {  	s4 =	simm.s32 $_size__tile_overlayer_lowered;
	s5 =	simm.s32 $_tile_overlayer_lowered  }
0x9b: {  	s21 =	simm.s32 $0x1BFF;
	s20 =	sshll.u32 s5, $0x1;
	s2 =	sadd.s32 s18, s17  }
0x9c: {  	s6 =	simm.s32 $0x0;
	s19 =	sshll.u32 s4, $0x1;
	s4 =	sadd.s32 s20, s2  }
0x9d: {  	[timem:s6], [sflag:s21] =	dma.local [hbm:s4], s19  }
0x9e: {  	_ =	swait.ge [sflag:s21], s19  }
0x9f: {  	s3 =	ssub.s32 $0x0, s19;
	[sflag:s21] =	ssyncset.done $0x0  }
0xa0: {  	[sflag:s21] =	ssyncadd.s32 s3;
	_ =	sdelay $0x1  }
0xa1: {  	s22 =	simm.s32 $0x1B8B  }
0xa2: {  	_ =	swait.ge [sflag:s22], $0x1  }
0xa3: {  	[sflag:s22] =	ssyncset.done $0x0  }
0xa4: {  	s23 =	sld [smem:$0x3FFE];
	[sflag:s22] =	ssyncadd.s32 $0xFFFFFFFF  }
0xa5: {  	s25 =	simm.s32 $0x1B8E;
	s24 =	sld [smem:$0x0]  }
0xa6: {  	s26 =	simm.s32 $execute0_lowered;
	[smem:$0x3FD2] =	sst s25  }
0xa7: {  	s5 =	sshll.u32 s26, $0x1;
	_ =	strace $0x80000046;
	[dreg:$0x1] =	wrdreg $0xFFFFFFFF  }
0xa8: {  	s28 =	simm.s32 $_size_execute0_lowered;
	s2 =	sadd.s32 s2, s5;
	[dreg:$0x0] =	wrdreg $0x0  }
0xa9: {  	s5 =	sshll.u32 s28, $0x1;
	[dreg:$0x2] =	wrdreg s2  }
0xaa: {  	[dreg:$0x3] =	wrdreg s5  }
0xab: {  	[dreg:$0x4] =	wrdreg $0xC0  }
0xac: {  	_ =	task [dreg:s6], $0x5FFFF  }
0xad: {  	[dreg:$0x1] =	wrdreg $0xFFFFFFFF  }
0xae: {  	[dreg:$0x0] =	wrdreg $0x60  }
0xaf: {  	[dreg:$0x2] =	wrdreg s23  }
0xb0: {  	[dreg:$0x3] =	wrdreg s1  }
0xb1: {  	[dreg:$0x4] =	wrdreg s24  }
0xb2: {  	[dreg:$0x5] =	wrdreg $0x9  }
0xb3: {  	_ =	task.clear_ibuf [dreg:s6], $0x6FFFF;
	_ =	strace $0x90000046  }
0xb4: {  	s29 =	simm.s32 $0x9;
	_ =	strace $0x80000048  }
0xb5: {  	_ =	swait.ge [sflag:s29], $0x1  }
0xb6: {  	[sflag:s29] =	ssyncadd.s32 $0xFFFFFFFF  }
0xb7: {  	_ =	strace $0x90000048  }
0xb8: {  	_ =	sfence  }
0xb9: {  	s30 =	sld [smem:$0x0];
	_ =	sdelay $0x2  }
0xba: {  	s31 =	sshll.u32 s1, $0xD;
	s1 =	sshrl.u32 s1, $0x2  }
0xbb: {  	s3 =	sand.u32 $0x4000, s31;
	s1 =	sadd.s32 s1, s30  }
0xbc: {  	s0 =	sor.u32 s3, s0;
	s1 =	sshll.u32 s1, $0x11  }
0xbd: {  	s0 =	sor.u32 s1, s0  }
0xbe: {  	s0 =	sadd.s32 $0x8F2B, s0  }
0xbf: {  	[sflag:s0] =	ssyncadd.remote.s32 $0x1  }
0xc0: {  	_ =	sfence.sel $0xFFFF  }
0xc1: {  	[dreg:$0x0] =	wrdreg $0xFFFFFFFF;
	(pc) =	sbr.abs _section_cstart, $3  }
0xc2: {  	[dreg:$0x1] =	wrdreg $0xFFFFFFFF  }
0xc3: {  	_ =	task.clear_ibuf [dreg:s6], $0x2FFFF;
	_ =	strace $0x9FFFFFFF  }
0xc4: {  	(tm) =	ssettm $0x7FFFFFFF  }
0xc5: {  	_ =	shalt  }
tec
execute0_lowered:
.L_overlay_start_1:
0x0: {  	(tag) =	ssettag $0x1  }
0x1: {  	s7 =	rddreg [dreg:$0x0]  }
0x2: {  	s2 =	rddreg [dreg:$0x1];
	_ =	strace $0x80000047;
	s13 =	simm.s32 $0x1  }
0x3: {  	v0 =	vimm.s32 $0x0;
	[sflag:s13] =	ssyncpa.u1 $0x0  }
0x4: {  	[tilespmem:$0x48] =	vst v0  }
0x5: {  	[tilespmem:$0x58] =	vst v0  }
0x6: {  	[tilespmem:$0x68] =	vst v0  }
0x7: {  	[tilespmem:$0x78] =	vst v0  }
0x8: {  	[tilespmem:$0x88] =	vst v0  }
0x9: {  	[tilespmem:$0x98] =	vst v0  }
0xa: {  	[tilespmem:$0xA8] =	vst v0  }
0xb: {  	[tilespmem:$0xB8] =	vst v0  }
0xc: {  	[tilespmem:$0xC8] =	vst v0  }
0xd: {  	[tilespmem:$0xD8] =	vst v0  }
0xe: {  	[tilespmem:$0xE8] =	vst v0  }
0xf: {  	[tilespmem:$0xF8] =	vst v0  }
0x10: {  	[tilespmem:$0x108] =	vst v0  }
0x11: {  	[tilespmem:$0x118] =	vst v0  }
0x12: {  	[tilespmem:$0x128] =	vst v0  }
0x13: {  	[tilespmem:$0x138] =	vst v0  }
0x14: {  	[tilespmem:$0x148] =	vst v0  }
0x15: {  	[tilespmem:$0x158] =	vst v0  }
0x16: {  	[tilespmem:$0x168] =	vst v0  }
0x17: {  	[tilespmem:$0x178] =	vst v0  }
0x18: {  	[tilespmem:$0x188] =	vst v0  }
0x19: {  	[tilespmem:$0x198] =	vst v0  }
0x1a: {  	[tilespmem:$0x1A8] =	vst v0  }
0x1b: {  	[tilespmem:$0x1B8] =	vst v0  }
0x1c: {  	[tilespmem:$0x1C8] =	vst v0  }
0x1d: {  	[tilespmem:$0x1D8] =	vst v0  }
0x1e: {  	[tilespmem:$0x1E8] =	vst v0  }
0x1f: {  	[tilespmem:$0x1F8] =	vst v0  }
0x20: {  	[tilespmem:$0x208] =	vst v0  }
0x21: {  	[tilespmem:$0x218] =	vst v0  }
0x22: {  	[tilespmem:$0x228] =	vst v0  }
0x23: {  	[tilespmem:$0x238] =	vst v0  }
0x24: {  	[tilespmem:$0x248] =	vst v0  }
0x25: {  	[tilespmem:$0x258] =	vst v0  }
0x26: {  	[tilespmem:$0x268] =	vst v0  }
0x27: {  	[tilespmem:$0x278] =	vst v0  }
0x28: {  	[tilespmem:$0x288] =	vst v0  }
0x29: {  	[tilespmem:$0x298] =	vst v0  }
0x2a: {  	[tilespmem:$0x2A8] =	vst v0  }
0x2b: {  	[tilespmem:$0x2B8] =	vst v0  }
0x2c: {  	[tilespmem:$0x2C8] =	vst v0  }
0x2d: {  	[tilespmem:$0x2D8] =	vst v0  }
0x2e: {  	[tilespmem:$0x2E8] =	vst v0  }
0x2f: {  	[tilespmem:$0x2F8] =	vst v0  }
0x30: {  	[tilespmem:$0x308] =	vst v0  }
0x31: {  	[tilespmem:$0x318] =	vst v0  }
0x32: {  	[tilespmem:$0x328] =	vst v0  }
0x33: {  	[tilespmem:$0x338] =	vst v0  }
0x34: {  	[tilespmem:$0x348] =	vst v0  }
0x35: {  	[tilespmem:$0x358] =	vst v0  }
0x36: {  	[tilespmem:$0x368] =	vst v0  }
0x37: {  	[tilespmem:$0x378] =	vst v0  }
0x38: {  	[tilespmem:$0x388] =	vst v0  }
0x39: {  	[tilespmem:$0x398] =	vst v0  }
0x3a: {  	[tilespmem:$0x3A8] =	vst v0  }
0x3b: {  	[tilespmem:$0x3B8] =	vst v0  }
0x3c: {  	[tilespmem:$0x3C8] =	vst v0  }
0x3d: {  	[tilespmem:$0x3D8] =	vst v0  }
0x3e: {  	[tilespmem:$0x3E8] =	vst v0  }
0x3f: {  	[tilespmem:$0x3F8] =	vst v0  }
0x40: {  	[tilespmem:$0x408] =	vst v0  }
0x41: {  	[tilespmem:$0x418] =	vst v0  }
0x42: {  	[tilespmem:$0x428] =	vst v0  }
0x43: {  	[tilespmem:$0x438] =	vst v0  }
0x44: {  	[tilespmem:$0x448] =	vst v0  }
0x45: {  	[tilespmem:$0x458] =	vst v0  }
0x46: {  	[tilespmem:$0x468] =	vst v0  }
0x47: {  	[tilespmem:$0x478] =	vst v0  }
0x48: {  	[tilespmem:$0x488] =	vst v0  }
0x49: {  	[tilespmem:$0x498] =	vst v0  }
0x4a: {  	[tilespmem:$0x4A8] =	vst v0  }
0x4b: {  	[tilespmem:$0x4B8] =	vst v0  }
0x4c: {  	[tilespmem:$0x4C8] =	vst v0  }
0x4d: {  	[tilespmem:$0x4D8] =	vst v0  }
0x4e: {  	[tilespmem:$0x4E8] =	vst v0  }
0x4f: {  	[tilespmem:$0x4F8] =	vst v0  }
0x50: {  	[tilespmem:$0x508] =	vst v0  }
0x51: {  	[tilespmem:$0x518] =	vst v0  }
0x52: {  	[tilespmem:$0x528] =	vst v0  }
0x53: {  	[tilespmem:$0x538] =	vst v0  }
0x54: {  	[tilespmem:$0x548] =	vst v0  }
0x55: {  	[tilespmem:$0x558] =	vst v0  }
0x56: {  	[tilespmem:$0x568] =	vst v0  }
0x57: {  	[tilespmem:$0x578] =	vst v0  }
0x58: {  	[tilespmem:$0x588] =	vst v0  }
0x59: {  	[tilespmem:$0x598] =	vst v0  }
0x5a: {  	[tilespmem:$0x5A8] =	vst v0  }
0x5b: {  	[tilespmem:$0x5B8] =	vst v0  }
0x5c: {  	[tilespmem:$0x5C8] =	vst v0  }
0x5d: {  	[tilespmem:$0x5D8] =	vst v0  }
0x5e: {  	[tilespmem:$0x5E8] =	vst v0  }
0x5f: {  	[tilespmem:$0x5F8] =	vst v0  }
0x60: {  	[tilespmem:$0x608] =	vst v0  }
0x61: {  	[tilespmem:$0x618] =	vst v0  }
0x62: {  	[tilespmem:$0x628] =	vst v0  }
0x63: {  	[tilespmem:$0x638] =	vst v0  }
0x64: {  	[tilespmem:$0x648] =	vst v0  }
0x65: {  	[tilespmem:$0x658] =	vst v0  }
0x66: {  	[tilespmem:$0x668] =	vst v0  }
0x67: {  	[tilespmem:$0x678] =	vst v0  }
0x68: {  	[tilespmem:$0x688] =	vst v0  }
0x69: {  	[tilespmem:$0x698] =	vst v0  }
0x6a: {  	[tilespmem:$0x6A8] =	vst v0  }
0x6b: {  	[tilespmem:$0x6B8] =	vst v0  }
0x6c: {  	[tilespmem:$0x6C8] =	vst v0  }
0x6d: {  	[tilespmem:$0x6D8] =	vst v0  }
0x6e: {  	[tilespmem:$0x6E8] =	vst v0  }
0x6f: {  	[tilespmem:$0x6F8] =	vst v0  }
0x70: {  	[tilespmem:$0x708] =	vst v0  }
0x71: {  	[tilespmem:$0x718] =	vst v0  }
0x72: {  	[tilespmem:$0x728] =	vst v0  }
0x73: {  	[tilespmem:$0x738] =	vst v0  }
0x74: {  	[tilespmem:$0x748] =	vst v0  }
0x75: {  	[tilespmem:$0x758] =	vst v0  }
0x76: {  	[tilespmem:$0x768] =	vst v0  }
0x77: {  	[tilespmem:$0x778] =	vst v0  }
0x78: {  	[tilespmem:$0x788] =	vst v0  }
0x79: {  	[tilespmem:$0x798] =	vst v0  }
0x7a: {  	[tilespmem:$0x7A8] =	vst v0  }
0x7b: {  	[tilespmem:$0x7B8] =	vst v0  }
0x7c: {  	[tilespmem:$0x7C8] =	vst v0  }
0x7d: {  	[tilespmem:$0x7D8] =	vst v0  }
0x7e: {  	[tilespmem:$0x7E8] =	vst v0  }
0x7f: {  	[tilespmem:$0x7F8] =	vst v0  }
0x80: {  	[tilespmem:$0x808] =	vst v0  }
0x81: {  	[tilespmem:$0x818] =	vst v0  }
0x82: {  	[tilespmem:$0x828] =	vst v0  }
0x83: {  	[tilespmem:$0x838] =	vst v0  }
0x84: {  	[tilespmem:$0x848] =	vst v0  }
0x85: {  	[tilespmem:$0x858] =	vst v0  }
0x86: {  	[tilespmem:$0x868] =	vst v0  }
0x87: {  	[tilespmem:$0x878] =	vst v0  }
0x88: {  	[tilespmem:$0x888] =	vst v0  }
0x89: {  	[tilespmem:$0x898] =	vst v0  }
0x8a: {  	[tilespmem:$0x8A8] =	vst v0  }
0x8b: {  	[tilespmem:$0x8B8] =	vst v0  }
0x8c: {  	[tilespmem:$0x8C8] =	vst v0  }
0x8d: {  	[tilespmem:$0x8D8] =	vst v0  }
0x8e: {  	[tilespmem:$0x8E8] =	vst v0  }
0x8f: {  	[tilespmem:$0x8F8] =	vst v0  }
0x90: {  	[tilespmem:$0x908] =	vst v0  }
0x91: {  	[tilespmem:$0x918] =	vst v0  }
0x92: {  	[tilespmem:$0x928] =	vst v0  }
0x93: {  	[tilespmem:$0x938] =	vst v0  }
0x94: {  	[tilespmem:$0x948] =	vst v0  }
0x95: {  	[tilespmem:$0x958] =	vst v0  }
0x96: {  	[tilespmem:$0x968] =	vst v0  }
0x97: {  	[tilespmem:$0x978] =	vst v0  }
0x98: {  	[tilespmem:$0x988] =	vst v0  }
0x99: {  	[tilespmem:$0x998] =	vst v0  }
0x9a: {  	[tilespmem:$0x9A8] =	vst v0  }
0x9b: {  	[tilespmem:$0x9B8] =	vst v0  }
0x9c: {  	[tilespmem:$0x9C8] =	vst v0  }
0x9d: {  	[tilespmem:$0x9D8] =	vst v0  }
0x9e: {  	[tilespmem:$0x9E8] =	vst v0  }
0x9f: {  	[tilespmem:$0x9F8] =	vst v0  }
0xa0: {  	[tilespmem:$0xA08] =	vst v0  }
0xa1: {  	[tilespmem:$0xA18] =	vst v0  }
0xa2: {  	[tilespmem:$0xA28] =	vst v0  }
0xa3: {  	[tilespmem:$0xA38] =	vst v0  }
0xa4: {  	[tilespmem:$0xA48] =	vst v0  }
0xa5: {  	[tilespmem:$0xA58] =	vst v0  }
0xa6: {  	[tilespmem:$0xA68] =	vst v0  }
0xa7: {  	[tilespmem:$0xA78] =	vst v0  }
0xa8: {  	[tilespmem:$0xA88] =	vst v0  }
0xa9: {  	[tilespmem:$0xA98] =	vst v0  }
0xaa: {  	[tilespmem:$0xAA8] =	vst v0  }
0xab: {  	[tilespmem:$0xAB8] =	vst v0  }
0xac: {  	[tilespmem:$0xAC8] =	vst v0  }
0xad: {  	[tilespmem:$0xAD8] =	vst v0  }
0xae: {  	[tilespmem:$0xAE8] =	vst v0  }
0xaf: {  	[tilespmem:$0xAF8] =	vst v0  }
0xb0: {  	[tilespmem:$0xB08] =	vst v0  }
0xb1: {  	[tilespmem:$0xB18] =	vst v0  }
0xb2: {  	[tilespmem:$0xB28] =	vst v0  }
0xb3: {  	[tilespmem:$0xB38] =	vst v0  }
0xb4: {  	[tilespmem:$0xB48] =	vst v0  }
0xb5: {  	[tilespmem:$0xB58] =	vst v0  }
0xb6: {  	[tilespmem:$0xB68] =	vst v0  }
0xb7: {  	[tilespmem:$0xB78] =	vst v0  }
0xb8: {  	[tilespmem:$0xB88] =	vst v0  }
0xb9: {  	[tilespmem:$0xB98] =	vst v0  }
0xba: {  	[tilespmem:$0xBA8] =	vst v0  }
0xbb: {  	[tilespmem:$0xBB8] =	vst v0  }
0xbc: {  	[tilespmem:$0xBC8] =	vst v0  }
0xbd: {  	[tilespmem:$0xBD8] =	vst v0  }
0xbe: {  	[tilespmem:$0xBE8] =	vst v0  }
0xbf: {  	[tilespmem:$0xBF8] =	vst v0  }
0xc0: {  	[tilespmem:$0xC08] =	vst v0  }
0xc1: {  	[tilespmem:$0xC18] =	vst v0  }
0xc2: {  	[tilespmem:$0xC28] =	vst v0  }
0xc3: {  	[tilespmem:$0xC38] =	vst v0  }
0xc4: {  	[tilespmem:$0xC48] =	vst v0  }
0xc5: {  	[tilespmem:$0xC58] =	vst v0  }
0xc6: {  	[tilespmem:$0xC68] =	vst v0  }
0xc7: {  	[tilespmem:$0xC78] =	vst v0  }
0xc8: {  	[tilespmem:$0xC88] =	vst v0  }
0xc9: {  	[tilespmem:$0xC98] =	vst v0  }
0xca: {  	[tilespmem:$0xCA8] =	vst v0  }
0xcb: {  	[tilespmem:$0xCB8] =	vst v0  }
0xcc: {  	[tilespmem:$0xCC8] =	vst v0  }
0xcd: {  	[tilespmem:$0xCD8] =	vst v0  }
0xce: {  	[tilespmem:$0xCE8] =	vst v0  }
0xcf: {  	[tilespmem:$0xCF8] =	vst v0  }
0xd0: {  	[tilespmem:$0xD08] =	vst v0  }
0xd1: {  	[tilespmem:$0xD18] =	vst v0  }
0xd2: {  	[tilespmem:$0xD28] =	vst v0  }
0xd3: {  	[tilespmem:$0xD38] =	vst v0  }
0xd4: {  	[tilespmem:$0xD48] =	vst v0  }
0xd5: {  	[tilespmem:$0xD58] =	vst v0  }
0xd6: {  	[tilespmem:$0xD68] =	vst v0  }
0xd7: {  	[tilespmem:$0xD78] =	vst v0  }
0xd8: {  	[tilespmem:$0xD88] =	vst v0  }
0xd9: {  	[tilespmem:$0xD98] =	vst v0  }
0xda: {  	[tilespmem:$0xDA8] =	vst v0  }
0xdb: {  	[tilespmem:$0xDB8] =	vst v0  }
0xdc: {  	[tilespmem:$0xDC8] =	vst v0  }
0xdd: {  	[tilespmem:$0xDD8] =	vst v0  }
0xde: {  	[tilespmem:$0xDE8] =	vst v0  }
0xdf: {  	[tilespmem:$0xDF8] =	vst v0  }
0xe0: {  	[tilespmem:$0xE08] =	vst v0  }
0xe1: {  	[tilespmem:$0xE18] =	vst v0  }
0xe2: {  	[tilespmem:$0xE28] =	vst v0  }
0xe3: {  	[tilespmem:$0xE38] =	vst v0  }
0xe4: {  	[tilespmem:$0xE48] =	vst v0  }
0xe5: {  	[tilespmem:$0xE58] =	vst v0  }
0xe6: {  	[tilespmem:$0xE68] =	vst v0  }
0xe7: {  	[tilespmem:$0xE78] =	vst v0  }
0xe8: {  	[tilespmem:$0xE88] =	vst v0  }
0xe9: {  	[tilespmem:$0xE98] =	vst v0  }
0xea: {  	[tilespmem:$0xEA8] =	vst v0  }
0xeb: {  	[tilespmem:$0xEB8] =	vst v0  }
0xec: {  	[tilespmem:$0xEC8] =	vst v0  }
0xed: {  	[tilespmem:$0xED8] =	vst v0  }
0xee: {  	[tilespmem:$0xEE8] =	vst v0  }
0xef: {  	[tilespmem:$0xEF8] =	vst v0  }
0xf0: {  	[tilespmem:$0xF08] =	vst v0  }
0xf1: {  	[tilespmem:$0xF18] =	vst v0  }
0xf2: {  	[tilespmem:$0xF28] =	vst v0  }
0xf3: {  	[tilespmem:$0xF38] =	vst v0  }
0xf4: {  	[tilespmem:$0xF48] =	vst v0  }
0xf5: {  	[tilespmem:$0xF58] =	vst v0  }
0xf6: {  	[tilespmem:$0xF68] =	vst v0  }
0xf7: {  	[tilespmem:$0xF78] =	vst v0  }
0xf8: {  	[tilespmem:$0xF88] =	vst v0  }
0xf9: {  	[tilespmem:$0xF98] =	vst v0  }
0xfa: {  	[tilespmem:$0xFA8] =	vst v0  }
0xfb: {  	[tilespmem:$0xFB8] =	vst v0  }
0xfc: {  	[tilespmem:$0xFC8] =	vst v0  }
0xfd: {  	[tilespmem:$0xFD8] =	vst v0  }
0xfe: {  	[tilespmem:$0xFE8] =	vst v0  }
0xff: {  	[tilespmem:$0xFF8] =	vst v0  }
0x100: {  	[tilespmem:$0x1008] =	vst v0  }
0x101: {  	[tilespmem:$0x1018] =	vst v0  }
0x102: {  	[tilespmem:$0x1028] =	vst v0  }
0x103: {  	[tilespmem:$0x11C8] =	vst v0  }
0x104: {  	[tilespmem:$0x11B8] =	vst v0  }
0x105: {  	[tilespmem:$0x11A8] =	vst v0  }
0x106: {  	[tilespmem:$0x1198] =	vst v0  }
0x107: {  	[tilespmem:$0x1188] =	vst v0  }
0x108: {  	[tilespmem:$0x1178] =	vst v0  }
0x109: {  	[tilespmem:$0x1168] =	vst v0  }
0x10a: {  	[tilespmem:$0x1038] =	vst v0  }
0x10b: {  	[tilespmem:$0x1048] =	vst v0  }
0x10c: {  	[tilespmem:$0x1058] =	vst v0  }
0x10d: {  	[tilespmem:$0x1068] =	vst v0  }
0x10e: {  	[tilespmem:$0x1078] =	vst v0  }
0x10f: {  	[tilespmem:$0x1088] =	vst v0  }
0x110: {  	[tilespmem:$0x1098] =	vst v0  }
0x111: {  	[tilespmem:$0x10A8] =	vst v0  }
0x112: {  	[tilespmem:$0x10B8] =	vst v0  }
0x113: {  	[tilespmem:$0x10C8] =	vst v0  }
0x114: {  	[tilespmem:$0x10D8] =	vst v0  }
0x115: {  	[tilespmem:$0x10E8] =	vst v0  }
0x116: {  	[tilespmem:$0x10F8] =	vst v0  }
0x117: {  	[tilespmem:$0x1108] =	vst v0  }
0x118: {  	[tilespmem:$0x1118] =	vst v0  }
0x119: {  	[tilespmem:$0x1128] =	vst v0  }
0x11a: {  	[tilespmem:$0x1138] =	vst v0  }
0x11b: {  	[tilespmem:$0x1148] =	vst v0  }
0x11c: {  	[tilespmem:$0x1158] =	vst v0  }
0x11d: {  	[tilespmem:$0x11D8] =	vst v0  }
0x11e: {  	[tilespmem:$0x11E8] =	vst v0  }
0x11f: {  	[tilespmem:$0x11F8] =	vst v0  }
0x120: {  	[tilespmem:$0x1208] =	vst v0  }
0x121: {  	[tilespmem:$0x1218] =	vst v0  }
0x122: {  	[tilespmem:$0x1228] =	vst v0  }
0x123: {  	[tilespmem:$0x1238] =	vst v0  }
0x124: {  	[tilespmem:$0x1248] =	vst v0  }
0x125: {  	[tilespmem:$0x1258] =	vst v0  }
0x126: {  	[tilespmem:$0x1268] =	vst v0  }
0x127: {  	[tilespmem:$0x1278] =	vst v0  }
0x128: {  	[tilespmem:$0x1288] =	vst v0  }
0x129: {  	[tilespmem:$0x1298] =	vst v0  }
0x12a: {  	[tilespmem:$0x12A8] =	vst v0  }
0x12b: {  	[tilespmem:$0x12B8] =	vst v0  }
0x12c: {  	[tilespmem:$0x12C8] =	vst v0  }
0x12d: {  	[tilespmem:$0x12D8] =	vst v0  }
0x12e: {  	[tilespmem:$0x12E8] =	vst v0  }
0x12f: {  	[tilespmem:$0x12F8] =	vst v0  }
0x130: {  	[tilespmem:$0x1308] =	vst v0  }
0x131: {  	[tilespmem:$0x1318] =	vst v0  }
0x132: {  	[tilespmem:$0x1328] =	vst v0  }
0x133: {  	[tilespmem:$0x1338] =	vst v0  }
0x134: {  	[tilespmem:$0x1348] =	vst v0  }
0x135: {  	[tilespmem:$0x1358] =	vst v0  }
0x136: {  	[tilespmem:$0x1368] =	vst v0  }
0x137: {  	[tilespmem:$0x1378] =	vst v0  }
0x138: {  	[tilespmem:$0x1388] =	vst v0  }
0x139: {  	[tilespmem:$0x1398] =	vst v0  }
0x13a: {  	[tilespmem:$0x13A8] =	vst v0  }
0x13b: {  	[tilespmem:$0x13B8] =	vst v0  }
0x13c: {  	[tilespmem:$0x13C8] =	vst v0  }
0x13d: {  	[tilespmem:$0x13D8] =	vst v0  }
0x13e: {  	[tilespmem:$0x13E8] =	vst v0  }
0x13f: {  	[tilespmem:$0x13F8] =	vst v0  }
0x140: {  	[tilespmem:$0x1408] =	vst v0  }
0x141: {  	[tilespmem:$0x1418] =	vst v0  }
0x142: {  	[tilespmem:$0x1428] =	vst v0  }
0x143: {  	[tilespmem:$0x1438] =	vst v0  }
0x144: {  	[tilespmem:$0x1448] =	vst v0  }
0x145: {  	[tilespmem:$0x1458] =	vst v0  }
0x146: {  	[tilespmem:$0x1468] =	vst v0  }
0x147: {  	[tilespmem:$0x1478] =	vst v0  }
0x148: {  	[tilespmem:$0x1488] =	vst v0  }
0x149: {  	[tilespmem:$0x1498] =	vst v0  }
0x14a: {  	[tilespmem:$0x14A8] =	vst v0  }
0x14b: {  	[tilespmem:$0x14B8] =	vst v0  }
0x14c: {  	[tilespmem:$0x14C8] =	vst v0  }
0x14d: {  	[tilespmem:$0x14D8] =	vst v0  }
0x14e: {  	[tilespmem:$0x14E8] =	vst v0  }
0x14f: {  	[tilespmem:$0x14F8] =	vst v0  }
0x150: {  	[tilespmem:$0x1508] =	vst v0  }
0x151: {  	[tilespmem:$0x1518] =	vst v0  }
0x152: {  	[tilespmem:$0x1528] =	vst v0  }
0x153: {  	[tilespmem:$0x1538] =	vst v0  }
0x154: {  	[tilespmem:$0x1548] =	vst v0  }
0x155: {  	[tilespmem:$0x1558] =	vst v0  }
0x156: {  	[tilespmem:$0x1568] =	vst v0  }
0x157: {  	[tilespmem:$0x1578] =	vst v0  }
0x158: {  	[tilespmem:$0x1588] =	vst v0  }
0x159: {  	[tilespmem:$0x1598] =	vst v0  }
0x15a: {  	[tilespmem:$0x15A8] =	vst v0  }
0x15b: {  	[tilespmem:$0x15B8] =	vst v0  }
0x15c: {  	[tilespmem:$0x15C8] =	vst v0  }
0x15d: {  	[tilespmem:$0x15D8] =	vst v0  }
0x15e: {  	[tilespmem:$0x15E8] =	vst v0  }
0x15f: {  	[tilespmem:$0x15F8] =	vst v0  }
0x160: {  	[tilespmem:$0x1608] =	vst v0  }
0x161: {  	[tilespmem:$0x1618] =	vst v0  }
0x162: {  	[tilespmem:$0x1628] =	vst v0  }
0x163: {  	[tilespmem:$0x1638] =	vst v0  }
0x164: {  	[tilespmem:$0x1648] =	vst v0  }
0x165: {  	[tilespmem:$0x1658] =	vst v0  }
0x166: {  	[tilespmem:$0x1668] =	vst v0  }
0x167: {  	[tilespmem:$0x1678] =	vst v0  }
0x168: {  	[tilespmem:$0x1688] =	vst v0  }
0x169: {  	[tilespmem:$0x1698] =	vst v0  }
0x16a: {  	[tilespmem:$0x16A8] =	vst v0  }
0x16b: {  	[tilespmem:$0x16B8] =	vst v0  }
0x16c: {  	[tilespmem:$0x16C8] =	vst v0  }
0x16d: {  	[tilespmem:$0x16D8] =	vst v0  }
0x16e: {  	[tilespmem:$0x16E8] =	vst v0  }
0x16f: {  	[tilespmem:$0x16F8] =	vst v0  }
0x170: {  	[tilespmem:$0x1708] =	vst v0  }
0x171: {  	[tilespmem:$0x1718] =	vst v0  }
0x172: {  	[tilespmem:$0x1728] =	vst v0  }
0x173: {  	[tilespmem:$0x1738] =	vst v0  }
0x174: {  	[tilespmem:$0x1748] =	vst v0  }
0x175: {  	[tilespmem:$0x1758] =	vst v0  }
0x176: {  	[tilespmem:$0x1768] =	vst v0  }
0x177: {  	[tilespmem:$0x1778] =	vst v0  }
0x178: {  	[tilespmem:$0x1788] =	vst v0  }
0x179: {  	[tilespmem:$0x1798] =	vst v0  }
0x17a: {  	[tilespmem:$0x17A8] =	vst v0  }
0x17b: {  	[tilespmem:$0x17B8] =	vst v0  }
0x17c: {  	[tilespmem:$0x17C8] =	vst v0  }
0x17d: {  	[tilespmem:$0x17D8] =	vst v0  }
0x17e: {  	[tilespmem:$0x17E8] =	vst v0  }
0x17f: {  	[tilespmem:$0x17F8] =	vst v0  }
0x180: {  	[tilespmem:$0x1808] =	vst v0  }
0x181: {  	[tilespmem:$0x1818] =	vst v0  }
0x182: {  	[tilespmem:$0x1828] =	vst v0  }
0x183: {  	[tilespmem:$0x1838] =	vst v0  }
0x184: {  	[tilespmem:$0x1848] =	vst v0  }
0x185: {  	[tilespmem:$0x1858] =	vst v0  }
0x186: {  	[tilespmem:$0x1868] =	vst v0  }
0x187: {  	[tilespmem:$0x1878] =	vst v0  }
0x188: {  	[tilespmem:$0x1888] =	vst v0  }
0x189: {  	[tilespmem:$0x1898] =	vst v0  }
0x18a: {  	[tilespmem:$0x18A8] =	vst v0  }
0x18b: {  	[tilespmem:$0x18B8] =	vst v0  }
0x18c: {  	[tilespmem:$0x18C8] =	vst v0  }
0x18d: {  	[tilespmem:$0x18D8] =	vst v0  }
0x18e: {  	[tilespmem:$0x18E8] =	vst v0  }
0x18f: {  	[tilespmem:$0x18F8] =	vst v0  }
0x190: {  	[tilespmem:$0x1908] =	vst v0  }
0x191: {  	[tilespmem:$0x1918] =	vst v0  }
0x192: {  	[tilespmem:$0x1928] =	vst v0  }
0x193: {  	[tilespmem:$0x1938] =	vst v0  }
0x194: {  	[tilespmem:$0x1948] =	vst v0  }
0x195: {  	[tilespmem:$0x1958] =	vst v0  }
0x196: {  	[tilespmem:$0x1968] =	vst v0  }
0x197: {  	[tilespmem:$0x1978] =	vst v0  }
0x198: {  	[tilespmem:$0x1988] =	vst v0  }
0x199: {  	[tilespmem:$0x1998] =	vst v0  }
0x19a: {  	[tilespmem:$0x19A8] =	vst v0  }
0x19b: {  	[tilespmem:$0x19B8] =	vst v0  }
0x19c: {  	[tilespmem:$0x19C8] =	vst v0  }
0x19d: {  	[tilespmem:$0x19D8] =	vst v0  }
0x19e: {  	[tilespmem:$0x19E8] =	vst v0  }
0x19f: {  	[tilespmem:$0x19F8] =	vst v0  }
0x1a0: {  	[tilespmem:$0x1A08] =	vst v0  }
0x1a1: {  	[tilespmem:$0x1A18] =	vst v0  }
0x1a2: {  	[tilespmem:$0x1A28] =	vst v0  }
0x1a3: {  	[tilespmem:$0x1A38] =	vst v0  }
0x1a4: {  	[tilespmem:$0x1A48] =	vst v0  }
0x1a5: {  	[tilespmem:$0x1A58] =	vst v0  }
0x1a6: {  	[tilespmem:$0x1A68] =	vst v0  }
0x1a7: {  	[tilespmem:$0x1A78] =	vst v0  }
0x1a8: {  	[tilespmem:$0x1A88] =	vst v0  }
0x1a9: {  	[tilespmem:$0x1A98] =	vst v0  }
0x1aa: {  	[tilespmem:$0x1AA8] =	vst v0  }
0x1ab: {  	[tilespmem:$0x1AB8] =	vst v0  }
0x1ac: {  	[tilespmem:$0x1AC8] =	vst v0  }
0x1ad: {  	[tilespmem:$0x1AD8] =	vst v0  }
0x1ae: {  	[tilespmem:$0x1AE8] =	vst v0  }
0x1af: {  	[tilespmem:$0x1AF8] =	vst v0  }
0x1b0: {  	[tilespmem:$0x1B08] =	vst v0  }
0x1b1: {  	[tilespmem:$0x1B18] =	vst v0  }
0x1b2: {  	[tilespmem:$0x1B28] =	vst v0  }
0x1b3: {  	[tilespmem:$0x1B38] =	vst v0  }
0x1b4: {  	[tilespmem:$0x1B48] =	vst v0  }
0x1b5: {  	[tilespmem:$0x1B58] =	vst v0  }
0x1b6: {  	[tilespmem:$0x1B68] =	vst v0  }
0x1b7: {  	[tilespmem:$0x1B78] =	vst v0  }
0x1b8: {  	[tilespmem:$0x1B88] =	vst v0  }
0x1b9: {  	[tilespmem:$0x1B98] =	vst v0  }
0x1ba: {  	[tilespmem:$0x1BA8] =	vst v0  }
0x1bb: {  	[tilespmem:$0x1BB8] =	vst v0  }
0x1bc: {  	[tilespmem:$0x1BC8] =	vst v0  }
0x1bd: {  	[tilespmem:$0x1BD8] =	vst v0  }
0x1be: {  	[tilespmem:$0x1BE8] =	vst v0  }
0x1bf: {  	[tilespmem:$0x1BF8] =	vst v0  }
0x1c0: {  	[tilespmem:$0x1C08] =	vst v0  }
0x1c1: {  	[tilespmem:$0x1C18] =	vst v0  }
0x1c2: {  	[tilespmem:$0x1C28] =	vst v0  }
0x1c3: {  	[tilespmem:$0x1C38] =	vst v0  }
0x1c4: {  	[tilespmem:$0x1C48] =	vst v0  }
0x1c5: {  	[tilespmem:$0x1C58] =	vst v0  }
0x1c6: {  	[tilespmem:$0x1C68] =	vst v0  }
0x1c7: {  	[tilespmem:$0x1C78] =	vst v0  }
0x1c8: {  	[tilespmem:$0x1C88] =	vst v0  }
0x1c9: {  	[tilespmem:$0x1C98] =	vst v0  }
0x1ca: {  	[tilespmem:$0x1CA8] =	vst v0  }
0x1cb: {  	[tilespmem:$0x1CB8] =	vst v0  }
0x1cc: {  	[tilespmem:$0x1CC8] =	vst v0  }
0x1cd: {  	[tilespmem:$0x1CD8] =	vst v0  }
0x1ce: {  	[tilespmem:$0x1CE8] =	vst v0  }
0x1cf: {  	[tilespmem:$0x1CF8] =	vst v0  }
0x1d0: {  	[tilespmem:$0x1D08] =	vst v0  }
0x1d1: {  	[tilespmem:$0x1D18] =	vst v0  }
0x1d2: {  	[tilespmem:$0x1D28] =	vst v0  }
0x1d3: {  	[tilespmem:$0x1D38] =	vst v0  }
0x1d4: {  	[tilespmem:$0x1D48] =	vst v0  }
0x1d5: {  	[tilespmem:$0x1D58] =	vst v0  }
0x1d6: {  	[tilespmem:$0x1D68] =	vst v0  }
0x1d7: {  	[tilespmem:$0x1D78] =	vst v0  }
0x1d8: {  	[tilespmem:$0x1D88] =	vst v0  }
0x1d9: {  	[tilespmem:$0x1D98] =	vst v0  }
0x1da: {  	[tilespmem:$0x1DA8] =	vst v0  }
0x1db: {  	[tilespmem:$0x1DB8] =	vst v0  }
0x1dc: {  	[tilespmem:$0x1DC8] =	vst v0  }
0x1dd: {  	[tilespmem:$0x1DD8] =	vst v0  }
0x1de: {  	[tilespmem:$0x1DE8] =	vst v0  }
0x1df: {  	[tilespmem:$0x1DF8] =	vst v0  }
0x1e0: {  	[tilespmem:$0x1E08] =	vst v0  }
0x1e1: {  	[tilespmem:$0x1E18] =	vst v0  }
0x1e2: {  	[tilespmem:$0x1E28] =	vst v0  }
0x1e3: {  	[tilespmem:$0x1E38] =	vst v0  }
0x1e4: {  	[tilespmem:$0x1E48] =	vst v0  }
0x1e5: {  	[tilespmem:$0x1E58] =	vst v0  }
0x1e6: {  	[tilespmem:$0x1E68] =	vst v0  }
0x1e7: {  	[tilespmem:$0x1E78] =	vst v0  }
0x1e8: {  	[tilespmem:$0x1E88] =	vst v0  }
0x1e9: {  	[tilespmem:$0x1E98] =	vst v0  }
0x1ea: {  	[tilespmem:$0x1EA8] =	vst v0  }
0x1eb: {  	[tilespmem:$0x1EB8] =	vst v0  }
0x1ec: {  	[tilespmem:$0x1EC8] =	vst v0  }
0x1ed: {  	[tilespmem:$0x1ED8] =	vst v0  }
0x1ee: {  	[tilespmem:$0x1EE8] =	vst v0  }
0x1ef: {  	[tilespmem:$0x1EF8] =	vst v0  }
0x1f0: {  	[tilespmem:$0x1F08] =	vst v0  }
0x1f1: {  	[tilespmem:$0x1F18] =	vst v0  }
0x1f2: {  	[tilespmem:$0x1F28] =	vst v0  }
0x1f3: {  	[tilespmem:$0x1F38] =	vst v0  }
0x1f4: {  	[tilespmem:$0x1F48] =	vst v0  }
0x1f5: {  	[tilespmem:$0x1F58] =	vst v0  }
0x1f6: {  	[tilespmem:$0x1F68] =	vst v0  }
0x1f7: {  	[tilespmem:$0x1F78] =	vst v0  }
0x1f8: {  	[tilespmem:$0x1F88] =	vst v0  }
0x1f9: {  	[tilespmem:$0x1F98] =	vst v0  }
0x1fa: {  	[tilespmem:$0x1FA8] =	vst v0  }
0x1fb: {  	[tilespmem:$0x1FB8] =	vst v0  }
0x1fc: {  	[tilespmem:$0x1FC8] =	vst v0  }
0x1fd: {  	[tilespmem:$0x1FD8] =	vst v0  }
0x1fe: {  	[tilespmem:$0x1FE8] =	vst v0  }
0x1ff: {  	[tilespmem:$0x1FF8] =	vst v0  }
0x200: {  	[tilespmem:$0x2008] =	vst v0  }
0x201: {  	[tilespmem:$0x2018] =	vst v0  }
0x202: {  	[tilespmem:$0x2028] =	vst v0  }
0x203: {  	[tilespmem:$0x2038] =	vst v0  }
0x204: {  	[tilespmem:$0x2048] =	vst v0  }
0x205: {  	[tilespmem:$0x2058] =	vst v0  }
0x206: {  	[tilespmem:$0x2068] =	vst v0  }
0x207: {  	[tilespmem:$0x2078] =	vst v0  }
0x208: {  	[tilespmem:$0x2088] =	vst v0  }
0x209: {  	[tilespmem:$0x2098] =	vst v0  }
0x20a: {  	[tilespmem:$0x20A8] =	vst v0  }
0x20b: {  	[tilespmem:$0x20B8] =	vst v0  }
0x20c: {  	[tilespmem:$0x20C8] =	vst v0  }
0x20d: {  	[tilespmem:$0x20D8] =	vst v0  }
0x20e: {  	[tilespmem:$0x20E8] =	vst v0  }
0x20f: {  	[tilespmem:$0x20F8] =	vst v0  }
0x210: {  	[tilespmem:$0x2108] =	vst v0  }
0x211: {  	[tilespmem:$0x2118] =	vst v0  }
0x212: {  	[tilespmem:$0x2128] =	vst v0  }
0x213: {  	[tilespmem:$0x2138] =	vst v0  }
0x214: {  	[tilespmem:$0x2148] =	vst v0  }
0x215: {  	[tilespmem:$0x2158] =	vst v0  }
0x216: {  	[tilespmem:$0x2178] =	vst v0  }
0x217: {  	[tilespmem:$0x2228] =	vst v0  }
0x218: {  	[tilespmem:$0x3058] =	vst v0  }
0x219: {  	[tilespmem:$0x3048] =	vst v0  }
0x21a: {  	[tilespmem:$0x3038] =	vst v0  }
0x21b: {  	[tilespmem:$0x3028] =	vst v0  }
0x21c: {  	[tilespmem:$0x3018] =	vst v0  }
0x21d: {  	[tilespmem:$0x3008] =	vst v0  }
0x21e: {  	[tilespmem:$0x2FF8] =	vst v0  }
0x21f: {  	[tilespmem:$0x2FE8] =	vst v0  }
0x220: {  	[tilespmem:$0x2FD8] =	vst v0  }
0x221: {  	[tilespmem:$0x2FC8] =	vst v0  }
0x222: {  	[tilespmem:$0x2FB8] =	vst v0  }
0x223: {  	[tilespmem:$0x2FA8] =	vst v0  }
0x224: {  	[tilespmem:$0x2F98] =	vst v0  }
0x225: {  	[tilespmem:$0x2F88] =	vst v0  }
0x226: {  	[tilespmem:$0x2F78] =	vst v0  }
0x227: {  	[tilespmem:$0x2F68] =	vst v0  }
0x228: {  	[tilespmem:$0x2F58] =	vst v0  }
0x229: {  	[tilespmem:$0x2F48] =	vst v0  }
0x22a: {  	[tilespmem:$0x2F38] =	vst v0  }
0x22b: {  	[tilespmem:$0x2F28] =	vst v0  }
0x22c: {  	[tilespmem:$0x2F18] =	vst v0  }
0x22d: {  	[tilespmem:$0x2F08] =	vst v0  }
0x22e: {  	[tilespmem:$0x2EF8] =	vst v0  }
0x22f: {  	[tilespmem:$0x2EE8] =	vst v0  }
0x230: {  	[tilespmem:$0x2ED8] =	vst v0  }
0x231: {  	[tilespmem:$0x2EC8] =	vst v0  }
0x232: {  	[tilespmem:$0x2EB8] =	vst v0  }
0x233: {  	[tilespmem:$0x2EA8] =	vst v0  }
0x234: {  	[tilespmem:$0x2E98] =	vst v0  }
0x235: {  	[tilespmem:$0x2E88] =	vst v0  }
0x236: {  	[tilespmem:$0x2E78] =	vst v0  }
0x237: {  	[tilespmem:$0x2E68] =	vst v0  }
0x238: {  	[tilespmem:$0x2E58] =	vst v0  }
0x239: {  	[tilespmem:$0x2E48] =	vst v0  }
0x23a: {  	[tilespmem:$0x2E38] =	vst v0  }
0x23b: {  	[tilespmem:$0x2E28] =	vst v0  }
0x23c: {  	[tilespmem:$0x2E18] =	vst v0  }
0x23d: {  	[tilespmem:$0x2E08] =	vst v0  }
0x23e: {  	[tilespmem:$0x2DF8] =	vst v0  }
0x23f: {  	[tilespmem:$0x2DE8] =	vst v0  }
0x240: {  	[tilespmem:$0x2DD8] =	vst v0  }
0x241: {  	[tilespmem:$0x2DC8] =	vst v0  }
0x242: {  	[tilespmem:$0x2DB8] =	vst v0  }
0x243: {  	[tilespmem:$0x2DA8] =	vst v0  }
0x244: {  	[tilespmem:$0x2D98] =	vst v0  }
0x245: {  	[tilespmem:$0x2D88] =	vst v0  }
0x246: {  	[tilespmem:$0x2D78] =	vst v0  }
0x247: {  	[tilespmem:$0x2D68] =	vst v0  }
0x248: {  	[tilespmem:$0x2D58] =	vst v0  }
0x249: {  	[tilespmem:$0x2D48] =	vst v0  }
0x24a: {  	[tilespmem:$0x2D38] =	vst v0  }
0x24b: {  	[tilespmem:$0x2D28] =	vst v0  }
0x24c: {  	[tilespmem:$0x2D18] =	vst v0  }
0x24d: {  	[tilespmem:$0x2D08] =	vst v0  }
0x24e: {  	[tilespmem:$0x2CF8] =	vst v0  }
0x24f: {  	[tilespmem:$0x2CE8] =	vst v0  }
0x250: {  	[tilespmem:$0x2CD8] =	vst v0  }
0x251: {  	[tilespmem:$0x2CC8] =	vst v0  }
0x252: {  	[tilespmem:$0x2CB8] =	vst v0  }
0x253: {  	[tilespmem:$0x2CA8] =	vst v0  }
0x254: {  	[tilespmem:$0x2C98] =	vst v0  }
0x255: {  	[tilespmem:$0x2C88] =	vst v0  }
0x256: {  	[tilespmem:$0x2C78] =	vst v0  }
0x257: {  	[tilespmem:$0x2C68] =	vst v0  }
0x258: {  	[tilespmem:$0x2C58] =	vst v0  }
0x259: {  	[tilespmem:$0x2C48] =	vst v0  }
0x25a: {  	[tilespmem:$0x2C38] =	vst v0  }
0x25b: {  	[tilespmem:$0x2C28] =	vst v0  }
0x25c: {  	[tilespmem:$0x2C18] =	vst v0  }
0x25d: {  	[tilespmem:$0x2C08] =	vst v0  }
0x25e: {  	[tilespmem:$0x2BF8] =	vst v0  }
0x25f: {  	[tilespmem:$0x2BE8] =	vst v0  }
0x260: {  	[tilespmem:$0x2BD8] =	vst v0  }
0x261: {  	[tilespmem:$0x2BC8] =	vst v0  }
0x262: {  	[tilespmem:$0x2BB8] =	vst v0  }
0x263: {  	[tilespmem:$0x2BA8] =	vst v0  }
0x264: {  	[tilespmem:$0x2B98] =	vst v0  }
0x265: {  	[tilespmem:$0x2B88] =	vst v0  }
0x266: {  	[tilespmem:$0x2B78] =	vst v0  }
0x267: {  	[tilespmem:$0x2B68] =	vst v0  }
0x268: {  	[tilespmem:$0x2B58] =	vst v0  }
0x269: {  	[tilespmem:$0x2B48] =	vst v0  }
0x26a: {  	[tilespmem:$0x2B38] =	vst v0  }
0x26b: {  	[tilespmem:$0x2B28] =	vst v0  }
0x26c: {  	[tilespmem:$0x2B18] =	vst v0  }
0x26d: {  	[tilespmem:$0x2B08] =	vst v0  }
0x26e: {  	[tilespmem:$0x2AF8] =	vst v0  }
0x26f: {  	[tilespmem:$0x2AE8] =	vst v0  }
0x270: {  	[tilespmem:$0x2AD8] =	vst v0  }
0x271: {  	[tilespmem:$0x2AC8] =	vst v0  }
0x272: {  	[tilespmem:$0x2AB8] =	vst v0  }
0x273: {  	[tilespmem:$0x2AA8] =	vst v0  }
0x274: {  	[tilespmem:$0x2A98] =	vst v0  }
0x275: {  	[tilespmem:$0x2A88] =	vst v0  }
0x276: {  	[tilespmem:$0x2A78] =	vst v0  }
0x277: {  	[tilespmem:$0x2A68] =	vst v0  }
0x278: {  	[tilespmem:$0x2A58] =	vst v0  }
0x279: {  	[tilespmem:$0x2A48] =	vst v0  }
0x27a: {  	[tilespmem:$0x2A38] =	vst v0  }
0x27b: {  	[tilespmem:$0x2A28] =	vst v0  }
0x27c: {  	[tilespmem:$0x2A18] =	vst v0  }
0x27d: {  	[tilespmem:$0x2A08] =	vst v0  }
0x27e: {  	[tilespmem:$0x29F8] =	vst v0  }
0x27f: {  	[tilespmem:$0x29E8] =	vst v0  }
0x280: {  	[tilespmem:$0x29D8] =	vst v0  }
0x281: {  	[tilespmem:$0x29C8] =	vst v0  }
0x282: {  	[tilespmem:$0x29B8] =	vst v0  }
0x283: {  	[tilespmem:$0x29A8] =	vst v0  }
0x284: {  	[tilespmem:$0x2998] =	vst v0  }
0x285: {  	[tilespmem:$0x2988] =	vst v0  }
0x286: {  	[tilespmem:$0x2978] =	vst v0  }
0x287: {  	[tilespmem:$0x2968] =	vst v0  }
0x288: {  	[tilespmem:$0x2958] =	vst v0  }
0x289: {  	[tilespmem:$0x2948] =	vst v0  }
0x28a: {  	[tilespmem:$0x2938] =	vst v0  }
0x28b: {  	[tilespmem:$0x2928] =	vst v0  }
0x28c: {  	[tilespmem:$0x2918] =	vst v0  }
0x28d: {  	[tilespmem:$0x2908] =	vst v0  }
0x28e: {  	[tilespmem:$0x28F8] =	vst v0  }
0x28f: {  	[tilespmem:$0x28E8] =	vst v0  }
0x290: {  	[tilespmem:$0x28D8] =	vst v0  }
0x291: {  	[tilespmem:$0x28C8] =	vst v0  }
0x292: {  	[tilespmem:$0x28B8] =	vst v0  }
0x293: {  	[tilespmem:$0x28A8] =	vst v0  }
0x294: {  	[tilespmem:$0x2898] =	vst v0  }
0x295: {  	[tilespmem:$0x2888] =	vst v0  }
0x296: {  	[tilespmem:$0x2878] =	vst v0  }
0x297: {  	[tilespmem:$0x2868] =	vst v0  }
0x298: {  	[tilespmem:$0x2858] =	vst v0  }
0x299: {  	[tilespmem:$0x2848] =	vst v0  }
0x29a: {  	[tilespmem:$0x2838] =	vst v0  }
0x29b: {  	[tilespmem:$0x2828] =	vst v0  }
0x29c: {  	[tilespmem:$0x2818] =	vst v0  }
0x29d: {  	[tilespmem:$0x2808] =	vst v0  }
0x29e: {  	[tilespmem:$0x27F8] =	vst v0  }
0x29f: {  	[tilespmem:$0x27E8] =	vst v0  }
0x2a0: {  	[tilespmem:$0x27D8] =	vst v0  }
0x2a1: {  	[tilespmem:$0x27C8] =	vst v0  }
0x2a2: {  	[tilespmem:$0x27B8] =	vst v0  }
0x2a3: {  	[tilespmem:$0x27A8] =	vst v0  }
0x2a4: {  	[tilespmem:$0x2798] =	vst v0  }
0x2a5: {  	[tilespmem:$0x2788] =	vst v0  }
0x2a6: {  	[tilespmem:$0x2778] =	vst v0  }
0x2a7: {  	[tilespmem:$0x2768] =	vst v0  }
0x2a8: {  	[tilespmem:$0x2758] =	vst v0  }
0x2a9: {  	[tilespmem:$0x2748] =	vst v0  }
0x2aa: {  	[tilespmem:$0x2738] =	vst v0  }
0x2ab: {  	[tilespmem:$0x2728] =	vst v0  }
0x2ac: {  	[tilespmem:$0x2718] =	vst v0  }
0x2ad: {  	[tilespmem:$0x2708] =	vst v0  }
0x2ae: {  	[tilespmem:$0x26F8] =	vst v0  }
0x2af: {  	[tilespmem:$0x26E8] =	vst v0  }
0x2b0: {  	[tilespmem:$0x26D8] =	vst v0  }
0x2b1: {  	[tilespmem:$0x26C8] =	vst v0  }
0x2b2: {  	[tilespmem:$0x26B8] =	vst v0  }
0x2b3: {  	[tilespmem:$0x26A8] =	vst v0  }
0x2b4: {  	[tilespmem:$0x2698] =	vst v0  }
0x2b5: {  	[tilespmem:$0x2688] =	vst v0  }
0x2b6: {  	[tilespmem:$0x2678] =	vst v0  }
0x2b7: {  	[tilespmem:$0x2668] =	vst v0  }
0x2b8: {  	[tilespmem:$0x2658] =	vst v0  }
0x2b9: {  	[tilespmem:$0x2648] =	vst v0  }
0x2ba: {  	[tilespmem:$0x2638] =	vst v0  }
0x2bb: {  	[tilespmem:$0x2628] =	vst v0  }
0x2bc: {  	[tilespmem:$0x2618] =	vst v0  }
0x2bd: {  	[tilespmem:$0x2608] =	vst v0  }
0x2be: {  	[tilespmem:$0x25F8] =	vst v0  }
0x2bf: {  	[tilespmem:$0x25E8] =	vst v0  }
0x2c0: {  	[tilespmem:$0x25D8] =	vst v0  }
0x2c1: {  	[tilespmem:$0x25C8] =	vst v0  }
0x2c2: {  	[tilespmem:$0x25B8] =	vst v0  }
0x2c3: {  	[tilespmem:$0x25A8] =	vst v0  }
0x2c4: {  	[tilespmem:$0x2598] =	vst v0  }
0x2c5: {  	[tilespmem:$0x2588] =	vst v0  }
0x2c6: {  	[tilespmem:$0x2578] =	vst v0  }
0x2c7: {  	[tilespmem:$0x2568] =	vst v0  }
0x2c8: {  	[tilespmem:$0x2558] =	vst v0  }
0x2c9: {  	[tilespmem:$0x2548] =	vst v0  }
0x2ca: {  	[tilespmem:$0x2538] =	vst v0  }
0x2cb: {  	[tilespmem:$0x2528] =	vst v0  }
0x2cc: {  	[tilespmem:$0x2518] =	vst v0  }
0x2cd: {  	[tilespmem:$0x2508] =	vst v0  }
0x2ce: {  	[tilespmem:$0x24F8] =	vst v0  }
0x2cf: {  	[tilespmem:$0x24E8] =	vst v0  }
0x2d0: {  	[tilespmem:$0x24D8] =	vst v0  }
0x2d1: {  	[tilespmem:$0x24C8] =	vst v0  }
0x2d2: {  	[tilespmem:$0x24B8] =	vst v0  }
0x2d3: {  	[tilespmem:$0x24A8] =	vst v0  }
0x2d4: {  	[tilespmem:$0x2498] =	vst v0  }
0x2d5: {  	[tilespmem:$0x2488] =	vst v0  }
0x2d6: {  	[tilespmem:$0x2478] =	vst v0  }
0x2d7: {  	[tilespmem:$0x2468] =	vst v0  }
0x2d8: {  	[tilespmem:$0x2458] =	vst v0  }
0x2d9: {  	[tilespmem:$0x2448] =	vst v0  }
0x2da: {  	[tilespmem:$0x2438] =	vst v0  }
0x2db: {  	[tilespmem:$0x2428] =	vst v0  }
0x2dc: {  	[tilespmem:$0x2418] =	vst v0  }
0x2dd: {  	[tilespmem:$0x2408] =	vst v0  }
0x2de: {  	[tilespmem:$0x23F8] =	vst v0  }
0x2df: {  	[tilespmem:$0x23E8] =	vst v0  }
0x2e0: {  	[tilespmem:$0x23D8] =	vst v0  }
0x2e1: {  	[tilespmem:$0x23C8] =	vst v0  }
0x2e2: {  	[tilespmem:$0x23B8] =	vst v0  }
0x2e3: {  	[tilespmem:$0x23A8] =	vst v0  }
0x2e4: {  	[tilespmem:$0x2398] =	vst v0  }
0x2e5: {  	[tilespmem:$0x2388] =	vst v0  }
0x2e6: {  	[tilespmem:$0x2378] =	vst v0  }
0x2e7: {  	[tilespmem:$0x2368] =	vst v0  }
0x2e8: {  	[tilespmem:$0x2358] =	vst v0  }
0x2e9: {  	[tilespmem:$0x2348] =	vst v0  }
0x2ea: {  	[tilespmem:$0x2338] =	vst v0  }
0x2eb: {  	[tilespmem:$0x2328] =	vst v0  }
0x2ec: {  	[tilespmem:$0x2318] =	vst v0  }
0x2ed: {  	[tilespmem:$0x2308] =	vst v0  }
0x2ee: {  	[tilespmem:$0x22F8] =	vst v0  }
0x2ef: {  	[tilespmem:$0x22E8] =	vst v0  }
0x2f0: {  	[tilespmem:$0x22D8] =	vst v0  }
0x2f1: {  	[tilespmem:$0x22C8] =	vst v0  }
0x2f2: {  	[tilespmem:$0x22B8] =	vst v0  }
0x2f3: {  	[tilespmem:$0x22A8] =	vst v0  }
0x2f4: {  	[tilespmem:$0x2298] =	vst v0  }
0x2f5: {  	[tilespmem:$0x2288] =	vst v0  }
0x2f6: {  	[tilespmem:$0x2278] =	vst v0  }
0x2f7: {  	[tilespmem:$0x2268] =	vst v0  }
0x2f8: {  	[tilespmem:$0x2258] =	vst v0  }
0x2f9: {  	s3 =	stileid.u32;
	[tilespmem:$0x2248] =	vst v0  }
0x2fa: {  	s0 =	smul.u32 $0x3, s3;
	[tilespmem:$0x2238] =	vst v0  }
0x2fb: {  	s1 =	smin.u32 s3, $0x4;
	[tilespmem:$0x2208] =	vst v0  }
0x2fc: {  	[tilespmem:$0x2218] =	vst v0;
	s0 =	sadd.s32 s1, s0  }
0x2fd: {  	p0 =	slt.u32 s3, $0x4;
	[tilespmem:$0x21F8] =	vst v0;
	s1 =	simm.s32 $0x600;
	s14 =	smul.u32 $0x180, s0  }
0x2fe: {  	s4 =	simm.s32 $0x2;
	[tilespmem:$0x2188] =	vst v0;
	s1 =	simm.s32 @!p0 $0x480  }
0x2ff: {  	s6 =	simm.s32 $0x9;
	s28 =	simm.s32 $0xA;
	[tilespmem:$0x21E8] =	vst v0;
	s0 =	sadd.s32 s1, s14  }
0x300: {  	s29 =	simm.s32 $0xB;
	s19 =	simm.s32 $0x0;
	[tilespmem:$0x21D8] =	vst v0;
	s15 =	smin.u32 s0, $0x4E00  }
0x301: {  	s20 =	simm.s32 $0x6348;
	s21 =	simm.s32 $0xFFFFFFFF;
	[tilespmem:$0x21C8] =	vst v0;
	s0 =	ssub.s32 s15, s14  }
0x302: {  	p1 =	por $0x0, $0x0;
	s2 =	sand.u32 $0x1, s2;
	[tilespmem:$0x21B8] =	vst v0;
	p0 =	sgt.s32 s0, $0x0  }
0x303: {  	[dreg:$0x4] =	wrdreg s2;
	s2 =	smul.u32 $0x9C0, s2;
	[tilespmem:$0x21A8] =	vst v0;
	s0 =	simm.s32 @!p0 $0x0  }
0x304: {  	s23 =	simm.s32 $0x0;
	s25 =	simm.s32 $0x0;
	[tilespmem:$0x2198] =	vst v0;
	s26 =	smul.u32 $0xAAAB, s0  }
0x305: {  	s17 =	sshll.u32 s3, $0x6;
	[tilespmem:$0x2168] =	vst v0;
	[sflag:s4] =	ssyncpa.u1 $0x0;
	s2 =	sadd.s32 s2, s7  }
0x306: {  	v0 =	vimm.s32 $0xFFFFFFFF;
	s4 =	sadd.s32 $0x2400, s7;
	s30 =	sadd.s32 $0x33400, s2;
	s1 =	sshrl.u32 s26, $0x18  }
0x307: {  	[tilespmem:$0x6088] =	vst v0;
	[sflag:s6] =	ssyncpa.u1 $0x0;
	[dreg:$0x9] =	wrdreg s30;
	s5 =	smul.u32 $0x180, s1  }
0x308: {  	s7 =	sadd.s32 $0x40000, s7;
	s22 =	sadd.s32 $0xDC000, s2;
	[dreg:$0x5] =	wrdreg s14  }
.Ltmp0:
0x309: {  	p0 =	sne.s32 s0, s5;
	s0 =	simm.s32 $0x1;
	(pc) =	sbr.rel .LBB2_1-.Ltmp0, $4  }
0x30a: {  	[sflag:s28] =	ssyncpa.u1 $0x0;
	[dreg:$0x8] =	wrdreg s22;
	s0 =	simm.s32 @!p0 $0x0  }
0x30b: {  	[sflag:s29] =	ssyncpa.u1 $0x0;
	[dreg:$0x6] =	wrdreg s15;
	s18 =	sadd.s32 s1, s0  }
0x30c: {  	s24 =	smov.u32 s14;
	s31 =	sadd.s32 $0x1, s18;
	[dreg:$0x7] =	wrdreg s18  }
0x30d: {  	v0 =	vlaneseq.u32;
	s26 =	simm.s32 $0x0;
	p0 =	por $0x1, $0x1;
	[dreg:$0xa] =	wrdreg s31  }
.LBB2_20:
0x30e: {  	s0 =	sshrl.u32 s5, $0x2  }
.LBB2_22:
0x30f: {  	s3 =	simm.s32 $0xC  }
0x310: {  	_ =	swait.ge [sflag:s3], s0  }
0x311: {  	s31 =	ssub.s32 $0x0, s0;
	v1 =	vmov s1;
	vm0 =	veq.s32 v0, $0x0;
	[sflag:s3] =	ssyncset.done $0x0  }
0x312: {  	vm15 =	veq.s32 v0, $0x2;
	v1 =	vsel vm0, s2, v1;
	[sflag:s3] =	ssyncadd.s32 s31  }
0x313: {  	v1 =	vsel vm15, s26, v1;
	[sflag:s3] =	ssyncpa.u1 $0x1  }
0x314: {  	[tilespmem:$0x6088] =	vst v1  }
.LBB2_23:
0x315: {  	s0 =	sadd.s32 $0x180, s24  }
0x316: {  	s1 =	smov.u32 s14;
	s2 =	rddreg [dreg:$0xa];
	p2 =	slt.s32 s0, s15  }
0x317: {  	s1 =	smov.u32 @p2 s0;
	p2 =	sne.s32 s25, s2  }
.Ltmp1:
0x318: {  	_ = 	snop;
	(pc) =	sbr.rel @!p2 .LBB2_24-.Ltmp1, $4  }
0x319: {  	_ = 	snop  }
0x31a: {  	s26 =	smov.u32 s23;
	s31 =	sadd.s32 $0x1, s25;
	p0 =	por !p0, !p0  }
0x31b: {  	s23 =	smov.u32 s24;
	s20 =	sadd.s32 $0x180, s20;
	s21 =	sadd.s32 $0x1, s21  }
0x31c: {  	p1 =	por !p1, !p1;
	s25 =	smov.u32 s31;
	s24 =	smov.u32 s1  }
.LBB2_1:
0x31d: {  	p2 =	sge.u32 s25, s18  }
0x31e: {  	s0 =	smulhi.u32 @!p2 $0xAAAAAAAB, s25  }
0x31f: {  	s1 =	smov.u32 s24;
	p3 =	sgt.s32 @!p2 s24, $0x4C80  }
0x320: {  	s2 =	sshra.s32 @!p2 s24, $0x1F;
	p3 =	por !p3, p2;
	s0 =	sshrl.u32 @!p2 s0, $0x1  }
0x321: {  	s2 =	sand.u32 @!p2 s2, s24;
	s1 =	simm.s32 @p3 $0x4C80;
	s0 =	smul.u32 @!p2 $0x3, s0  }
0x322: {  	s1 =	ssub.s32 @!p2 s1, s2  }
0x323: {  	s1 =	sadd.s32 @!p2 $0xFFFFB380, s1;
	s0 =	ssub.s32 @!p2 s25, s0  }
0x324: {  	s2 =	sshll.u32 @!p2 s1, $0x2;
	p3 =	sgt.s32 @!p2 s1, $0x17F;
	s0 =	smul.u32 @!p2 $0x600, s0  }
0x325: {  	s5 =	sand.u32 @!p2 $0x7, s24;
	s1 =	ssub.s32 @!p2 $0x600, s2;
	p3 =	por !p3, p2  }
0x326: {  	s2 =	sshrl.u32 @!p2 s24, $0x3;
	s1 =	sshrl.u32 @!p2 s1, $0x2;
	s0 =	sshrl.u32 @!p2 s0, $0x2  }
0x327: {  	s2 =	sadd.s32 @!p2 s2, s22;
	s1 =	simm.s32 @!p3 $0x0;
	s0 =	sadd.s32 @!p2 $0x64C8, s0  }
0x328: {  	[tilespmem:s0], [sflag:$0xA] =	stream.linear.gather @!p2 [hbm4b:s2+s5], s1, $0x38;
	[tilespmem:$0x1EC48] =	vst v63  }
0x329: {  	s0 =	sadd.s32 $0xFFFFFFFF, s25  }
0x32a: {  	p2 =	sge.u32 s0, s18  }
.Ltmp2:
0x32b: {  	_ = 	snop;
	(pc) =	sbr.rel @p2 .LBB2_5-.Ltmp2, $1  }
0x32c: {  	_ =	sdelay $0x3  }
0x32d: {  	p2 =	sgt.s32 s23, $0x4C80;
	s1 =	smov.u32 s23;
	s2 =	sshra.s32 s23, $0x1F  }
0x32e: {  	s1 =	simm.s32 @!p2 $0x4C80;
	s2 =	sand.u32 s2, s23  }
0x32f: {  	s14 =	smulhi.u32 $0xAAAAAAAB, s21;
	s1 =	ssub.s32 s1, s2  }
0x330: {  	s0 =	sand.u32 $0x1, s0;
	s1 =	sadd.s32 $0xFFFFB380, s1  }
0x331: {  	s3 =	simm.s32 $0xA;
	s2 =	sshrl.u32 s14, $0x1;
	s5 =	sshll.u32 s1, $0x2  }
0x332: {  	s18 =	sshrl.u32 s23, $0x3;
	s2 =	smul.u32 $0xFFFFEE00, s2;
	s5 =	ssub.s32 $0x600, s5  }
0x333: {  	s15 =	smul.u32 $0x600, s0;
	p2 =	sgt.s32 s1, $0x17F;
	s1 =	sshrl.u32 s5, $0x2  }
0x334: {  	s6 =	sand.u32 $0x7, s23;
	s2 =	sshra.s32 s2, $0x2;
	s1 =	simm.s32 @p2 $0x0  }
0x335: {  	s0 =	sadd.s32 s2, s20;
	s5 =	sshrl.u32 s15, $0x2;
	_ =	swait.ge [sflag:s3], s1  }
0x336: {  	s16 =	ssub.s32 $0x0, s1;
	[sflag:s3] =	ssyncset.done $0x0;
	s22 =	rddreg [dreg:$0x9]  }
0x337: {  	s5 =	sadd.s32 $0x6948, s5;
	[sflag:s3] =	ssyncadd.s32 s16;
	s2 =	sadd.s32 s18, s22  }
0x338: {  	[tilespmem:s5], [sflag:$0xB] =	stream.linear.gather [hbm4b:s2+s6], s1, $0x38;
	[tilespmem:$0x1EC48] =	vst v63  }
0x339: {  	v1 =	vld.msk [tilespmem:s0+$0x0], $0xffff;
	_ =	sdelay $0x4  }
0x33a: {  	v1 =	vshll.u32 v1, $0x4  }
0x33b: {  	(v2sf) =	vpush v1, $0x0;
	_ =	sdelay $0x1  }
0x33c: {  	(v2sf) =	vpush v1, $0x1  }
0x33d: {  	(v2sf) =	vpush v1, $0x2;
	_ =	sdelay $0x1  }
0x33e: {  	(v2sf) =	vpush v1, $0x3;
	_ =	sdelay $0x2  }
0x33f: {  	(v2sf) =	vpush v1, $0x4  }
0x340: {  	s1 =	simm.s32 $0x1  }
0x341: {  	s1 =	simm.s32 @!p0 $0x0;
	(v2sf) =	vpush v1, $0x5  }
0x342: {  	s1 =	smul.u32 $0x30000, s1  }
0x343: {  	(v2sf) =	vpush v1, $0x6  }
0x344: {  	s1 =	sshrl.u32 s1, $0x2  }
0x345: {  	s28 =	sadd.s32 $0x73C8, s1  }
0x346: {  	s8 =	sadd.s32 $0xFFFFF880, s28;
	s12 =	sadd.s32 $0xFFFFF900, s28;
	s5 =	spop (v2sf)  }
0x347: {  	s13 =	sadd.s32 $0xFFFFF980, s28;
	s18 =	sadd.s32 $0xFFFFFA00, s28;
	(v2sf) =	vpush v1, $0x7;
	s6 =	sand.u32 $0x1FFFFFF0, s5  }
0x348: {  	s22 =	sadd.s32 $0xFFFFFA80, s28;
	s9 =	spop (v2sf);
	s1 =	sadd.s32 s7, s6  }
0x349: {  	(v2sf) =	vpush v1, $0x8;
	s10 =	sand.u32 $0x1FFFFFF0, s9;
	s11 =	spop (v2sf);
	s9 =	sadd.s32 $0xFFFFFB00, s28  }
0x34a: {  	(v2sf) =	vpush v1, $0x9;
	[tilespmem:s8], [sflag:$0x9] =	stream.linear.gather [hbm4b:s1+s19], $0x20, $0x38;
	[tilespmem:$0x1EC48] =	vst v63  }
0x34b: {  	s1 =	sadd.s32 s7, s10;
	s2 =	sand.u32 $0x1FFFFFF0, s11;
	s14 =	spop (v2sf)  }
0x34c: {  	(v2sf) =	vpush v1, $0xA;
	s10 =	sadd.s32 $0xFFFFFB80, s28;
	s2 =	sadd.s32 s7, s2;
	s15 =	sand.u32 $0x1FFFFFF0, s14  }
0x34d: {  	[tilespmem:s12], [sflag:$0x9] =	stream.linear.gather [hbm4b:s1+s19], $0x20, $0x38;
	[tilespmem:$0x1EC48] =	vst v63  }
0x34e: {  	s16 =	spop (v2sf);
	(v2sf) =	vpush v1, $0xB;
	s14 =	sadd.s32 $0xFFFFFC00, s28;
	s1 =	sadd.s32 s7, s15  }
0x34f: {  	[tilespmem:s13], [sflag:$0x9] =	stream.linear.gather [hbm4b:s2+s19], $0x20, $0x38;
	[tilespmem:$0x1EC48] =	vst v63  }
0x350: {  	s3 =	spop (v2sf);
	(v2sf) =	vpush v1, $0xC;
	s15 =	sadd.s32 $0xFFFFFC80, s28;
	s2 =	sand.u32 $0x1FFFFFF0, s16  }
0x351: {  	[tilespmem:s18], [sflag:$0x9] =	stream.linear.gather [hbm4b:s1+s19], $0x20, $0x38;
	[tilespmem:$0x1EC48] =	vst v63  }
0x352: {  	s6 =	sand.u32 $0x1FFFFFF0, s3;
	s8 =	spop (v2sf);
	(v2sf) =	vpush v1, $0xD;
	s2 =	sadd.s32 s7, s2  }
0x353: {  	[tilespmem:s22], [sflag:$0x9] =	stream.linear.gather [hbm4b:s2+s19], $0x20, $0x38;
	[tilespmem:$0x1EC48] =	vst v63  }
0x354: {  	s3 =	sadd.s32 $0xFFFFFD00, s28;
	s1 =	sadd.s32 s7, s6;
	s2 =	sand.u32 $0x1FFFFFF0, s8  }
0x355: {  	[tilespmem:s9], [sflag:$0x9] =	stream.linear.gather [hbm4b:s1+s19], $0x20, $0x38;
	[tilespmem:$0x1EC48] =	vst v63  }
0x356: {  	s6 =	sadd.s32 $0xFFFFFD80, s28;
	s2 =	sadd.s32 s7, s2;
	s11 =	spop (v2sf);
	(v2sf) =	vpush v1, $0xE  }
0x357: {  	[tilespmem:s10], [sflag:$0x9] =	stream.linear.gather [hbm4b:s2+s19], $0x20, $0x38;
	[tilespmem:$0x1EC48] =	vst v63  }
0x358: {  	s12 =	sand.u32 $0x1FFFFFF0, s11;
	s13 =	spop (v2sf);
	(v2sf) =	vpush v1, $0xF;
	s11 =	sadd.s32 $0xFFFFFE00, s28  }
0x359: {  	s1 =	sadd.s32 s7, s12;
	s2 =	sand.u32 $0x1FFFFFF0, s13;
	s16 =	spop (v2sf)  }
0x35a: {  	[tilespmem:s14], [sflag:$0x9] =	stream.linear.gather [hbm4b:s1+s19], $0x20, $0x38;
	[tilespmem:$0x1EC48] =	vst v63  }
0x35b: {  	s2 =	sadd.s32 s7, s2;
	s18 =	sand.u32 $0x1FFFFFF0, s16;
	s22 =	spop (v2sf)  }
0x35c: {  	[tilespmem:s15], [sflag:$0x9] =	stream.linear.gather [hbm4b:s2+s19], $0x20, $0x38;
	[tilespmem:$0x1EC48] =	vst v63  }
0x35d: {  	s1 =	sadd.s32 s7, s18;
	s8 =	spop (v2sf);
	s2 =	sand.u32 $0x1FFFFFF0, s22  }
0x35e: {  	[tilespmem:s3], [sflag:$0x9] =	stream.linear.gather [hbm4b:s1+s19], $0x20, $0x38;
	[tilespmem:$0x1EC48] =	vst v63  }
0x35f: {  	s9 =	sand.u32 $0x1FFFFFF0, s8;
	s10 =	spop (v2sf);
	s2 =	sadd.s32 s7, s2  }
0x360: {  	[tilespmem:s6], [sflag:$0x9] =	stream.linear.gather [hbm4b:s2+s19], $0x20, $0x38;
	[tilespmem:$0x1EC48] =	vst v63  }
0x361: {  	s13 =	spop (v2sf);
	s1 =	sadd.s32 s7, s9;
	s2 =	sand.u32 $0x1FFFFFF0, s10  }
0x362: {  	[tilespmem:s11], [sflag:$0x9] =	stream.linear.gather [hbm4b:s1+s19], $0x20, $0x38;
	[tilespmem:$0x1EC48] =	vst v63  }
0x363: {  	s12 =	sadd.s32 $0xFFFFFE80, s28;
	s14 =	sand.u32 $0x1FFFFFF0, s13;
	s2 =	sadd.s32 s7, s2  }
0x364: {  	[tilespmem:s12], [sflag:$0x9] =	stream.linear.gather [hbm4b:s2+s19], $0x20, $0x38;
	[tilespmem:$0x1EC48] =	vst v63  }
0x365: {  	s16 =	sadd.s32 $0xFFFFFF00, s28;
	s1 =	sadd.s32 s7, s14;
	s15 =	spop (v2sf)  }
0x366: {  	[tilespmem:s16], [sflag:$0x9] =	stream.linear.gather [hbm4b:s1+s19], $0x20, $0x38;
	[tilespmem:$0x1EC48] =	vst v63  }
0x367: {  	s29 =	simm.s32 $0x0;
	s2 =	sand.u32 $0x1FFFFFF0, s15;
	s18 =	spop (v2sf)  }
0x368: {  	s22 =	sadd.s32 $0xFFFFFF80, s28;
	s2 =	sadd.s32 s7, s2;
	s1 =	sand.u32 $0x1FFFFFF0, s18  }
0x369: {  	[tilespmem:s22], [sflag:$0x9] =	stream.linear.gather [hbm4b:s2+s19], $0x20, $0x38;
	[tilespmem:$0x1EC48] =	vst v63  }
0x36a: {  	s31 =	sadd.s32 $0x10, s0;
	s30 =	sadd.s32 $0x800, s28;
	s1 =	sadd.s32 s7, s1  }
.LBB2_3:
0x36b: {  	[tilespmem:s28], [sflag:$0x9] =	stream.linear.gather [hbm4b:s1+s19], $0x20, $0x38;
	[tilespmem:$0x1EC48] =	vst v63  }
0x36c: {  	s29 =	sadd.s32 $0x10, s29;
	s28 =	smov.u32 s30  }
0x36d: {  	p2 =	slt.u32 s29, $0x170;
	v1 =	vld.msk [tilespmem:s31+$0x0], $0xffff;
	_ =	sdelay $0x4  }
0x36e: {  	v1 =	vshll.u32 v1, $0x4  }
0x36f: {  	(v2sf) =	vpush v1, $0x0  }
0x370: {  	(v2sf) =	vpush v1, $0x1  }
0x371: {  	(v2sf) =	vpush v1, $0x2;
	_ =	sdelay $0x1  }
0x372: {  	(v2sf) =	vpush v1, $0x3;
	_ =	sdelay $0x1  }
0x373: {  	(v2sf) =	vpush v1, $0x4;
	_ =	sdelay $0x1  }
0x374: {  	(v2sf) =	vpush v1, $0x5;
	_ =	sdelay $0x1  }
0x375: {  	(v2sf) =	vpush v1, $0x6  }
0x376: {  	s1 =	sadd.s32 $0xFFFFFE80, s30;
	s0 =	sadd.s32 $0xFFFFFF00, s30  }
0x377: {  	s5 =	sadd.s32 $0xFFFFFD00, s30;
	s6 =	sadd.s32 $0xFFFFFD80, s30;
	s2 =	sadd.s32 $0xFFFFFE00, s30;
	(v2sf) =	vpush v1, $0x7  }
0x378: {  	s11 =	sadd.s32 $0xFFFFFB80, s30;
	s10 =	sadd.s32 $0xFFFFFC00, s30;
	s16 =	sadd.s32 $0xFFFFFC80, s30  }
0x379: {  	s12 =	sadd.s32 $0xFFFFFA00, s30;
	s13 =	sadd.s32 $0xFFFFFA80, s30;
	s15 =	sadd.s32 $0xFFFFFB00, s30;
	(v2sf) =	vpush v1, $0x8  }
0x37a: {  	s18 =	sadd.s32 $0xFFFFF900, s30;
	s8 =	sadd.s32 $0xFFFFF980, s30;
	s22 =	spop (v2sf)  }
0x37b: {  	s3 =	sadd.s32 $0xFFFFF880, s30;
	s22 =	sand.u32 $0x1FFFFFF0, s22;
	s9 =	spop (v2sf);
	(v2sf) =	vpush v1, $0x9  }
0x37c: {  	s22 =	sadd.s32 s7, s22;
	s9 =	sand.u32 $0x1FFFFFF0, s9;
	s14 =	spop (v2sf)  }
0x37d: {  	[tilespmem:s3], [sflag:$0x9] =	stream.linear.gather [hbm4b:s22+s19], $0x20, $0x38;
	(v2sf) =	vpush v1, $0xA;
	[tilespmem:$0x1EC48] =	vst v63  }
0x37e: {  	s3 =	sadd.s32 s7, s9;
	s9 =	sand.u32 $0x1FFFFFF0, s14;
	s14 =	spop (v2sf)  }
0x37f: {  	[tilespmem:s18], [sflag:$0x9] =	stream.linear.gather [hbm4b:s3+s19], $0x20, $0x38;
	(v2sf) =	vpush v1, $0xB;
	[tilespmem:$0x1EC48] =	vst v63  }
0x380: {  	s3 =	sadd.s32 s7, s9;
	s9 =	sand.u32 $0x1FFFFFF0, s14;
	s14 =	spop (v2sf)  }
0x381: {  	[tilespmem:s8], [sflag:$0x9] =	stream.linear.gather [hbm4b:s3+s19], $0x20, $0x38;
	(v2sf) =	vpush v1, $0xC;
	[tilespmem:$0x1EC48] =	vst v63  }
0x382: {  	s3 =	sadd.s32 s7, s9;
	s8 =	sand.u32 $0x1FFFFFF0, s14;
	s9 =	spop (v2sf)  }
0x383: {  	[tilespmem:s12], [sflag:$0x9] =	stream.linear.gather [hbm4b:s3+s19], $0x20, $0x38;
	(v2sf) =	vpush v1, $0xD;
	[tilespmem:$0x1EC48] =	vst v63  }
0x384: {  	s3 =	sadd.s32 s7, s8;
	s8 =	sand.u32 $0x1FFFFFF0, s9;
	s9 =	spop (v2sf)  }
0x385: {  	[tilespmem:s13], [sflag:$0x9] =	stream.linear.gather [hbm4b:s3+s19], $0x20, $0x38;
	(v2sf) =	vpush v1, $0xE;
	[tilespmem:$0x1EC48] =	vst v63  }
0x386: {  	s3 =	sadd.s32 s7, s8;
	s8 =	sand.u32 $0x1FFFFFF0, s9;
	s9 =	spop (v2sf)  }
0x387: {  	[tilespmem:s15], [sflag:$0x9] =	stream.linear.gather [hbm4b:s3+s19], $0x20, $0x38;
	(v2sf) =	vpush v1, $0xF;
	[tilespmem:$0x1EC48] =	vst v63  }
0x388: {  	s3 =	sadd.s32 s7, s8;
	s8 =	sand.u32 $0x1FFFFFF0, s9;
	s9 =	spop (v2sf)  }
0x389: {  	[tilespmem:s11], [sflag:$0x9] =	stream.linear.gather [hbm4b:s3+s19], $0x20, $0x38;
	[tilespmem:$0x1EC48] =	vst v63  }
0x38a: {  	s3 =	sadd.s32 s7, s8;
	s8 =	sand.u32 $0x1FFFFFF0, s9;
	s9 =	spop (v2sf)  }
0x38b: {  	[tilespmem:s10], [sflag:$0x9] =	stream.linear.gather [hbm4b:s3+s19], $0x20, $0x38;
	[tilespmem:$0x1EC48] =	vst v63  }
0x38c: {  	s3 =	sadd.s32 s7, s8;
	s8 =	sand.u32 $0x1FFFFFF0, s9;
	s9 =	spop (v2sf)  }
0x38d: {  	[tilespmem:s16], [sflag:$0x9] =	stream.linear.gather [hbm4b:s3+s19], $0x20, $0x38;
	[tilespmem:$0x1EC48] =	vst v63  }
0x38e: {  	s3 =	sadd.s32 s7, s8;
	s8 =	sand.u32 $0x1FFFFFF0, s9;
	s9 =	spop (v2sf)  }
0x38f: {  	[tilespmem:s5], [sflag:$0x9] =	stream.linear.gather [hbm4b:s3+s19], $0x20, $0x38;
	[tilespmem:$0x1EC48] =	vst v63  }
0x390: {  	s3 =	sadd.s32 s7, s8;
	s5 =	sand.u32 $0x1FFFFFF0, s9;
	s8 =	spop (v2sf)  }
0x391: {  	[tilespmem:s6], [sflag:$0x9] =	stream.linear.gather [hbm4b:s3+s19], $0x20, $0x38;
	[tilespmem:$0x1EC48] =	vst v63  }
0x392: {  	s3 =	sadd.s32 s7, s5;
	s5 =	sand.u32 $0x1FFFFFF0, s8;
	s6 =	spop (v2sf)  }
0x393: {  	[tilespmem:s2], [sflag:$0x9] =	stream.linear.gather [hbm4b:s3+s19], $0x20, $0x38;
	[tilespmem:$0x1EC48] =	vst v63  }
0x394: {  	s2 =	sadd.s32 s7, s5;
	s3 =	sand.u32 $0x1FFFFFF0, s6;
	s5 =	spop (v2sf)  }
0x395: {  	[tilespmem:s1], [sflag:$0x9] =	stream.linear.gather [hbm4b:s2+s19], $0x20, $0x38;
	[tilespmem:$0x1EC48] =	vst v63  }
0x396: {  	s1 =	sadd.s32 s7, s3  }
.Ltmp3:
0x397: {  	s2 =	sand.u32 $0x1FFFFFF0, s5;
	s3 =	spop (v2sf);
	(pc) =	sbr.rel @p2 .LBB2_3-.Ltmp3, $4  }
0x398: {  	[tilespmem:s0], [sflag:$0x9] =	stream.linear.gather [hbm4b:s1+s19], $0x20, $0x38;
	[tilespmem:$0x1EC48] =	vst v63  }
0x399: {  	s0 =	sadd.s32 s7, s2;
	s1 =	sadd.s32 $0xFFFFFF80, s30;
	s2 =	sand.u32 $0x1FFFFFF0, s3  }
0x39a: {  	[tilespmem:s1], [sflag:$0x9] =	stream.linear.gather [hbm4b:s0+s19], $0x20, $0x38;
	[tilespmem:$0x1EC48] =	vst v63  }
0x39b: {  	s31 =	sadd.s32 $0x10, s31;
	s30 =	sadd.s32 $0x800, s30;
	s1 =	sadd.s32 s7, s2  }
0x39c: {  	[tilespmem:s28], [sflag:$0x9] =	stream.linear.gather [hbm4b:s1+s19], $0x20, $0x38;
	[tilespmem:$0x1EC48] =	vst v63  }
0x39d: {  	s14 =	rddreg [dreg:$0x5]  }
0x39e: {  	s15 =	rddreg [dreg:$0x6]  }
0x39f: {  	s18 =	rddreg [dreg:$0x7]  }
0x3a0: {  	s13 =	simm.s32 $0x1;
	s22 =	rddreg [dreg:$0x8]  }
.LBB2_5:
0x3a1: {  	p2 =	slt.u32 s25, $0x2  }
.Ltmp4:
0x3a2: {  	_ = 	snop;
	(pc) =	sbr.rel @p2 .LBB2_23-.Ltmp4, $1  }
0x3a3: {  	_ =	sdelay $0x3  }
0x3a4: {  	p2 =	sgt.s32 s26, $0x4C80;
	s0 =	smov.u32 s26;
	s1 =	sshra.s32 s26, $0x1F  }
0x3a5: {  	s0 =	simm.s32 @!p2 $0x4C80;
	s1 =	sand.u32 s1, s26  }
0x3a6: {  	s0 =	ssub.s32 s0, s1  }
0x3a7: {  	s0 =	sadd.s32 $0xFFFFB380, s0  }
0x3a8: {  	s2 =	simm.s32 $0x9;
	s29 =	sshll.u32 s0, $0x2  }
0x3a9: {  	_ =	swait.ge [sflag:s2], $0x3000;
	s1 =	ssub.s32 $0x600, s29  }
0x3aa: {  	[sflag:s2] =	ssyncset.done $0x0;
	p2 =	sgt.s32 s0, $0x17F;
	s0 =	sshrl.u32 s1, $0x2  }
0x3ab: {  	s30 =	simm.s32 $0xB;
	[sflag:s2] =	ssyncadd.s32 $0xFFFFD000;
	s0 =	simm.s32 @p2 $0x0  }
0x3ac: {  	_ =	swait.ge [sflag:s30], s0  }
0x3ad: {  	s0 =	ssub.s32 $0x0, s0;
	[sflag:s30] =	ssyncset.done $0x0  }
0x3ae: {  	[sflag:s30] =	ssyncadd.s32 s0  }
0x3af: {  	v1 =	vld [tilespmem:$0x6088];
	_ =	sdelay $0x4  }
0x3b0: {  	(v2sf) =	vpush v1, $0x0  }
0x3b1: {  	(v2sf) =	vpush v1, $0x1  }
0x3b2: {  	(v2sf) =	vpush v1, $0x2;
	_ =	sdelay $0x3  }
0x3b3: {  	s0 =	sadd.s32 $0x180, s26  }
0x3b4: {  	s1 =	ssub.s32 $0x9C00, s26;
	p2 =	slt.s32 s15, s0  }
0x3b5: {  	s0 =	smov.u32 @p2 s15;
	p2 =	sgt.s32 s1, $0x0  }
0x3b6: {  	s0 =	ssub.s32 s0, s26;
	s1 =	simm.s32 @!p2 $0x0  }
0x3b7: {  	p2 =	slt.s32 s1, s0  }
0x3b8: {  	s0 =	smov.u32 @p2 s1  }
0x3b9: {  	s2 =	simm.s32 $0x1;
	p2 =	slt.s32 s0, $0x1  }
.Ltmp5:
0x3ba: {  	s2 =	simm.s32 @!p1 $0x0;
	(pc) =	sbr.rel @p2 .LBB2_10-.Ltmp5, $4  }
0x3bb: {  	s3 =	smul.u32 $0x600, s2  }
0x3bc: {  	s5 =	spop (v2sf)  }
0x3bd: {  	s31 =	sshrl.u32 s3, $0x2;
	s6 =	spop (v2sf)  }
0x3be: {  	s28 =	sadd.s32 $0x6948, s31;
	s26 =	spop (v2sf)  }
0x3bf: {  	s1 =	smin.u32 s0, $0x10  }
0x3c0: {  	v1 =	vmov s1  }
0x3c1: {  	p3 =	sgt.s32 s0, $0x10;
	vm1 =	vgt.u32 v1, v0  }
.Ltmp6:
0x3c2: {  	_ = 	snop;
	(pc) =	sbr.rel @!p3 .LBB2_9-.Ltmp6, $2  }
0x3c3: {  	_ =	sdelay $0x2  }
0x3c4: {  	s10 =	simm.s32 $0x10;
	s11 =	sadd.s32 $0xFFFFFFF0, s0;
	s1 =	smov.u32 s28;
	vm0 =	vmmov vm1  }
.LBB2_8:
0x3c5: {  	s3 =	smin.u32 s11, $0x10;
	s10 =	sadd.s32 $0x10, s10;
	v1 =	vld.msk [tilespmem:s1+$0x0 ss:$0x1], vm1  }
0x3c6: {  	v2 =	vmov s3;
	p3 =	slt.s32 s10, s0  }
0x3c7: {  	vm1 =	vgt.u32 v2, v0  }
.Ltmp7:
0x3c8: {  	(pc) =	sbr.rel @p3 .LBB2_8-.Ltmp7, $3  }
0x3c9: {  	_ =	sdelay $0x1  }
0x3ca: {  	v1 =	vshll.u32 v1, $0x4  }
0x3cb: {  	s11 =	sadd.s32 $0xFFFFFFF0, s11;
	[tilespmem:s1+$0x0] =	vst.msk vm0, v1;
	s1 =	sadd.s32 $0x10, s1;
	vm0 =	vmmov vm1  }
.LBB2_9:
0x3cc: {  	_ =	sdelay $0x4  }
0x3cd: {  	v1 =	vld.msk [tilespmem:s1+$0x0 ss:$0x1], vm1;
	_ =	sdelay $0x4  }
0x3ce: {  	v1 =	vshll.u32 v1, $0x4  }
0x3cf: {  	[tilespmem:s1+$0x0] =	vst.msk vm0, v1  }
.LBB2_10:
0x3d0: {  	s1 =	sand.u32 $0x1, s25  }
0x3d1: {  	s3 =	smul.u32 $0x180, s1  }
0x3d2: {  	p3 =	sne.s32 s6, $0xFFFFFFFF  }
0x3d3: {  	v1 =	vld.msk @!p3 [tilespmem:s3+$0x6948], $0x1;
	_ =	sdelay $0x4  }
0x3d4: {  	(v2sf) =	vpush @!p3 v1, $0x0;
	_ =	sdelay $0x3  }
0x3d5: {  	s1 =	smul.u32 $0xC000, s1;
	_ =	sdelay $0x1  }
0x3d6: {  	v1 =	vld @!p3 [tilespmem:s1+$0x6C48];
	_ =	sdelay $0x4  }
0x3d7: {  	[tilespmem:$0x48] =	vst @!p3 v1  }
0x3d8: {  	v1 =	vld @!p3 [tilespmem:s1+$0x6C58]  }
.Ltmp8:
0x3d9: {  	_ = 	snop;
	(pc) =	sbr.rel @p2 .LBB2_21-.Ltmp8, $4  }
0x3da: {  	_ = 	snop  }
0x3db: {  	s29 =	spop @!p3 (v2sf)  }
0x3dc: {  	s31 =	simm.s32 $0xC;
	s26 =	simm.s32 @!p3 $0x0;
	s1 =	smov.u32 s29  }
0x3dd: {  	[tilespmem:$0x58] =	vst @!p3 v1;
	[sflag:s31] =	ssyncpa.u1 $0x0;
	s29 =	smov.u32 @p3 s5;
	s1 =	smov.u32 @p3 s6  }
0x3de: {  	v1 =	vld.msk [tilespmem:s28+$0x0], $0x1;
	_ =	sdelay $0x4  }
0x3df: {  	(v2sf) =	vpush v1, $0x0;
	_ =	sdelay $0xe  }
0x3e0: {  	s2 =	smul.u32 $0x30000, s2;
	s6 =	spop (v2sf)  }
0x3e1: {  	s31 =	ssub.s32 $0x0, s0;
	p2 =	seq.s32 s29, s6  }
0x3e2: {  	s3 =	smov.u32 s29;
	s2 =	sshrl.u32 s2, $0x2;
	p3 =	sgt.s32 @!p2 s29, $0x0  }
0x3e3: {  	s30 =	sadd.s32 $0x6C58, s2;
	s2 =	sadd.s32 $0x1, s31;
	p3 =	por !p3, p2  }
0x3e4: {  	s3 =	simm.s32 @p3 $0x0;
	p3 =	seq.s32 s2, $0x0  }
.Ltmp9:
0x3e5: {  	_ = 	snop;
	(pc) =	sbr.rel @p3 .LBB2_13-.Ltmp9, $4  }
0x3e6: {  	_ = 	snop  }
0x3e7: {  	s0 =	simm.s32 $0x0;
	s10 =	simm.s32 @!p2 $0x1;
	s3 =	smin.u32 @!p2 s3, $0x9C7C  }
0x3e8: {  	s11 =	simm.s32 @!p2 $0x3068;
	s10 =	smov.u32 @p2 s0;
	s5 =	sand.u32 @!p2 $0xFFF8, s3  }
0x3e9: {  	s16 =	sand.u32 @!p2 $0x7, s3;
	s12 =	sadd.s32 @!p2 s4, s5;
	s5 =	sadd.s32 $0x1, s28  }
.LBB2_12:
0x3ea: {  	s3 =	smov.u32 s10  }
0x3eb: {  	[tilespmem:s11], [sflag:$0x2] =	stream.linear.gather @!p2 [hbm4b:s12+s16], $0x20, $0x38;
	[tilespmem:$0x1EC48] =	vst v63  }
0x3ec: {  	s2 =	sadd.s32 $0x1, s2;
	s8 =	smov.u32 s6;
	v1 =	vld.msk [tilespmem:s5+$0x0], $0x1  }
0x3ed: {  	p3 =	seq.s32 s2, $0x0;
	_ =	sdelay $0x3  }
0x3ee: {  	(v2sf) =	vpush v1, $0x0;
	_ =	sdelay $0xe  }
0x3ef: {  	s6 =	spop (v2sf)  }
0x3f0: {  	p2 =	seq.s32 s8, s6  }
0x3f1: {  	p4 =	sgt.s32 @!p2 s8, $0x0;
	s9 =	sshll.u32 @!p2 s10, $0x7;
	s10 =	sadd.s32 @!p2 $0x1, s10  }
.Ltmp10:
0x3f2: {  	p4 =	por !p4, p2;
	s9 =	sshra.s32 @!p2 s9, $0x2;
	(pc) =	sbr.rel @!p3 .LBB2_12-.Ltmp10, $4  }
0x3f3: {  	s10 =	smov.u32 @p2 s3;
	s8 =	simm.s32 @p4 $0x0;
	s11 =	sadd.s32 @!p2 $0x3068, s9  }
0x3f4: {  	s3 =	smin.u32 @!p2 s8, $0x9C7C  }
0x3f5: {  	s8 =	sand.u32 @!p2 $0xFFF8, s3;
	s16 =	sand.u32 @!p2 $0x7, s3  }
0x3f6: {  	s5 =	sadd.s32 $0x1, s5;
	s12 =	sadd.s32 @!p2 s4, s8  }
.LBB2_13:
0x3f7: {  	[tilespmem:s11], [sflag:$0x2] =	stream.linear.gather @!p2 [hbm4b:s12+s16], $0x20, $0x38;
	[tilespmem:$0x1EC48] =	vst v63  }
.Ltmp11:
0x3f8: {  	s2 =	sshll.u32 s10, $0x5;
	(pc) =	sbr.rel .LBB2_14-.Ltmp11, $4  }
0x3f9: {  	s3 =	simm.s32 $0x2;
	s2 =	sand.u32 $0x3FFFFFE0, s2  }
0x3fa: {  	_ =	swait.ge [sflag:s3], s2  }
0x3fb: {  	s2 =	ssub.s32 $0x0, s2;
	[sflag:s3] =	ssyncset.done $0x0  }
0x3fc: {  	s5 =	simm.s32 $0x0;
	[sflag:s3] =	ssyncadd.s32 s2  }
.LBB2_15:
0x3fd: {  	v1 =	vld [tilespmem:s30+$0xFFFFFFF0]  }
0x3fe: {  	v2 =	vld [tilespmem:s6+$0x48];
	_ =	sdelay $0x4  }
0x3ff: {  	v1 =	vmax.f32 v1, v2  }
0x400: {  	v2 =	vld [tilespmem:s6+$0x58];
	[tilespmem:s6+$0x48] =	vst v1  }
0x401: {  	v1 =	vld [tilespmem:s30+$0x0];
	_ =	sdelay $0x4  }
0x402: {  	v1 =	vmax.f32 v1, v2  }
0x403: {  	[tilespmem:s6+$0x58] =	vst v1  }
.LBB2_19:
0x404: {  	s31 =	sadd.s32 $0x1, s31  }
0x405: {  	p2 =	seq.s32 s31, $0x0  }
.Ltmp12:
0x406: {  	_ = 	snop;
	(pc) =	sbr.rel @p2 .LBB2_20-.Ltmp12, $2  }
0x407: {  	_ =	sdelay $0x2  }
0x408: {  	s30 =	sadd.s32 $0x80, s30;
	s28 =	sadd.s32 $0x1, s28;
	s29 =	smov.u32 s2  }
.LBB2_14:
0x409: {  	v1 =	vld.msk [tilespmem:s28+$0x0], $0x1;
	_ =	sdelay $0x4  }
0x40a: {  	(v2sf) =	vpush v1, $0x0;
	_ =	sdelay $0xe  }
0x40b: {  	s2 =	spop (v2sf)  }
0x40c: {  	p2 =	sne.s32 s29, s2  }
.Ltmp13:
0x40d: {  	_ = 	snop;
	(pc) =	sbr.rel @!p2 .LBB2_15-.Ltmp13, $3  }
0x40e: {  	_ =	sdelay $0x1  }
0x40f: {  	s3 =	sshll.u32 s26, $0x7  }
0x410: {  	s6 =	sshra.s32 s3, $0x2  }
0x411: {  	p2 =	seq.s32 s29, s1  }
.Ltmp14:
0x412: {  	_ = 	snop;
	(pc) =	sbr.rel @!p2 .LBB2_17-.Ltmp14, $1  }
0x413: {  	_ =	sdelay $0x3  }
.Ltmp15:
0x414: {  	s3 =	sadd.s32 $0x48, s6;
	(pc) =	sbr.rel .LBB2_18-.Ltmp15, $4  }
0x415: {  	[spmem:s17] =	stream.linear.scatter [tilespmem:s3], [sflag:$0x1], $0x20, $0x38;
	[tilespmem:$0x1EC48] =	vst v63  }
0x416: {  	_ =	swait.ge [sflag:s13], $0x20  }
0x417: {  	[sflag:s13] =	ssyncset.done $0x0  }
0x418: {  	[sflag:s13] =	ssyncadd.s32 $0xFFFFFFE0  }
.LBB2_17:
0x419: {  	s3 =	sshll.u32 s0, $0x7  }
0x41a: {  	v2 =	vld [tilespmem:s6+$0x48];
	s3 =	sshra.s32 s3, $0x2  }
0x41b: {  	v1 =	vld [tilespmem:s3+$0x3068];
	_ =	sdelay $0x4  }
0x41c: {  	v1 =	vmax.f32 v1, v2  }
0x41d: {  	v2 =	vld [tilespmem:s6+$0x58];
	[tilespmem:s6+$0x48] =	vst v1  }
0x41e: {  	v1 =	vld [tilespmem:s3+$0x3078];
	_ =	sdelay $0x3  }
0x41f: {  	p2 =	sgt.u32 s29, $0x9C7C  }
0x420: {  	s3 =	sand.u32 @!p2 $0xFFF8, s29;
	v1 =	vmax.f32 v1, v2  }
0x421: {  	s8 =	sadd.s32 $0x48, s6;
	s3 =	sadd.s32 @!p2 s4, s3;
	[tilespmem:s6+$0x58] =	vst v1;
	s6 =	sand.u32 @!p2 $0x7, s29  }
0x422: {  	[hbm4b:s3+s6] =	stream.linear.scatter @!p2 [tilespmem:s8], [sflag:$0xC], $0x20, $0x38;
	[tilespmem:$0x1EC48] =	vst v63  }
0x423: {  	s6 =	simm.s32 $0x0  }
0x424: {  	s6 =	simm.s32 @!p2 $0x80  }
0x425: {  	s5 =	sadd.s32 s6, s5  }
.LBB2_18:
0x426: {  	s3 =	sadd.s32 $0x1, s26  }
0x427: {  	s6 =	smulhi.u32 $0xAAAAAAAB, s3;
	_ =	sdelay $0x1  }
0x428: {  	v1 =	vld [tilespmem:s30+$0xFFFFFFF0];
	s6 =	sshrl.u32 s6, $0x8  }
0x429: {  	s6 =	smul.u32 $0x180, s6;
	_ =	sdelay $0x1  }
0x42a: {  	s26 =	ssub.s32 s3, s6  }
0x42b: {  	s3 =	sshll.u32 s26, $0x5  }
0x42c: {  	[tilespmem:s3+$0x48] =	vst v1  }
0x42d: {  	v1 =	vld [tilespmem:s30+$0x0]  }
.Ltmp16:
0x42e: {  	_ = 	snop;
	(pc) =	sbr.rel .LBB2_19-.Ltmp16, $2  }
0x42f: {  	_ =	sdelay $0x2  }
0x430: {  	s0 =	sadd.s32 $0x1, s0;
	[tilespmem:s3+$0x58] =	vst v1  }
.LBB2_21:
.Ltmp17:
0x431: {  	(pc) =	sbr.rel .LBB2_22-.Ltmp17, $4  }
0x432: {  	_ = 	snop  }
0x433: {  	s0 =	simm.s32 $0x2  }
0x434: {  	_ =	swait.ge [sflag:s0], $0x0  }
0x435: {  	s2 =	smov.u32 s29;
	[sflag:s0] =	ssyncset.done $0x0;
	s0 =	simm.s32 $0x0  }
.LBB2_24:
0x436: {  	_ =	sfence.sel $0x180000  }
0x437: {  	s0 =	simm.s32 $0x9;
	[bflag:$0x0] =	sbarrier.arrive $0xFFFF  }
0x438: {  	s24 =	simm.s32 $0xA;
	[sflag:s0] =	ssyncpa.u1 $0x1  }
0x439: {  	s25 =	simm.s32 $0xB;
	[sflag:s24] =	ssyncpa.u1 $0x1  }
0x43a: {  	s26 =	simm.s32 $0x2;
	[sflag:s25] =	ssyncpa.u1 $0x1  }
0x43b: {  	[sflag:s26] =	ssyncpa.u1 $0x1  }
0x43c: {  	v0 =	vld [tilespmem:$0x6088];
	_ =	sdelay $0x4  }
0x43d: {  	(v2sf) =	vpush v0, $0x0  }
0x43e: {  	(v2sf) =	vpush v0, $0x1;
	_ =	sdelay $0x1  }
0x43f: {  	(v2sf) =	vpush v0, $0x2;
	_ =	sdelay $0xb  }
0x440: {  	s0 =	spop (v2sf)  }
0x441: {  	s1 =	spop (v2sf)  }
0x442: {  	s2 =	smov.u32 s0;
	p0 =	sne.s32 s0, s1  }
0x443: {  	s3 =	spop (v2sf);
	s2 =	simm.s32 @!p0 $0xFFFFFFFF  }
0x444: {  	v2 =	vimm.s32 $0x1;
	v3 =	vlaneseq.u32;
	p0 =	seq.s32 s3, $0xFFFFFFFF;
	v1 =	vmov s2  }
0x445: {  	s13 =	stileid.u32;
	v0 =	vperm.xlane v0, v2;
	p1 =	sne.s32 @!p0 s0, s1;
	v1 =	vperm.xlane v1, v3  }
0x446: {  	vm0 =	vcmask $0x3F04;
	s6 =	simm.s32 $0x6088;
	s0 =	simm.s32 @!p0 $0x1;
	p1 =	por !p1, p0  }
0x447: {  	s2 =	sshll.u32 s13, $0x1;
	s1 =	sshll.u32 @!p0 s3, $0x7;
	s0 =	simm.s32 @p1 $0x0;
	v0 =	vsel vm0, v1, v0  }
0x448: {  	s5 =	sor.u32 $0x400, s2;
	s1 =	sshra.s32 @!p0 s1, $0x2;
	s0 =	sor.u32 @!p0 s0, s2;
	[tilespmem:$0x6088] =	vst v0  }
0x449: {  	[spmem:s5] =	stream.linear.scatter [tilespmem:s6], [sflag:$0x1], $0x2, $0x38;
	[tilespmem:$0x1EC48] =	vst v63  }
0x44a: {  	s1 =	sadd.s32 @!p0 $0x48, s1;
	s0 =	sshll.u32 @!p0 s0, $0x5  }
0x44b: {  	[spmem:s0] =	stream.linear.scatter @!p0 [tilespmem:s1], [sflag:$0x1], $0x20, $0x38;
	[tilespmem:$0x1EC48] =	vst v63  }
0x44c: {  	s0 =	simm.s32 @!p0 $0x22  }
0x44d: {  	s28 =	simm.s32 $0x1;
	s0 =	simm.s32 @p0 $0x2  }
0x44e: {  	_ =	swait.ge [sflag:s28], s0  }
0x44f: {  	s0 =	ssub.s32 $0x0, s0;
	[sflag:s28] =	ssyncset.done $0x0  }
0x450: {  	p0 =	sne.s32 s13, $0x0;
	[sflag:s28] =	ssyncadd.s32 s0  }
.Ltmp18:
0x451: {  	_ =	sfence.stream.spmem;
	(pc) =	sbr.rel @p0 .LBB2_41-.Ltmp18, $4  }
0x452: {  	s29 =	simm.s32 $0x3;
	[bflag:$0x0] =	sbarrier.arrive $0xFFFF  }
0x453: {  	s30 =	simm.s32 $0x4;
	[sflag:s29] =	ssyncpa.u1 $0x1  }
0x454: {  	s31 =	simm.s32 $0x3C;
	[sflag:s30] =	ssyncpa.u1 $0x1  }
0x455: {  	s14 =	rddreg [dreg:$0x4];
	[sflag:s31] =	ssyncpa.u1 $0x1  }
0x456: {  	_ =	sfence.stream.spmem;
	s0 =	simm.s32 $0x5  }
0x457: {  	s1 =	simm.s32 $0x400;
	s2 =	simm.s32 $0x6098;
	[sflag:s0] =	ssyncpa.u1 $0x0  }
0x458: {  	[tilespmem:s2], [sflag:$0x5] =	stream.linear.gather [spmem:s1], $0x20, $0x38;
	[tilespmem:$0x1EC48] =	vst v63  }
0x459: {  	s26 =	simm.s32 $0x0;
	s28 =	simm.s32 $0x60B8  }
0x45a: {  	[tilespmem:s28], [sflag:$0x5] =	stream.linear.gather [spmem:s26], $0x400, $0x38;
	[tilespmem:$0x1EC48] =	vst v63  }
0x45b: {  	_ =	swait.ge [sflag:s0], $0x420  }
0x45c: {  	[sflag:s0] =	ssyncset.done $0x0  }
0x45d: {  	s29 =	simm.s32 $0x0;
	[sflag:s0] =	ssyncadd.s32 $0xFFFFFBE0  }
0x45e: {  	v0 =	vld.msk [tilespmem:s29+$0x6098], $0x1;
	_ =	sdelay $0x1  }
0x45f: {  	s30 =	simm.s32 $0x1  }
0x460: {  	v1 =	vld.msk [tilespmem:s30+$0x6098], $0x1;
	_ =	sdelay $0x1  }
0x461: {  	(v2sf) =	vpush v0, $0x0;
	_ =	sdelay $0x2  }
0x462: {  	(v2sf) =	vpush v1, $0x0;
	_ =	sdelay $0x2  }
0x463: {  	s31 =	simm.s32 $0x2  }
0x464: {  	v0 =	vld.msk [tilespmem:s31+$0x6098], $0x1;
	_ =	sdelay $0x2  }
0x465: {  	s1 =	simm.s32 $0xFFFFFFFF;
	s2 =	simm.s32 $0xFFFFFFFF;
	s0 =	simm.s32 $0xC  }
.LBB2_26:
0x466: {  	s3 =	smov.u32 s2;
	s5 =	smov.u32 s1  }
0x467: {  	s1 =	sshra.s32 s0, $0x2;
	p1 =	sne.s32 s0, $0x7C;
	s0 =	sadd.s32 $0x4, s0;
	(v2sf) =	vpush v0, $0x0  }
0x468: {  	v0 =	vld.msk [tilespmem:s1+$0x6098], $0x1  }
.Ltmp19:
0x469: {  	(pc) =	sbr.rel @p1 .LBB2_26-.Ltmp19, $4  }
0x46a: {  	s2 =	spop (v2sf)  }
0x46b: {  	p2 =	sne.s32 s5, $0xFFFFFFFF;
	s1 =	smov.u32 s2  }
0x46c: {  	p3 =	seq.s32 s2, $0xFFFFFFFF;
	s1 =	smov.u32 @p2 s5  }
0x46d: {  	s2 =	smov.u32 @p3 s3;
	s1 =	smov.u32 @p3 s5  }
0x46e: {  	(v2sf) =	vpush v0, $0x0;
	_ =	sdelay $0x8  }
0x46f: {  	s0 =	spop (v2sf)  }
0x470: {  	p1 =	sne.s32 s1, $0xFFFFFFFF;
	s3 =	smov.u32 s0  }
0x471: {  	s9 =	simm.s32 $0x0;
	p2 =	seq.s32 s0, $0xFFFFFFFF;
	s3 =	smov.u32 @p1 s1  }
0x472: {  	s0 =	smov.u32 @p2 s2;
	s3 =	smov.u32 @p2 s1;
	s1 =	spop (v2sf)  }
0x473: {  	p1 =	sne.s32 s3, $0xFFFFFFFF;
	s5 =	smov.u32 s1;
	p2 =	seq.s32 s1, $0xFFFFFFFF  }
.Ltmp20:
0x474: {  	s5 =	smov.u32 @p1 s3;
	s1 =	smov.u32 @p2 s0;
	(pc) =	sbr.rel .LBB2_28-.Ltmp20, $4  }
0x475: {  	s0 =	simm.s32 $0x6;
	s5 =	smov.u32 @p2 s3;
	s7 =	spop (v2sf)  }
0x476: {  	[sflag:s0] =	ssyncpa.u1 $0x0;
	p1 =	sne.s32 s5, $0xFFFFFFFF;
	s8 =	smov.u32 s7  }
0x477: {  	s3 =	simm.s32 $0x0;
	p2 =	seq.s32 s7, $0xFFFFFFFF;
	s8 =	smov.u32 @p1 s5  }
0x478: {  	s7 =	smov.u32 @p2 s1;
	s1 =	simm.s32 $0x6068;
	s8 =	smov.u32 @p2 s5  }
.LBB2_34:
0x479: {  	p1 =	sgt.u32 s2, $0x9C7C  }
0x47a: {  	p2 =	seq.s32 @!p1 s2, s8  }
0x47b: {  	p1 =	por p1, p2  }
0x47c: {  	p2 =	sne.s32 @!p1 s2, s7  }
0x47d: {  	p1 =	por p1, !p2  }
0x47e: {  	s2 =	sshll.u32 @p1 s9, $0x7  }
0x47f: {  	s5 =	sand.u32 @!p1 $0xFFF8, s2  }
0x480: {  	s2 =	sand.u32 @!p1 $0x7, s2;
	s5 =	sadd.s32 @!p1 s4, s5  }
0x481: {  	[tilespmem:s1], [sflag:$0x6] =	stream.linear.gather @!p1 [hbm4b:s5+s2], $0x20, $0x38;
	[tilespmem:$0x1EC48] =	vst v63  }
0x482: {  	_ =	swait.ge @!p1 [sflag:s0], $0x20  }
0x483: {  	[sflag:s0] =	ssyncset.done @!p1 $0x0  }
0x484: {  	s2 =	sshll.u32 @!p1 s9, $0x7;
	[sflag:s0] =	ssyncadd.s32 @!p1 $0xFFFFFFE0  }
0x485: {  	s5 =	sshrl.u32 @!p1 s2, $0x2;
	v1 =	vld @!p1 [tilespmem:$0x6068]  }
0x486: {  	v2 =	vld @!p1 [tilespmem:s5+$0x60B8];
	_ =	sdelay $0x4  }
0x487: {  	v1 =	vmax.f32 @!p1 v1, v2  }
0x488: {  	v2 =	vld @!p1 [tilespmem:s5+$0x60C8];
	[tilespmem:s5+$0x60B8] =	vst @!p1 v1  }
0x489: {  	v1 =	vld @!p1 [tilespmem:$0x6078];
	_ =	sdelay $0x4  }
0x48a: {  	v1 =	vmax.f32 @!p1 v1, v2  }
0x48b: {  	[tilespmem:s5+$0x60C8] =	vst @!p1 v1  }
0x48c: {  	s2 =	sshrl.u32 s2, $0x2;
	[tilespmem:s3+$0x6098] =	vst.msk $0x1, v0  }
0x48d: {  	v0 =	vld [tilespmem:s2+$0x60B8];
	_ =	sdelay $0x2  }
0x48e: {  	s31 =	sshll.u32 s3, $0x7  }
0x48f: {  	s5 =	sshra.s32 s31, $0x2  }
0x490: {  	[tilespmem:s5+$0x60B8] =	vst v0  }
0x491: {  	v0 =	vld [tilespmem:s2+$0x60C8];
	_ =	sdelay $0x4  }
0x492: {  	s3 =	sadd.s32 $0x1, s3;
	[tilespmem:s5+$0x60C8] =	vst v0  }
.LBB2_35:
0x493: {  	s9 =	sadd.s32 $0x1, s9  }
0x494: {  	p1 =	sne.s32 s9, $0x20  }
.Ltmp21:
0x495: {  	_ = 	snop;
	(pc) =	sbr.rel @!p1 .LBB2_36-.Ltmp21, $1  }
0x496: {  	_ =	sdelay $0x3  }
.LBB2_28:
0x497: {  	v0 =	vld.msk [tilespmem:s9+$0x6098], $0x1;
	_ =	sdelay $0x4  }
0x498: {  	(v2sf) =	vpush v0, $0x0;
	_ =	sdelay $0xe  }
0x499: {  	s2 =	spop (v2sf)  }
0x49a: {  	p1 =	seq.s32 s2, $0xFFFFFFFF  }
.Ltmp22:
0x49b: {  	_ = 	snop;
	(pc) =	sbr.rel @p1 .LBB2_35-.Ltmp22, $1  }
0x49c: {  	_ =	sdelay $0x3  }
0x49d: {  	p1 =	slt.s32 s3, $0x1  }
.Ltmp23:
0x49e: {  	_ = 	snop;
	(pc) =	sbr.rel @p1 .LBB2_34-.Ltmp23, $1  }
0x49f: {  	_ =	sdelay $0x3  }
0x4a0: {  	s5 =	simm.s32 $0x6098;
	p1 =	por $0x0, $0x0  }
0x4a1: {  	v1 =	vld.msk @!p1 [tilespmem:s5+$0x0], $0x1;
	_ =	sdelay $0x4  }
0x4a2: {  	(v2sf) =	vpush @!p1 v1, $0x0;
	_ =	sdelay $0xd  }
0x4a3: {  	p3 =	sne.s32 s3, $0x1  }
.Ltmp24:
0x4a4: {  	s6 =	spop @!p1 (v2sf);
	(pc) =	sbr.rel @!p3 .LBB2_32-.Ltmp24, $4  }
0x4a5: {  	p2 =	seq.s32 @!p1 s2, s6  }
0x4a6: {  	s6 =	simm.s32 $0x0;
	p2 =	por !p2, p1  }
0x4a7: {  	s11 =	simm.s32 $0xFFFFFFFF;
	s6 =	simm.s32 @p2 $0xFFFFFFFF  }
0x4a8: {  	s10 =	simm.s32 $0x1;
	s6 =	smov.u32 @p1 s11  }
.LBB2_31:
0x4a9: {  	s11 =	smov.u32 s6;
	p1 =	sne.s32 s6, $0xFFFFFFFF  }
0x4aa: {  	s5 =	sadd.s32 $0x1, s5;
	s6 =	smov.u32 s10;
	s10 =	sadd.s32 $0x1, s10  }
0x4ab: {  	p2 =	sne.s32 s3, s10;
	v1 =	vld.msk @!p1 [tilespmem:s5+$0x0], $0x1;
	_ =	sdelay $0x4  }
0x4ac: {  	(v2sf) =	vpush @!p1 v1, $0x0;
	_ =	sdelay $0xe  }
.Ltmp25:
0x4ad: {  	s12 =	spop @!p1 (v2sf);
	(pc) =	sbr.rel @p2 .LBB2_31-.Ltmp25, $4  }
0x4ae: {  	p3 =	seq.s32 @!p1 s2, s12  }
0x4af: {  	p3 =	por !p3, p1  }
0x4b0: {  	s6 =	simm.s32 @p3 $0xFFFFFFFF  }
0x4b1: {  	s6 =	smov.u32 @p1 s11  }
.LBB2_32:
0x4b2: {  	p1 =	seq.s32 s6, $0xFFFFFFFF  }
.Ltmp26:
0x4b3: {  	_ = 	snop;
	(pc) =	sbr.rel @p1 .LBB2_34-.Ltmp26, $1  }
0x4b4: {  	_ =	sdelay $0x3  }
0x4b5: {  	s2 =	sshll.u32 s9, $0x5  }
0x4b6: {  	s5 =	sshll.u32 s6, $0x7;
	s2 =	sand.u32 $0x3FFFFFE0, s2  }
0x4b7: {  	s5 =	sshra.s32 s5, $0x2;
	v0 =	vld [tilespmem:s2+$0x60B8]  }
0x4b8: {  	v1 =	vld [tilespmem:s5+$0x60B8];
	_ =	sdelay $0x4  }
0x4b9: {  	v0 =	vmax.f32 v0, v1  }
0x4ba: {  	v63 =	vld [tilespmem:s5+$0x60C8];
	[tilespmem:s5+$0x60B8] =	vst v0  }
0x4bb: {  	v0 =	vld [tilespmem:s2+$0x60C8];
	_ =	sdelay $0x1  }
.Ltmp27:
0x4bc: {  	_ = 	snop;
	(pc) =	sbr.rel .LBB2_35-.Ltmp27, $3  }
0x4bd: {  	_ =	sdelay $0x1  }
0x4be: {  	v0 =	vmax.f32 v0, v63  }
0x4bf: {  	[tilespmem:s5+$0x60C8] =	vst v0  }
.LBB2_36:
0x4c0: {  	s0 =	simm.s32 $0x6;
	p1 =	seq.s32 s3, $0x0  }
0x4c1: {  	[sflag:s0] =	ssyncpa.u1 $0x1;
	v0 =	vimm.s32 @p1 $0xFFFFFFFF  }
0x4c2: {  	s0 =	sadd.s32 $0xFFFFFFFF, s3;
	[tilespmem:$0x64B8] =	vst @p1 v0  }
0x4c3: {  	v0 =	vld.msk @!p1 [tilespmem:s0+$0x6098], $0x1;
	_ =	sdelay $0x1  }
0x4c4: {  	v1 =	vld.msk @!p1 [tilespmem:$0x6098], $0x1;
	_ =	sdelay $0x2  }
0x4c5: {  	p2 =	seq.s32 @!p1 s0, $0x0;
	v0 =	vbroadcast @!p1 v0, $0x0  }
0x4c6: {  	vm0 =	vmmov @!p1 $0x1;
	p2 =	por !p2, p1  }
0x4c7: {  	v1 =	vnsel @!p1 vm0, $0xFFFFFFFF, v1;
	vm0 =	vcmask @!p1 $0x308;
	v0 =	vpsel !p2, $0xFFFFFFFF, v0  }
0x4c8: {  	p2 =	sne.s32 @!p1 s8, s7;
	v0 =	vsel @!p1 vm0, v1, v0  }
0x4c9: {  	s1 =	simm.s32 @!p1 $0x60B8;
	s2 =	simm.s32 @!p1 $0x0;
	p3 =	por !p2, p1;
	[tilespmem:$0x64B8] =	vst @!p1 v0  }
0x4ca: {  	[spmem:s2] =	stream.linear.scatter @!p1 [tilespmem:s1], [sflag:$0x1], $0x20, $0x38;
	[tilespmem:$0x1EC48] =	vst v63  }
0x4cb: {  	s1 =	sshll.u32 @!p3 s0, $0x7  }
0x4cc: {  	s1 =	sshra.s32 @!p3 s1, $0x2  }
0x4cd: {  	s2 =	simm.s32 @!p3 $0x20;
	s1 =	sadd.s32 @!p3 $0x60B8, s1  }
0x4ce: {  	[spmem:s2] =	stream.linear.scatter @!p3 [tilespmem:s1], [sflag:$0x1], $0x20, $0x38;
	[tilespmem:$0x1EC48] =	vst v63  }
0x4cf: {  	s1 =	simm.s32 @!p3 $0x1  }
0x4d0: {  	_ =	swait.ge @!p3 [sflag:s1], $0x40  }
0x4d1: {  	p1 =	por p2, p1;
	[sflag:s1] =	ssyncset.done @!p3 $0x0  }
0x4d2: {  	[sflag:s1] =	ssyncadd.s32 @!p3 $0xFFFFFFC0;
	s1 =	simm.s32 @!p1 $0x1  }
0x4d3: {  	_ =	swait.ge @!p1 [sflag:s1], $0x20  }
0x4d4: {  	s29 =	simm.s32 $0x64B8;
	[sflag:s1] =	ssyncset.done @!p1 $0x0  }
0x4d5: {  	s30 =	simm.s32 $0x400;
	s31 =	simm.s32 $0x1;
	[sflag:s1] =	ssyncadd.s32 @!p1 $0xFFFFFFE0  }
0x4d6: {  	[spmem:s30] =	stream.linear.scatter [tilespmem:s29], [sflag:$0x1], $0x10, $0x38;
	[tilespmem:$0x1EC48] =	vst v63  }
0x4d7: {  	_ =	swait.ge [sflag:s31], $0x10  }
0x4d8: {  	[sflag:s31] =	ssyncset.done $0x0  }
0x4d9: {  	p1 =	seq.s32 s14, $0x0;
	s9 =	rddreg [dreg:$0x1];
	[sflag:s31] =	ssyncadd.s32 $0xFFFFFFF0  }
0x4da: {  	s2 =	sshll.u32 @p1 s9, $0xE;
	s8 =	rddreg [dreg:$0x2]  }
0x4db: {  	s1 =	sadd.s32 @p1 $0x15C3C, s2;
	s2 =	sshll.u32 @p1 s8, $0x11  }
0x4dc: {  	_ =	sfence.stream.spmem;
	s1 =	sor.u32 @p1 s2, s1  }
0x4dd: {  	[sflag:s1] =	ssyncadd.remote.s32 @p1 $0x1;
	s1 =	simm.s32 @p1 $0x4  }
0x4de: {  	s5 =	simm.s32 @!p1 $0x3C;
	s2 =	sand.u32 $0xFFFFFFFE, s9;
	_ =	swait.ge @p1 [sflag:s1], $0xA  }
0x4df: {  	s6 =	simm.s32 @!p1 $0x0;
	s2 =	sadd.s32 @!p1 $0x4, s2;
	[sflag:s1] =	ssyncset.done @p1 $0x0  }
0x4e0: {  	s7 =	simm.s32 @!p1 $0x40;
	[sflag:s1] =	ssyncadd.s32 @p1 $0xFFFFFFF6;
	s1 =	sshll.u32 @!p1 s2, $0x1A  }
0x4e1: {  	s2 =	sshll.u32 @!p1 s2, $0xD;
	s1 =	sor.u32 @!p1 s1, s8;
	_ =	swait.eq @!p1 [sflag:s5], $0x1  }
0x4e2: {  	s2 =	sor.u32 @!p1 $0x1C04, s2;
	s5 =	simm.s32 @!p1 $0x1C03;
	s1 =	sor.u32 @!p1 $0x80004000, s1  }
0x4e3: {  	[spmem:s7], [sflag:s2] =	dma.general @!p1 [spmem:s6], [sflag:s5], length:$0x8, [dreg:$0x0], stride_count:$0x0, ici_dest:s1, dma_misc:DstOpCode:WRITE  }
0x4e4: {  	p2 =	slt.s32 s0, $0x2;
	s6 =	simm.s32 @!p1 $0x80;
	s7 =	simm.s32 @!p1 $0x82  }
0x4e5: {  	[spmem:s7], [sflag:s2] =	dma.general @!p1 [spmem:s6], [sflag:s5], length:$0x2, [dreg:$0x0], stride_count:$0x0, ici_dest:s1, dma_misc:DstOpCode:WRITE  }
.Ltmp28:
0x4e6: {  	s1 =	simm.s32 @!p1 $0x3;
	(pc) =	sbr.rel @p2 .LBB2_40-.Ltmp28, $4  }
0x4e7: {  	s2 =	sshll.u32 @!p1 s9, $0xE;
	_ =	swait.ge @!p1 [sflag:s1], $0xA  }
0x4e8: {  	s5 =	sshll.u32 @!p1 s8, $0x11;
	s2 =	sadd.s32 @!p1 $0x11C3C, s2;
	[sflag:s1] =	ssyncset.done @!p1 $0x0  }
0x4e9: {  	[sflag:s1] =	ssyncadd.s32 @!p1 $0xFFFFFFF6;
	s1 =	sor.u32 @!p1 s5, s2  }
0x4ea: {  	s0 =	simm.s32 $0x0;
	[sflag:s1] =	ssyncadd.remote.s32 @!p1 $0xFFFFFFFF  }
0x4eb: {  	s0 =	simm.s32 $0x6099  }
0x4ec: {  	v0 =	vld.msk [tilespmem:s0+$0x0], $0x1;
	_ =	sdelay $0x4  }
0x4ed: {  	(v2sf) =	vpush v0, $0x0;
	_ =	sdelay $0xc  }
0x4ee: {  	s1 =	sadd.s32 $0xFFFFFFFE, s3  }
0x4ef: {  	s1 =	sadd.s32 $0xFFFFFFFF, s1  }
0x4f0: {  	p2 =	sne.s32 s1, $0x0;
	s2 =	spop (v2sf)  }
.Ltmp29:
0x4f1: {  	p1 =	sgt.u32 s2, $0x9C7C;
	(pc) =	sbr.rel @!p2 .LBB2_39-.Ltmp29, $4  }
0x4f2: {  	s5 =	simm.s32 $0x0;
	s3 =	sand.u32 @!p1 $0xFFF8, s2  }
0x4f3: {  	s0 =	simm.s32 $0x60D8;
	s2 =	sand.u32 @!p1 $0x7, s2;
	s3 =	sadd.s32 @!p1 s4, s3  }
0x4f4: {  	[hbm4b:s3+s2] =	stream.linear.scatter @!p1 [tilespmem:s0], [sflag:$0x5], $0x20, $0x38;
	[tilespmem:$0x1EC48] =	vst v63  }
0x4f5: {  	s5 =	simm.s32 @!p1 $0x80;
	s2 =	simm.s32 $0x0;
	s3 =	simm.s32 $0x609A  }
.LBB2_38:
0x4f6: {  	v0 =	vld.msk [tilespmem:s3+$0x0], $0x1;
	s1 =	sadd.s32 $0xFFFFFFFF, s1;
	s2 =	sadd.s32 s2, s5  }
0x4f7: {  	p1 =	sne.s32 s1, $0x0;
	_ =	sdelay $0x3  }
0x4f8: {  	(v2sf) =	vpush v0, $0x0;
	_ =	sdelay $0xe  }
.Ltmp30:
0x4f9: {  	s6 =	spop (v2sf);
	(pc) =	sbr.rel @p1 .LBB2_38-.Ltmp30, $4  }
0x4fa: {  	s5 =	simm.s32 $0x0;
	p2 =	sgt.u32 s6, $0x9C7C  }
0x4fb: {  	s0 =	sadd.s32 $0x20, s0;
	s5 =	simm.s32 @!p2 $0x80;
	s7 =	sand.u32 @!p2 $0xFFF8, s6  }
0x4fc: {  	s3 =	sadd.s32 $0x1, s3;
	s6 =	sand.u32 @!p2 $0x7, s6;
	s7 =	sadd.s32 @!p2 s4, s7  }
0x4fd: {  	[hbm4b:s7+s6] =	stream.linear.scatter @!p2 [tilespmem:s0], [sflag:$0x5], $0x20, $0x38;
	[tilespmem:$0x1EC48] =	vst v63  }
.LBB2_39:
0x4fe: {  	s0 =	sadd.s32 s2, s5  }
0x4ff: {  	s0 =	sshrl.u32 s0, $0x2  }
.LBB2_40:
0x500: {  	s1 =	simm.s32 $0x5  }
0x501: {  	_ =	swait.ge [sflag:s1], s0  }
0x502: {  	s31 =	ssub.s32 $0x0, s0;
	[sflag:s1] =	ssyncset.done $0x0  }
0x503: {  	[sflag:s1] =	ssyncadd.s32 s31  }
0x504: {  	[sflag:s1] =	ssyncpa.u1 $0x1  }
.LBB2_41:
0x505: {  	s0 =	sor.u32 s14, s13  }
0x506: {  	p1 =	sne.s32 s0, $0x0  }
.Ltmp31:
0x507: {  	_ = 	snop;
	(pc) =	sbr.rel @p1 .LBB2_56-.Ltmp31, $3  }
0x508: {  	_ =	sdelay $0x1  }
0x509: {  	[bflag:$0x0] =	sbarrier.arrive $0xFFFF  }
0x50a: {  	_ =	sfence  }
0x50b: {  	s1 =	simm.s32 $0x7  }
0x50c: {  	s0 =	simm.s32 $0x400;
	s2 =	simm.s32 $0x6098;
	[sflag:s1] =	ssyncpa.u1 $0x0  }
0x50d: {  	[tilespmem:s2], [sflag:$0x7] =	stream.linear.gather [spmem:s0], $0x20, $0x38;
	[tilespmem:$0x1EC48] =	vst v63  }
0x50e: {  	s30 =	simm.s32 $0x60B8;
	s0 =	simm.s32 $0x0  }
0x50f: {  	[tilespmem:s30], [sflag:$0x7] =	stream.linear.gather [spmem:s0], $0x400, $0x38;
	[tilespmem:$0x1EC48] =	vst v63  }
.Ltmp32:
0x510: {  	_ = 	snop;
	(pc) =	sbr.rel .LBB2_43-.Ltmp32, $4  }
0x511: {  	_ =	swait.ge [sflag:s1], $0x420  }
0x512: {  	[sflag:s1] =	ssyncset.done $0x0  }
0x513: {  	s31 =	simm.s32 $0x8;
	[sflag:s1] =	ssyncadd.s32 $0xFFFFFBE0  }
0x514: {  	s1 =	simm.s32 $0x0;
	[sflag:s31] =	ssyncpa.u1 $0x0  }
.LBB2_49:
0x515: {  	p1 =	slt.u32 s2, $0x9C7D  }
0x516: {  	s3 =	sand.u32 @p1 $0xFFF8, s2  }
0x517: {  	s2 =	sand.u32 @p1 $0x7, s2;
	s5 =	simm.s32 @p1 $0x6068;
	s3 =	sadd.s32 @p1 s4, s3  }
0x518: {  	[tilespmem:s5], [sflag:$0x8] =	stream.linear.gather @p1 [hbm4b:s3+s2], $0x20, $0x38;
	[tilespmem:$0x1EC48] =	vst v63  }
0x519: {  	s2 =	simm.s32 @p1 $0x8  }
0x51a: {  	_ =	swait.ge @p1 [sflag:s2], $0x20  }
0x51b: {  	[sflag:s2] =	ssyncset.done @p1 $0x0  }
0x51c: {  	[sflag:s2] =	ssyncadd.s32 @p1 $0xFFFFFFE0;
	s2 =	sshll.u32 @p1 s1, $0x7  }
0x51d: {  	s3 =	sshrl.u32 @p1 s2, $0x2;
	v1 =	vld @p1 [tilespmem:$0x6068]  }
0x51e: {  	v2 =	vld @p1 [tilespmem:s3+$0x60B8];
	_ =	sdelay $0x4  }
0x51f: {  	v1 =	vmax.f32 @p1 v1, v2  }
0x520: {  	v2 =	vld @p1 [tilespmem:s3+$0x60C8];
	[tilespmem:s3+$0x60B8] =	vst @p1 v1  }
0x521: {  	v1 =	vld @p1 [tilespmem:$0x6078];
	_ =	sdelay $0x4  }
0x522: {  	s5 =	sshll.u32 @!p1 s1, $0x7;
	v1 =	vmax.f32 @p1 v1, v2  }
0x523: {  	s5 =	smov.u32 @p1 s2;
	[tilespmem:s3+$0x60C8] =	vst @p1 v1  }
0x524: {  	s2 =	sshrl.u32 s5, $0x2;
	[tilespmem:s0+$0x6098] =	vst.msk $0x1, v0  }
0x525: {  	v0 =	vld [tilespmem:s2+$0x60B8];
	_ =	sdelay $0x2  }
0x526: {  	s31 =	sshll.u32 s0, $0x7  }
0x527: {  	s3 =	sshra.s32 s31, $0x2  }
0x528: {  	[tilespmem:s3+$0x60B8] =	vst v0  }
0x529: {  	v0 =	vld [tilespmem:s2+$0x60C8];
	_ =	sdelay $0x4  }
0x52a: {  	s0 =	sadd.s32 $0x1, s0;
	[tilespmem:s3+$0x60C8] =	vst v0  }
.LBB2_50:
0x52b: {  	s1 =	sadd.s32 $0x1, s1  }
0x52c: {  	p1 =	sne.s32 s1, $0x20  }
.Ltmp33:
0x52d: {  	_ = 	snop;
	(pc) =	sbr.rel @!p1 .LBB2_51-.Ltmp33, $1  }
0x52e: {  	_ =	sdelay $0x3  }
.LBB2_43:
0x52f: {  	v0 =	vld.msk [tilespmem:s1+$0x6098], $0x1;
	_ =	sdelay $0x4  }
0x530: {  	(v2sf) =	vpush v0, $0x0;
	_ =	sdelay $0xe  }
0x531: {  	s2 =	spop (v2sf)  }
0x532: {  	p1 =	seq.s32 s2, $0xFFFFFFFF  }
.Ltmp34:
0x533: {  	_ = 	snop;
	(pc) =	sbr.rel @p1 .LBB2_50-.Ltmp34, $1  }
0x534: {  	_ =	sdelay $0x3  }
0x535: {  	p1 =	slt.s32 s0, $0x1  }
.Ltmp35:
0x536: {  	_ = 	snop;
	(pc) =	sbr.rel @p1 .LBB2_49-.Ltmp35, $1  }
0x537: {  	_ =	sdelay $0x3  }
0x538: {  	s3 =	simm.s32 $0x6098;
	p1 =	por $0x0, $0x0  }
0x539: {  	v1 =	vld.msk @!p1 [tilespmem:s3+$0x0], $0x1;
	_ =	sdelay $0x4  }
0x53a: {  	(v2sf) =	vpush @!p1 v1, $0x0;
	_ =	sdelay $0xd  }
0x53b: {  	p3 =	sne.s32 s0, $0x1  }
.Ltmp36:
0x53c: {  	s5 =	spop @!p1 (v2sf);
	(pc) =	sbr.rel @!p3 .LBB2_47-.Ltmp36, $4  }
0x53d: {  	p2 =	seq.s32 @!p1 s2, s5  }
0x53e: {  	s5 =	simm.s32 $0x0;
	p2 =	por !p2, p1  }
0x53f: {  	s7 =	simm.s32 $0xFFFFFFFF;
	s5 =	simm.s32 @p2 $0xFFFFFFFF  }
0x540: {  	s6 =	simm.s32 $0x1;
	s5 =	smov.u32 @p1 s7  }
.LBB2_46:
0x541: {  	s7 =	smov.u32 s5;
	p1 =	sne.s32 s5, $0xFFFFFFFF  }
0x542: {  	s3 =	sadd.s32 $0x1, s3;
	s5 =	smov.u32 s6;
	s6 =	sadd.s32 $0x1, s6  }
0x543: {  	p2 =	sne.s32 s0, s6;
	v1 =	vld.msk @!p1 [tilespmem:s3+$0x0], $0x1;
	_ =	sdelay $0x4  }
0x544: {  	(v2sf) =	vpush @!p1 v1, $0x0;
	_ =	sdelay $0xe  }
.Ltmp37:
0x545: {  	s8 =	spop @!p1 (v2sf);
	(pc) =	sbr.rel @p2 .LBB2_46-.Ltmp37, $4  }
0x546: {  	p3 =	seq.s32 @!p1 s2, s8  }
0x547: {  	p3 =	por !p3, p1  }
0x548: {  	s5 =	simm.s32 @p3 $0xFFFFFFFF  }
0x549: {  	s5 =	smov.u32 @p1 s7  }
.LBB2_47:
0x54a: {  	p1 =	seq.s32 s5, $0xFFFFFFFF  }
.Ltmp38:
0x54b: {  	_ = 	snop;
	(pc) =	sbr.rel @p1 .LBB2_49-.Ltmp38, $1  }
0x54c: {  	_ =	sdelay $0x3  }
0x54d: {  	s2 =	sshll.u32 s1, $0x5  }
0x54e: {  	s3 =	sshll.u32 s5, $0x7;
	s2 =	sand.u32 $0x3FFFFFE0, s2  }
0x54f: {  	s3 =	sshra.s32 s3, $0x2;
	v0 =	vld [tilespmem:s2+$0x60B8]  }
0x550: {  	v1 =	vld [tilespmem:s3+$0x60B8];
	_ =	sdelay $0x4  }
0x551: {  	v0 =	vmax.f32 v0, v1  }
0x552: {  	v63 =	vld [tilespmem:s3+$0x60C8];
	[tilespmem:s3+$0x60B8] =	vst v0  }
0x553: {  	v0 =	vld [tilespmem:s2+$0x60C8];
	_ =	sdelay $0x1  }
.Ltmp39:
0x554: {  	_ = 	snop;
	(pc) =	sbr.rel .LBB2_50-.Ltmp39, $3  }
0x555: {  	_ =	sdelay $0x1  }
0x556: {  	v0 =	vmax.f32 v0, v63  }
0x557: {  	[tilespmem:s3+$0x60C8] =	vst v0  }
.LBB2_51:
0x558: {  	p1 =	slt.s32 s0, $0x1  }
.Ltmp40:
0x559: {  	_ = 	snop;
	(pc) =	sbr.rel @p1 .LBB2_55-.Ltmp40, $3  }
0x55a: {  	_ =	sdelay $0x1  }
0x55b: {  	s1 =	simm.s32 $0x8  }
0x55c: {  	[sflag:s1] =	ssyncpa.u1 $0x1;
	s1 =	simm.s32 $0x0  }
0x55d: {  	s2 =	simm.s32 $0x6098  }
0x55e: {  	v0 =	vld.msk [tilespmem:s2+$0x0], $0x1;
	_ =	sdelay $0x4  }
0x55f: {  	(v2sf) =	vpush v0, $0x0;
	_ =	sdelay $0xe  }
0x560: {  	s0 =	sadd.s32 $0xFFFFFFFF, s0;
	s3 =	spop (v2sf)  }
0x561: {  	p2 =	sne.s32 s0, $0x0;
	p1 =	sgt.u32 s3, $0x9C7C  }
.Ltmp41:
0x562: {  	s5 =	sand.u32 @!p1 $0xFFF8, s3;
	(pc) =	sbr.rel @!p2 .LBB2_54-.Ltmp41, $4  }
0x563: {  	s2 =	simm.s32 $0x60B8;
	s3 =	sand.u32 @!p1 $0x7, s3;
	s5 =	sadd.s32 @!p1 s4, s5  }
0x564: {  	[hbm4b:s5+s3] =	stream.linear.scatter @!p1 [tilespmem:s2], [sflag:$0x7], $0x20, $0x38;
	[tilespmem:$0x1EC48] =	vst v63  }
0x565: {  	s5 =	simm.s32 $0x0  }
0x566: {  	s3 =	simm.s32 $0x6099;
	s5 =	simm.s32 @!p1 $0x80  }
.LBB2_53:
0x567: {  	v0 =	vld.msk [tilespmem:s3+$0x0], $0x1;
	s0 =	sadd.s32 $0xFFFFFFFF, s0;
	s1 =	sadd.s32 s1, s5  }
0x568: {  	p1 =	sne.s32 s0, $0x0;
	_ =	sdelay $0x3  }
0x569: {  	(v2sf) =	vpush v0, $0x0;
	_ =	sdelay $0xe  }
.Ltmp42:
0x56a: {  	s6 =	spop (v2sf);
	(pc) =	sbr.rel @p1 .LBB2_53-.Ltmp42, $4  }
0x56b: {  	s5 =	simm.s32 $0x0;
	p2 =	sgt.u32 s6, $0x9C7C  }
0x56c: {  	s2 =	sadd.s32 $0x20, s2;
	s5 =	simm.s32 @!p2 $0x80;
	s7 =	sand.u32 @!p2 $0xFFF8, s6  }
0x56d: {  	s3 =	sadd.s32 $0x1, s3;
	s6 =	sand.u32 @!p2 $0x7, s6;
	s7 =	sadd.s32 @!p2 s4, s7  }
0x56e: {  	[hbm4b:s7+s6] =	stream.linear.scatter @!p2 [tilespmem:s2], [sflag:$0x7], $0x20, $0x38;
	[tilespmem:$0x1EC48] =	vst v63  }
.LBB2_54:
0x56f: {  	s0 =	sadd.s32 s1, s5  }
0x570: {  	s1 =	sshrl.u32 s0, $0x2  }
.LBB2_55:
0x571: {  	s0 =	simm.s32 $0x7  }
0x572: {  	_ =	swait.ge [sflag:s0], s1  }
0x573: {  	s31 =	ssub.s32 $0x0, s1;
	[sflag:s0] =	ssyncset.done $0x0  }
0x574: {  	[sflag:s0] =	ssyncadd.s32 s31  }
0x575: {  	[sflag:s0] =	ssyncpa.u1 $0x1  }
.LBB2_56:
0x576: {  	_ =	sfence;
	s0 =	simm.s32 $0x1  }
0x577: {  	[sflag:s0] =	ssyncpa.u1 $0x1  }
0x578: {  	_ =	strace $0x90000047  }
0x579: {  	[bflag:$0x2] =	sbarrier.arrive $0xFFFF  }
0x57a: {  	s0 =	rddreg [dreg:$0x3]  }
0x57b: {  	s0 =	sadd.s32 @!p0 $0x100000, s0  }
0x57c: {  	[sflag:s0] =	ssyncadd.tile.s32 @!p0 $0x1;
	_ =	shalt  }
.Lfunc_end2:
_tile_overlayer_lowered:
.L_overlay_start_2:
0x57d: {  	(tag) =	ssettag $0x2  }
0x57e: {  	s0 =	rddreg [dreg:$0x0];
	s2 =	stileid.u32  }
0x57f: {  	s1 =	rddreg [dreg:$0x1];
	p0 =	sne.s32 s2, $0x0  }
0x580: {  	s3 =	rddreg [dreg:$0x2];
	[bflag:$0x3] =	sbarrier.arrive $0xFFFF;
	s2 =	simm.s32 @!p0 $0x1C01  }
0x581: {  	[timem:s3], [sflag:s2] =	dma.local @!p0 [hbm:s0], s1  }
0x582: {  	s0 =	simm.s32 @!p0 $0x1  }
0x583: {  	_ =	swait.ge @!p0 [sflag:s0], s1  }
0x584: {  	s1 =	ssub.s32 @!p0 $0x0, s1;
	[sflag:s0] =	ssyncset.done @!p0 $0x0  }
0x585: {  	[sflag:s0] =	ssyncadd.s32 @!p0 s1  }
0x586: {  	[bflag:$0x3] =	sbarrier.arrive $0xFFFF  }
0x587: {  	_ =	shalt  }

</sc_bundles>
